<compile_context>
chip_gen: v7x
topology: tpu7x:2x2x1
jax: 0.10.2.dev20260603
libtpu: 0.0.44.dev20260713+nightly
codegen_flags: <defaults>
</compile_context>

<pallas_src>
import functools

import jax
import jax.numpy as jnp
from jax import lax
from jax.experimental import pallas as pl
from jax.experimental.pallas import tpu as pltpu
from jax.experimental.pallas import tpu_sc as plsc

_LANES = 16
_NBUF = 3
_R = 4


def _make_sc_add(B, S, D, rows_per_w):
    R = _R
    n_chunks = rows_per_w // R
    n_groups = n_chunks // _NBUF
    mesh = plsc.VectorSubcoreMesh(core_axis_name="c", subcore_axis_name="s")
    NC = mesh.num_cores

    @functools.partial(
        pl.kernel,
        out_type=jax.ShapeDtypeStruct((B, S, D), jnp.float32),
        mesh=mesh,
        scratch_types=[
            pltpu.VMEM((_NBUF, R, D), jnp.float32),
            pltpu.VMEM((_NBUF, B, R, D), jnp.float32),
            pltpu.VMEM((_NBUF, B, R, D), jnp.float32),
        ]
        + [pltpu.SemaphoreType.DMA] * (2 * _NBUF),
    )
    def sc_add(x_hbm, pos_hbm, out_hbm, pbuf, xbuf, obuf, *sems):
        in_sems = sems[:_NBUF]
        out_sems = sems[_NBUF:]
        wid = lax.axis_index("s") * NC + lax.axis_index("c")
        base = wid * rows_per_w

        def in_descs(ci, k):
            s0 = base + ci * R
            return [
                pltpu.make_async_copy(
                    pos_hbm.at[pl.ds(s0, R)], pbuf.at[k], in_sems[k]
                ),
                pltpu.make_async_copy(
                    x_hbm.at[:, pl.ds(s0, R)], xbuf.at[k], in_sems[k]
                ),
            ]

        def out_descs(ci, k):
            s0 = base + ci * R
            return [
                pltpu.make_async_copy(
                    obuf.at[k], out_hbm.at[:, pl.ds(s0, R)], out_sems[k]
                )
            ]

        def start_in(ci, k):
            for d in in_descs(ci, k):
                d.start()

        def wait_in(ci, k):
            for d in in_descs(ci, k):
                d.wait()

        def start_out(ci, k):
            for d in out_descs(ci, k):
                d.start()

        def wait_out(ci, k):
            for d in out_descs(ci, k):
                d.wait()

        def compute(k):
            for r in range(R):

                def col(i, carry3):
                    c = i * _LANES
                    p = pbuf[k, r, pl.ds(c, _LANES)]
                    for b in range(B):
                        obuf[k, b, r, pl.ds(c, _LANES)] = (
                            xbuf[k, b, r, pl.ds(c, _LANES)] + p
                        )
                    return carry3

                lax.fori_loop(0, D // _LANES, col, 0)

        for k in range(_NBUF):
            start_in(k, k)

        def group(g, carry):
            for k in range(_NBUF):
                ci = g * _NBUF + k
                wait_in(ci, k)

                @pl.when(g > 0)
                def _():
                    wait_out(ci - _NBUF, k)

                compute(k)
                start_out(ci, k)

                @pl.when(g < n_groups - 1)
                def _():
                    start_in(ci + _NBUF, k)

            return carry

        lax.fori_loop(0, n_groups, group, 0)
        done = n_groups * _NBUF
        rem = n_chunks - done
        last_out = [done - _NBUF + k for k in range(_NBUF)]
        for j in range(rem):
            ci = done + j
            k = ci % _NBUF
            wait_out(last_out[k], k)
            start_in(ci, k)
            wait_in(ci, k)
            compute(k)
            start_out(ci, k)
            last_out[k] = ci
        for k in range(_NBUF):
            wait_out(last_out[k], k)

    return sc_add


def kernel(x, pos_embedding):
    B, S, D = x.shape
    NW = 32
    rows_per_w = S // NW
    sc_add = _make_sc_add(B, S, D, rows_per_w)
    return sc_add(x, pos_embedding[:S])

# --- scband reference (transcript-rebuilt; emitter-appended) ---
"""Pipeline reference for scband-learnable-positional-embedding-80599356277174 (READ-ONLY COPY).

The authoritative reference and input builder live on the scoring server;
editing this copy changes nothing except your own understanding.
"""

import jax, jax.numpy as jnp
import numpy as np

MAX_SEQ_LEN = 8192
D_MODEL = 1024
BATCH = 4
SEQ_LEN = 8192


def setup_inputs(seed: int = 0) -> dict:
    key = jax.random.key(seed)
    k_x, k_emb = jax.random.split(key)
    x = jax.random.normal(k_x, (BATCH, SEQ_LEN, D_MODEL), dtype=jnp.float32)
    pos_embedding = jax.random.normal(k_emb, (MAX_SEQ_LEN, D_MODEL), dtype=jnp.float32) * 0.02
    return {"x": x, "pos_embedding": pos_embedding}


def reference(x, pos_embedding):
    batch_size, seq_len, _ = x.shape
    positions = jnp.arange(0, seq_len, dtype=jnp.int32)
    positions = jnp.broadcast_to(positions[None, :], (batch_size, seq_len))
    pos_emb = jnp.take(pos_embedding, positions, axis=0)  # (B, S, D)
    return x + pos_emb

if __name__ == "__main__":
    import jax
    _d = setup_inputs()
    print(jax.jit(kernel)(*tuple(_d.values())))

</pallas_src>

<mosaic_0001>
#map = affine_map<(d0, d1) -> (0, 0, 0)>
#map1 = affine_map<(d0, d1) -> (0, 0)>
module attributes {stable_mosaic.version = 14 : i64} {
  func.func @sc_add(%arg0: i32, %arg1: i32, %arg2: memref<4x8192x1024xf32, #tpu.memory_space<hbm>>, %arg3: memref<8192x1024xf32, #tpu.memory_space<hbm>>, %arg4: memref<4x8192x1024xf32, #tpu.memory_space<hbm>>, %arg5: memref<3x4x1024xf32, #tpu.memory_space<vmem>>, %arg6: memref<3x4x4x1024xf32, #tpu.memory_space<vmem>>, %arg7: memref<3x4x4x1024xf32, #tpu.memory_space<vmem>>, %arg8: memref<!tpu.dma_semaphore, #tpu.memory_space<semaphore_mem>>, %arg9: memref<!tpu.dma_semaphore, #tpu.memory_space<semaphore_mem>>, %arg10: memref<!tpu.dma_semaphore, #tpu.memory_space<semaphore_mem>>, %arg11: memref<!tpu.dma_semaphore, #tpu.memory_space<semaphore_mem>>, %arg12: memref<!tpu.dma_semaphore, #tpu.memory_space<semaphore_mem>>, %arg13: memref<!tpu.dma_semaphore, #tpu.memory_space<semaphore_mem>>) attributes {dimension_semantics = [#tpu.dimension_semantics<core_parallel>, #tpu.dimension_semantics<subcore_parallel>], iteration_bounds = array<i64: 2, 16>, scalar_prefetch = 0 : i64, scratch_operands = 9 : i64, tpu.core_type = #tpu.core_type<sc_vector_subcore>, window_params = [{transform_indices = #map}, {transform_indices = #map1}, {transform_indices = #map}]} {
    %mul3A = arith.constant 2 : i32
    %mul3A_0 = arith.muli %arg1, %mul3A : i32
    %add3A = arith.addi %mul3A_0, %arg0 : i32
    %mul3A_1 = arith.constant 256 : i32
    %mul3A_2 = arith.muli %add3A, %mul3A_1 : i32
    %add3A_3 = arith.constant 0 : i32
    %add3A_4 = arith.addi %mul3A_2, %add3A_3 : i32
    %dma_start3A = arith.constant 0 : i32
    %dma_start3A_5 = arith.constant 0 : i32
    %dma_start3A_6 = arith.constant 0 : i32
    %dma_start3A_7 = tpu.memref_slice %arg5[%dma_start3A, %dma_start3A_5, %dma_start3A_6] : memref<3x4x1024xf32, #tpu.memory_space<vmem>> -> memref<1x4x1024xf32, #tpu.memory_space<vmem>>
    %dma_start3A_8 = tpu.memref_squeeze %dma_start3A_7 : memref<1x4x1024xf32, #tpu.memory_space<vmem>> -> memref<4x1024xf32, #tpu.memory_space<vmem>>
    %dma_start3A_9 = arith.constant 0 : i32
    %dma_start3A_10 = tpu.memref_slice %arg3[%add3A_4, %dma_start3A_9] : memref<8192x1024xf32, #tpu.memory_space<hbm>> -> memref<4x1024xf32, #tpu.memory_space<hbm>>
    %dma_start3A_11 = arith.constant 0 : i32
    %dma_start3A_12 = arith.constant 0 : i32
    %dma_start3A_13 = tpu.memref_slice %arg5[%dma_start3A, %dma_start3A_11, %dma_start3A_12] : memref<3x4x1024xf32, #tpu.memory_space<vmem>> -> memref<1x4x1024xf32, #tpu.memory_space<vmem>>
    %dma_start3A_14 = tpu.memref_squeeze %dma_start3A_13 : memref<1x4x1024xf32, #tpu.memory_space<vmem>> -> memref<4x1024xf32, #tpu.memory_space<vmem>>
    %dma_start3A_15 = arith.constant 0 : i32
    %dma_start3A_16 = tpu.memref_slice %arg3[%add3A_4, %dma_start3A_15] : memref<8192x1024xf32, #tpu.memory_space<hbm>> -> memref<4x1024xf32, #tpu.memory_space<hbm>>
    tpu.enqueue_dma source(%dma_start3A_16 : memref<4x1024xf32, #tpu.memory_space<hbm>>) target(%dma_start3A_14 : memref<4x1024xf32, #tpu.memory_space<vmem>>) target_semaphore(%arg8 : memref<!tpu.dma_semaphore, #tpu.memory_space<semaphore_mem>>)
    %dma_start3A_17 = arith.constant 0 : i32
    %dma_start3A_18 = arith.constant 0 : i32
    %dma_start3A_19 = arith.constant 0 : i32
    %dma_start3A_20 = arith.constant 0 : i32
    %dma_start3A_21 = tpu.memref_slice %arg6[%dma_start3A_17, %dma_start3A_18, %dma_start3A_19, %dma_start3A_20] : memref<3x4x4x1024xf32, #tpu.memory_space<vmem>> -> memref<1x4x4x1024xf32, #tpu.memory_space<vmem>>
    %dma_start3A_22 = tpu.memref_squeeze %dma_start3A_21 : memref<1x4x4x1024xf32, #tpu.memory_space<vmem>> -> memref<4x4x1024xf32, #tpu.memory_space<vmem>>
    %dma_start3A_23 = arith.constant 0 : i32
    %dma_start3A_24 = arith.constant 0 : i32
    %dma_start3A_25 = tpu.memref_slice %arg2[%dma_start3A_23, %add3A_4, %dma_start3A_24] : memref<4x8192x1024xf32, #tpu.memory_space<hbm>> -> memref<4x4x1024xf32, #tpu.memory_space<hbm>>
    %dma_start3A_26 = arith.constant 0 : i32
    %dma_start3A_27 = arith.constant 0 : i32
    %dma_start3A_28 = arith.constant 0 : i32
    %dma_start3A_29 = tpu.memref_slice %arg6[%dma_start3A_17, %dma_start3A_26, %dma_start3A_27, %dma_start3A_28] : memref<3x4x4x1024xf32, #tpu.memory_space<vmem>> -> memref<1x4x4x1024xf32, #tpu.memory_space<vmem>>
    %dma_start3A_30 = tpu.memref_squeeze %dma_start3A_29 : memref<1x4x4x1024xf32, #tpu.memory_space<vmem>> -> memref<4x4x1024xf32, #tpu.memory_space<vmem>>
    %dma_start3A_31 = arith.constant 0 : i32
    %dma_start3A_32 = arith.constant 0 : i32
    %dma_start3A_33 = tpu.memref_slice %arg2[%dma_start3A_31, %add3A_4, %dma_start3A_32] : memref<4x8192x1024xf32, #tpu.memory_space<hbm>> -> memref<4x4x1024xf32, #tpu.memory_space<hbm>>
    tpu.enqueue_dma source(%dma_start3A_33 : memref<4x4x1024xf32, #tpu.memory_space<hbm>>) target(%dma_start3A_30 : memref<4x4x1024xf32, #tpu.memory_space<vmem>>) target_semaphore(%arg8 : memref<!tpu.dma_semaphore, #tpu.memory_space<semaphore_mem>>)
    %add3A_34 = arith.constant 4 : i32
    %add3A_35 = arith.addi %mul3A_2, %add3A_34 : i32
    %dma_start3A_36 = arith.constant 1 : i32
    %dma_start3A_37 = arith.constant 0 : i32
    %dma_start3A_38 = arith.constant 0 : i32
    %dma_start3A_39 = tpu.memref_slice %arg5[%dma_start3A_36, %dma_start3A_37, %dma_start3A_38] : memref<3x4x1024xf32, #tpu.memory_space<vmem>> -> memref<1x4x1024xf32, #tpu.memory_space<vmem>>
    %dma_start3A_40 = tpu.memref_squeeze %dma_start3A_39 : memref<1x4x1024xf32, #tpu.memory_space<vmem>> -> memref<4x1024xf32, #tpu.memory_space<vmem>>
    %dma_start3A_41 = arith.constant 0 : i32
    %dma_start3A_42 = tpu.memref_slice %arg3[%add3A_35, %dma_start3A_41] : memref<8192x1024xf32, #tpu.memory_space<hbm>> -> memref<4x1024xf32, #tpu.memory_space<hbm>>
    %dma_start3A_43 = arith.constant 0 : i32
    %dma_start3A_44 = arith.constant 0 : i32
    %dma_start3A_45 = tpu.memref_slice %arg5[%dma_start3A_36, %dma_start3A_43, %dma_start3A_44] : memref<3x4x1024xf32, #tpu.memory_space<vmem>> -> memref<1x4x1024xf32, #tpu.memory_space<vmem>>
    %dma_start3A_46 = tpu.memref_squeeze %dma_start3A_45 : memref<1x4x1024xf32, #tpu.memory_space<vmem>> -> memref<4x1024xf32, #tpu.memory_space<vmem>>
    %dma_start3A_47 = arith.constant 0 : i32
    %dma_start3A_48 = tpu.memref_slice %arg3[%add3A_35, %dma_start3A_47] : memref<8192x1024xf32, #tpu.memory_space<hbm>> -> memref<4x1024xf32, #tpu.memory_space<hbm>>
    tpu.enqueue_dma source(%dma_start3A_48 : memref<4x1024xf32, #tpu.memory_space<hbm>>) target(%dma_start3A_46 : memref<4x1024xf32, #tpu.memory_space<vmem>>) target_semaphore(%arg9 : memref<!tpu.dma_semaphore, #tpu.memory_space<semaphore_mem>>)
    %dma_start3A_49 = arith.constant 1 : i32
    %dma_start3A_50 = arith.constant 0 : i32
    %dma_start3A_51 = arith.constant 0 : i32
    %dma_start3A_52 = arith.constant 0 : i32
    %dma_start3A_53 = tpu.memref_slice %arg6[%dma_start3A_49, %dma_start3A_50, %dma_start3A_51, %dma_start3A_52] : memref<3x4x4x1024xf32, #tpu.memory_space<vmem>> -> memref<1x4x4x1024xf32, #tpu.memory_space<vmem>>
    %dma_start3A_54 = tpu.memref_squeeze %dma_start3A_53 : memref<1x4x4x1024xf32, #tpu.memory_space<vmem>> -> memref<4x4x1024xf32, #tpu.memory_space<vmem>>
    %dma_start3A_55 = arith.constant 0 : i32
    %dma_start3A_56 = arith.constant 0 : i32
    %dma_start3A_57 = tpu.memref_slice %arg2[%dma_start3A_55, %add3A_35, %dma_start3A_56] : memref<4x8192x1024xf32, #tpu.memory_space<hbm>> -> memref<4x4x1024xf32, #tpu.memory_space<hbm>>
    %dma_start3A_58 = arith.constant 0 : i32
    %dma_start3A_59 = arith.constant 0 : i32
    %dma_start3A_60 = arith.constant 0 : i32
    %dma_start3A_61 = tpu.memref_slice %arg6[%dma_start3A_49, %dma_start3A_58, %dma_start3A_59, %dma_start3A_60] : memref<3x4x4x1024xf32, #tpu.memory_space<vmem>> -> memref<1x4x4x1024xf32, #tpu.memory_space<vmem>>
    %dma_start3A_62 = tpu.memref_squeeze %dma_start3A_61 : memref<1x4x4x1024xf32, #tpu.memory_space<vmem>> -> memref<4x4x1024xf32, #tpu.memory_space<vmem>>
    %dma_start3A_63 = arith.constant 0 : i32
    %dma_start3A_64 = arith.constant 0 : i32
    %dma_start3A_65 = tpu.memref_slice %arg2[%dma_start3A_63, %add3A_35, %dma_start3A_64] : memref<4x8192x1024xf32, #tpu.memory_space<hbm>> -> memref<4x4x1024xf32, #tpu.memory_space<hbm>>
    tpu.enqueue_dma source(%dma_start3A_65 : memref<4x4x1024xf32, #tpu.memory_space<hbm>>) target(%dma_start3A_62 : memref<4x4x1024xf32, #tpu.memory_space<vmem>>) target_semaphore(%arg9 : memref<!tpu.dma_semaphore, #tpu.memory_space<semaphore_mem>>)
    %add3A_66 = arith.constant 8 : i32
    %add3A_67 = arith.addi %mul3A_2, %add3A_66 : i32
    %dma_start3A_68 = arith.constant 2 : i32
    %dma_start3A_69 = arith.constant 0 : i32
    %dma_start3A_70 = arith.constant 0 : i32
    %dma_start3A_71 = tpu.memref_slice %arg5[%dma_start3A_68, %dma_start3A_69, %dma_start3A_70] : memref<3x4x1024xf32, #tpu.memory_space<vmem>> -> memref<1x4x1024xf32, #tpu.memory_space<vmem>>
    %dma_start3A_72 = tpu.memref_squeeze %dma_start3A_71 : memref<1x4x1024xf32, #tpu.memory_space<vmem>> -> memref<4x1024xf32, #tpu.memory_space<vmem>>
    %dma_start3A_73 = arith.constant 0 : i32
    %dma_start3A_74 = tpu.memref_slice %arg3[%add3A_67, %dma_start3A_73] : memref<8192x1024xf32, #tpu.memory_space<hbm>> -> memref<4x1024xf32, #tpu.memory_space<hbm>>
    %dma_start3A_75 = arith.constant 0 : i32
    %dma_start3A_76 = arith.constant 0 : i32
    %dma_start3A_77 = tpu.memref_slice %arg5[%dma_start3A_68, %dma_start3A_75, %dma_start3A_76] : memref<3x4x1024xf32, #tpu.memory_space<vmem>> -> memref<1x4x1024xf32, #tpu.memory_space<vmem>>
    %dma_start3A_78 = tpu.memref_squeeze %dma_start3A_77 : memref<1x4x1024xf32, #tpu.memory_space<vmem>> -> memref<4x1024xf32, #tpu.memory_space<vmem>>
    %dma_start3A_79 = arith.constant 0 : i32
    %dma_start3A_80 = tpu.memref_slice %arg3[%add3A_67, %dma_start3A_79] : memref<8192x1024xf32, #tpu.memory_space<hbm>> -> memref<4x1024xf32, #tpu.memory_space<hbm>>
    tpu.enqueue_dma source(%dma_start3A_80 : memref<4x1024xf32, #tpu.memory_space<hbm>>) target(%dma_start3A_78 : memref<4x1024xf32, #tpu.memory_space<vmem>>) target_semaphore(%arg10 : memref<!tpu.dma_semaphore, #tpu.memory_space<semaphore_mem>>)
    %dma_start3A_81 = arith.constant 2 : i32
    %dma_start3A_82 = arith.constant 0 : i32
    %dma_start3A_83 = arith.constant 0 : i32
    %dma_start3A_84 = arith.constant 0 : i32
    %dma_start3A_85 = tpu.memref_slice %arg6[%dma_start3A_81, %dma_start3A_82, %dma_start3A_83, %dma_start3A_84] : memref<3x4x4x1024xf32, #tpu.memory_space<vmem>> -> memref<1x4x4x1024xf32, #tpu.memory_space<vmem>>
    %dma_start3A_86 = tpu.memref_squeeze %dma_start3A_85 : memref<1x4x4x1024xf32, #tpu.memory_space<vmem>> -> memref<4x4x1024xf32, #tpu.memory_space<vmem>>
    %dma_start3A_87 = arith.constant 0 : i32
    %dma_start3A_88 = arith.constant 0 : i32
    %dma_start3A_89 = tpu.memref_slice %arg2[%dma_start3A_87, %add3A_67, %dma_start3A_88] : memref<4x8192x1024xf32, #tpu.memory_space<hbm>> -> memref<4x4x1024xf32, #tpu.memory_space<hbm>>
    %dma_start3A_90 = arith.constant 0 : i32
    %dma_start3A_91 = arith.constant 0 : i32
    %dma_start3A_92 = arith.constant 0 : i32
    %dma_start3A_93 = tpu.memref_slice %arg6[%dma_start3A_81, %dma_start3A_90, %dma_start3A_91, %dma_start3A_92] : memref<3x4x4x1024xf32, #tpu.memory_space<vmem>> -> memref<1x4x4x1024xf32, #tpu.memory_space<vmem>>
    %dma_start3A_94 = tpu.memref_squeeze %dma_start3A_93 : memref<1x4x4x1024xf32, #tpu.memory_space<vmem>> -> memref<4x4x1024xf32, #tpu.memory_space<vmem>>
    %dma_start3A_95 = arith.constant 0 : i32
    %dma_start3A_96 = arith.constant 0 : i32
    %dma_start3A_97 = tpu.memref_slice %arg2[%dma_start3A_95, %add3A_67, %dma_start3A_96] : memref<4x8192x1024xf32, #tpu.memory_space<hbm>> -> memref<4x4x1024xf32, #tpu.memory_space<hbm>>
    tpu.enqueue_dma source(%dma_start3A_97 : memref<4x4x1024xf32, #tpu.memory_space<hbm>>) target(%dma_start3A_94 : memref<4x4x1024xf32, #tpu.memory_space<vmem>>) target_semaphore(%arg10 : memref<!tpu.dma_semaphore, #tpu.memory_space<semaphore_mem>>)
    %scan3A = arith.constant 0 : i32
    %scan3A_98 = arith.constant 0 : i32
    %scan3A_99 = arith.constant 21 : i32
    %scan3A_100 = arith.addi %scan3A_98, %scan3A_99 : i32
    %scan3A_101 = arith.constant 1 : i32
    scf.for %scan3A_285 = %scan3A_98 to %scan3A_100 step %scan3A_101  : i32 {
      %mul3A_286 = arith.constant 3 : i32
      %mul3A_287 = arith.muli %scan3A_285, %mul3A_286 : i32
      %add3A_288 = arith.constant 0 : i32
      %add3A_289 = arith.addi %mul3A_287, %add3A_288 : i32
      %mul3A_290 = arith.constant 4 : i32
      %mul3A_291 = arith.muli %add3A_289, %mul3A_290 : i32
      %add3A_292 = arith.addi %mul3A_2, %mul3A_291 : i32
      %dma_wait3A_293 = arith.constant 0 : i32
      %dma_wait3A_294 = arith.constant 0 : i32
      %dma_wait3A_295 = arith.constant 0 : i32
      %dma_wait3A_296 = tpu.memref_slice %arg5[%dma_wait3A_293, %dma_wait3A_294, %dma_wait3A_295] : memref<3x4x1024xf32, #tpu.memory_space<vmem>> -> memref<1x4x1024xf32, #tpu.memory_space<vmem>>
      %dma_wait3A_297 = tpu.memref_squeeze %dma_wait3A_296 : memref<1x4x1024xf32, #tpu.memory_space<vmem>> -> memref<4x1024xf32, #tpu.memory_space<vmem>>
      %dma_wait3A_298 = arith.constant 0 : i32
      %dma_wait3A_299 = tpu.memref_slice %arg3[%add3A_292, %dma_wait3A_298] : memref<8192x1024xf32, #tpu.memory_space<hbm>> -> memref<4x1024xf32, #tpu.memory_space<hbm>>
      %dma_wait3A_300 = arith.constant 0 : i32
      %dma_wait3A_301 = arith.constant 0 : i32
      %dma_wait3A_302 = tpu.memref_slice %arg5[%dma_wait3A_293, %dma_wait3A_300, %dma_wait3A_301] : memref<3x4x1024xf32, #tpu.memory_space<vmem>> -> memref<1x4x1024xf32, #tpu.memory_space<vmem>>
      %dma_wait3A_303 = tpu.memref_squeeze %dma_wait3A_302 : memref<1x4x1024xf32, #tpu.memory_space<vmem>> -> memref<4x1024xf32, #tpu.memory_space<vmem>>
      %dma_wait3A_304 = arith.constant 0 : i32
      %dma_wait3A_305 = tpu.memref_slice %arg3[%add3A_292, %dma_wait3A_304] : memref<8192x1024xf32, #tpu.memory_space<hbm>> -> memref<4x1024xf32, #tpu.memory_space<hbm>>
      tpu.wait_dma2 semaphore(%arg8 : memref<!tpu.dma_semaphore, #tpu.memory_space<semaphore_mem>>) src(%dma_wait3A_305 : memref<4x1024xf32, #tpu.memory_space<hbm>>) dst(%dma_wait3A_303 : memref<4x1024xf32, #tpu.memory_space<vmem>>)
      %dma_wait3A_306 = arith.constant 0 : i32
      %dma_wait3A_307 = arith.constant 0 : i32
      %dma_wait3A_308 = arith.constant 0 : i32
      %dma_wait3A_309 = arith.constant 0 : i32
      %dma_wait3A_310 = tpu.memref_slice %arg6[%dma_wait3A_306, %dma_wait3A_307, %dma_wait3A_308, %dma_wait3A_309] : memref<3x4x4x1024xf32, #tpu.memory_space<vmem>> -> memref<1x4x4x1024xf32, #tpu.memory_space<vmem>>
      %dma_wait3A_311 = tpu.memref_squeeze %dma_wait3A_310 : memref<1x4x4x1024xf32, #tpu.memory_space<vmem>> -> memref<4x4x1024xf32, #tpu.memory_space<vmem>>
      %dma_wait3A_312 = arith.constant 0 : i32
      %dma_wait3A_313 = arith.constant 0 : i32
      %dma_wait3A_314 = tpu.memref_slice %arg2[%dma_wait3A_312, %add3A_292, %dma_wait3A_313] : memref<4x8192x1024xf32, #tpu.memory_space<hbm>> -> memref<4x4x1024xf32, #tpu.memory_space<hbm>>
      %dma_wait3A_315 = arith.constant 0 : i32
      %dma_wait3A_316 = arith.constant 0 : i32
      %dma_wait3A_317 = arith.constant 0 : i32
      %dma_wait3A_318 = tpu.memref_slice %arg6[%dma_wait3A_306, %dma_wait3A_315, %dma_wait3A_316, %dma_wait3A_317] : memref<3x4x4x1024xf32, #tpu.memory_space<vmem>> -> memref<1x4x4x1024xf32, #tpu.memory_space<vmem>>
      %dma_wait3A_319 = tpu.memref_squeeze %dma_wait3A_318 : memref<1x4x4x1024xf32, #tpu.memory_space<vmem>> -> memref<4x4x1024xf32, #tpu.memory_space<vmem>>
      %dma_wait3A_320 = arith.constant 0 : i32
      %dma_wait3A_321 = arith.constant 0 : i32
      %dma_wait3A_322 = tpu.memref_slice %arg2[%dma_wait3A_320, %add3A_292, %dma_wait3A_321] : memref<4x8192x1024xf32, #tpu.memory_space<hbm>> -> memref<4x4x1024xf32, #tpu.memory_space<hbm>>
      tpu.wait_dma2 semaphore(%arg8 : memref<!tpu.dma_semaphore, #tpu.memory_space<semaphore_mem>>) src(%dma_wait3A_322 : memref<4x4x1024xf32, #tpu.memory_space<hbm>>) dst(%dma_wait3A_319 : memref<4x4x1024xf32, #tpu.memory_space<vmem>>)
      %gt3A = arith.constant 0 : i32
      %gt3A_323 = arith.cmpi sgt, %scan3A_285, %gt3A : i32
      %convert_element_type3A = arith.extui %gt3A_323 : i1 to i32
      %cond3A = arith.constant 0 : i32
      %cond3A_324 = arith.cmpi ne, %convert_element_type3A, %cond3A : i32
      scf.if %cond3A_324 {
        %sub3A = arith.constant 3 : i32
        %sub3A_555 = arith.subi %add3A_289, %sub3A : i32
        %mul3A_556 = arith.constant 4 : i32
        %mul3A_557 = arith.muli %sub3A_555, %mul3A_556 : i32
        %add3A_558 = arith.addi %mul3A_2, %mul3A_557 : i32
        %dma_wait3A_559 = arith.constant 0 : i32
        %dma_wait3A_560 = arith.constant 0 : i32
        %dma_wait3A_561 = arith.constant 0 : i32
        %dma_wait3A_562 = arith.constant 0 : i32
        %dma_wait3A_563 = tpu.memref_slice %arg7[%dma_wait3A_559, %dma_wait3A_560, %dma_wait3A_561, %dma_wait3A_562] : memref<3x4x4x1024xf32, #tpu.memory_space<vmem>> -> memref<1x4x4x1024xf32, #tpu.memory_space<vmem>>
        %dma_wait3A_564 = tpu.memref_squeeze %dma_wait3A_563 : memref<1x4x4x1024xf32, #tpu.memory_space<vmem>> -> memref<4x4x1024xf32, #tpu.memory_space<vmem>>
        %dma_wait3A_565 = arith.constant 0 : i32
        %dma_wait3A_566 = arith.constant 0 : i32
        %dma_wait3A_567 = tpu.memref_slice %arg4[%dma_wait3A_565, %add3A_558, %dma_wait3A_566] : memref<4x8192x1024xf32, #tpu.memory_space<hbm>> -> memref<4x4x1024xf32, #tpu.memory_space<hbm>>
        %dma_wait3A_568 = arith.constant 0 : i32
        %dma_wait3A_569 = arith.constant 0 : i32
        %dma_wait3A_570 = tpu.memref_slice %arg4[%dma_wait3A_568, %add3A_558, %dma_wait3A_569] : memref<4x8192x1024xf32, #tpu.memory_space<hbm>> -> memref<4x4x1024xf32, #tpu.memory_space<hbm>>
        %dma_wait3A_571 = arith.constant 0 : i32
        %dma_wait3A_572 = arith.constant 0 : i32
        %dma_wait3A_573 = arith.constant 0 : i32
        %dma_wait3A_574 = tpu.memref_slice %arg7[%dma_wait3A_559, %dma_wait3A_571, %dma_wait3A_572, %dma_wait3A_573] : memref<3x4x4x1024xf32, #tpu.memory_space<vmem>> -> memref<1x4x4x1024xf32, #tpu.memory_space<vmem>>
        %dma_wait3A_575 = tpu.memref_squeeze %dma_wait3A_574 : memref<1x4x4x1024xf32, #tpu.memory_space<vmem>> -> memref<4x4x1024xf32, #tpu.memory_space<vmem>>
        tpu.wait_dma2 semaphore(%arg11 : memref<!tpu.dma_semaphore, #tpu.memory_space<semaphore_mem>>) src(%dma_wait3A_575 : memref<4x4x1024xf32, #tpu.memory_space<vmem>>) dst(%dma_wait3A_570 : memref<4x4x1024xf32, #tpu.memory_space<hbm>>)
      } else {
      }
      %scan3A_325 = arith.constant 0 : i32
      %scan3A_326 = arith.constant 0 : i32
      %scan3A_327 = arith.constant 64 : i32
      %scan3A_328 = arith.addi %scan3A_326, %scan3A_327 : i32
      %scan3A_329 = arith.constant 1 : i32
      scf.for %scan3A_555 = %scan3A_326 to %scan3A_328 step %scan3A_329  : i32 {
        %mul3A_556 = arith.constant 16 : i32
        %mul3A_557 = arith.muli %scan3A_555, %mul3A_556 : i32
        %get3A = arith.constant 0 : i32
        %get3A_558 = arith.constant 0 : i32
        %get3A_559 = arith.index_cast %get3A : i32 to index
        %get3A_560 = arith.index_cast %get3A_558 : i32 to index
        %get3A_561 = arith.index_cast %mul3A_557 : i32 to index
        %get3A_562 = tpu.vector_load %arg5[%get3A_559, %get3A_560, %get3A_561] {strides = array<i32>} : memref<3x4x1024xf32, #tpu.memory_space<vmem>>, vector<1x1x16xf32>,
        %get3A_563 = vector.shape_cast %get3A_562 : vector<1x1x16xf32> to vector<16xf32>
        %get3A_564 = arith.constant 0 : i32
        %get3A_565 = arith.constant 0 : i32
        %get3A_566 = arith.constant 0 : i32
        %get3A_567 = arith.index_cast %get3A_564 : i32 to index
        %get3A_568 = arith.index_cast %get3A_565 : i32 to index
        %get3A_569 = arith.index_cast %get3A_566 : i32 to index
        %get3A_570 = arith.index_cast %mul3A_557 : i32 to index
        %get3A_571 = tpu.vector_load %arg6[%get3A_567, %get3A_568, %get3A_569, %get3A_570] {strides = array<i32>} : memref<3x4x4x1024xf32, #tpu.memory_space<vmem>>, vector<1x1x1x16xf32>,
        %get3A_572 = vector.shape_cast %get3A_571 : vector<1x1x1x16xf32> to vector<16xf32>
        %add3A_573 = arith.addf %get3A_572, %get3A_563 : vector<16xf32>
        %swap3A = arith.constant 0 : i32
        %swap3A_574 = arith.constant 0 : i32
        %swap3A_575 = arith.constant 0 : i32
        %swap3A_576 = arith.index_cast %swap3A : i32 to index
        %swap3A_577 = arith.index_cast %swap3A_574 : i32 to index
        %swap3A_578 = arith.index_cast %swap3A_575 : i32 to index
        %swap3A_579 = arith.index_cast %mul3A_557 : i32 to index
        %swap3A_580 = tpu.vector_load %arg7[%swap3A_576, %swap3A_577, %swap3A_578, %swap3A_579] {strides = array<i32>} : memref<3x4x4x1024xf32, #tpu.memory_space<vmem>>, vector<1x1x1x16xf32>,
        %swap3A_581 = vector.shape_cast %swap3A_580 : vector<1x1x1x16xf32> to vector<16xf32>
        %swap3A_582 = vector.shape_cast %add3A_573 : vector<16xf32> to vector<1x1x1x16xf32>
        tpu.vector_store %arg7[%swap3A_576, %swap3A_577, %swap3A_578, %swap3A_579], %swap3A_582 {strides = array<i32>} : memref<3x4x4x1024xf32, #tpu.memory_space<vmem>>, vector<1x1x1x16xf32>,
        %get3A_583 = arith.constant 0 : i32
        %get3A_584 = arith.constant 1 : i32
        %get3A_585 = arith.constant 0 : i32
        %get3A_586 = arith.index_cast %get3A_583 : i32 to index
        %get3A_587 = arith.index_cast %get3A_584 : i32 to index
        %get3A_588 = arith.index_cast %get3A_585 : i32 to index
        %get3A_589 = arith.index_cast %mul3A_557 : i32 to index
        %get3A_590 = tpu.vector_load %arg6[%get3A_586, %get3A_587, %get3A_588, %get3A_589] {strides = array<i32>} : memref<3x4x4x1024xf32, #tpu.memory_space<vmem>>, vector<1x1x1x16xf32>,
        %get3A_591 = vector.shape_cast %get3A_590 : vector<1x1x1x16xf32> to vector<16xf32>
        %add3A_592 = arith.addf %get3A_591, %get3A_563 : vector<16xf32>
        %swap3A_593 = arith.constant 0 : i32
        %swap3A_594 = arith.constant 1 : i32
        %swap3A_595 = arith.constant 0 : i32
        %swap3A_596 = arith.index_cast %swap3A_593 : i32 to index
        %swap3A_597 = arith.index_cast %swap3A_594 : i32 to index
        %swap3A_598 = arith.index_cast %swap3A_595 : i32 to index
        %swap3A_599 = arith.index_cast %mul3A_557 : i32 to index
        %swap3A_600 = tpu.vector_load %arg7[%swap3A_596, %swap3A_597, %swap3A_598, %swap3A_599] {strides = array<i32>} : memref<3x4x4x1024xf32, #tpu.memory_space<vmem>>, vector<1x1x1x16xf32>,
        %swap3A_601 = vector.shape_cast %swap3A_600 : vector<1x1x1x16xf32> to vector<16xf32>
        %swap3A_602 = vector.shape_cast %add3A_592 : vector<16xf32> to vector<1x1x1x16xf32>
        tpu.vector_store %arg7[%swap3A_596, %swap3A_597, %swap3A_598, %swap3A_599], %swap3A_602 {strides = array<i32>} : memref<3x4x4x1024xf32, #tpu.memory_space<vmem>>, vector<1x1x1x16xf32>,
        %get3A_603 = arith.constant 0 : i32
        %get3A_604 = arith.constant 2 : i32
        %get3A_605 = arith.constant 0 : i32
        %get3A_606 = arith.index_cast %get3A_603 : i32 to index
        %get3A_607 = arith.index_cast %get3A_604 : i32 to index
        %get3A_608 = arith.index_cast %get3A_605 : i32 to index
        %get3A_609 = arith.index_cast %mul3A_557 : i32 to index
        %get3A_610 = tpu.vector_load %arg6[%get3A_606, %get3A_607, %get3A_608, %get3A_609] {strides = array<i32>} : memref<3x4x4x1024xf32, #tpu.memory_space<vmem>>, vector<1x1x1x16xf32>,
        %get3A_611 = vector.shape_cast %get3A_610 : vector<1x1x1x16xf32> to vector<16xf32>
        %add3A_612 = arith.addf %get3A_611, %get3A_563 : vector<16xf32>
        %swap3A_613 = arith.constant 0 : i32
        %swap3A_614 = arith.constant 2 : i32
        %swap3A_615 = arith.constant 0 : i32
        %swap3A_616 = arith.index_cast %swap3A_613 : i32 to index
        %swap3A_617 = arith.index_cast %swap3A_614 : i32 to index
        %swap3A_618 = arith.index_cast %swap3A_615 : i32 to index
        %swap3A_619 = arith.index_cast %mul3A_557 : i32 to index
        %swap3A_620 = tpu.vector_load %arg7[%swap3A_616, %swap3A_617, %swap3A_618, %swap3A_619] {strides = array<i32>} : memref<3x4x4x1024xf32, #tpu.memory_space<vmem>>, vector<1x1x1x16xf32>,
        %swap3A_621 = vector.shape_cast %swap3A_620 : vector<1x1x1x16xf32> to vector<16xf32>
        %swap3A_622 = vector.shape_cast %add3A_612 : vector<16xf32> to vector<1x1x1x16xf32>
        tpu.vector_store %arg7[%swap3A_616, %swap3A_617, %swap3A_618, %swap3A_619], %swap3A_622 {strides = array<i32>} : memref<3x4x4x1024xf32, #tpu.memory_space<vmem>>, vector<1x1x1x16xf32>,
        %get3A_623 = arith.constant 0 : i32
        %get3A_624 = arith.constant 3 : i32
        %get3A_625 = arith.constant 0 : i32
        %get3A_626 = arith.index_cast %get3A_623 : i32 to index
        %get3A_627 = arith.index_cast %get3A_624 : i32 to index
        %get3A_628 = arith.index_cast %get3A_625 : i32 to index
        %get3A_629 = arith.index_cast %mul3A_557 : i32 to index
        %get3A_630 = tpu.vector_load %arg6[%get3A_626, %get3A_627, %get3A_628, %get3A_629] {strides = array<i32>} : memref<3x4x4x1024xf32, #tpu.memory_space<vmem>>, vector<1x1x1x16xf32>,
        %get3A_631 = vector.shape_cast %get3A_630 : vector<1x1x1x16xf32> to vector<16xf32>
        %add3A_632 = arith.addf %get3A_631, %get3A_563 : vector<16xf32>
        %swap3A_633 = arith.constant 0 : i32
        %swap3A_634 = arith.constant 3 : i32
        %swap3A_635 = arith.constant 0 : i32
        %swap3A_636 = arith.index_cast %swap3A_633 : i32 to index
        %swap3A_637 = arith.index_cast %swap3A_634 : i32 to index
        %swap3A_638 = arith.index_cast %swap3A_635 : i32 to index
        %swap3A_639 = arith.index_cast %mul3A_557 : i32 to index
        %swap3A_640 = tpu.vector_load %arg7[%swap3A_636, %swap3A_637, %swap3A_638, %swap3A_639] {strides = array<i32>} : memref<3x4x4x1024xf32, #tpu.memory_space<vmem>>, vector<1x1x1x16xf32>,
        %swap3A_641 = vector.shape_cast %swap3A_640 : vector<1x1x1x16xf32> to vector<16xf32>
        %swap3A_642 = vector.shape_cast %add3A_632 : vector<16xf32> to vector<1x1x1x16xf32>
        tpu.vector_store %arg7[%swap3A_636, %swap3A_637, %swap3A_638, %swap3A_639], %swap3A_642 {strides = array<i32>} : memref<3x4x4x1024xf32, #tpu.memory_space<vmem>>, vector<1x1x1x16xf32>,
      }
      %scan3A_330 = arith.constant 64 : i32
      %scan3A_331 = arith.constant 0 : i32
      %scan3A_332 = arith.constant 0 : i32
      %scan3A_333 = arith.constant 64 : i32
      %scan3A_334 = arith.addi %scan3A_332, %scan3A_333 : i32
      %scan3A_335 = arith.constant 1 : i32
      scf.for %scan3A_555 = %scan3A_332 to %scan3A_334 step %scan3A_335  : i32 {
        %mul3A_556 = arith.constant 16 : i32
        %mul3A_557 = arith.muli %scan3A_555, %mul3A_556 : i32
        %get3A = arith.constant 0 : i32
        %get3A_558 = arith.constant 1 : i32
        %get3A_559 = arith.index_cast %get3A : i32 to index
        %get3A_560 = arith.index_cast %get3A_558 : i32 to index
        %get3A_561 = arith.index_cast %mul3A_557 : i32 to index
        %get3A_562 = tpu.vector_load %arg5[%get3A_559, %get3A_560, %get3A_561] {strides = array<i32>} : memref<3x4x1024xf32, #tpu.memory_space<vmem>>, vector<1x1x16xf32>,
        %get3A_563 = vector.shape_cast %get3A_562 : vector<1x1x16xf32> to vector<16xf32>
        %get3A_564 = arith.constant 0 : i32
        %get3A_565 = arith.constant 0 : i32
        %get3A_566 = arith.constant 1 : i32
        %get3A_567 = arith.index_cast %get3A_564 : i32 to index
        %get3A_568 = arith.index_cast %get3A_565 : i32 to index
        %get3A_569 = arith.index_cast %get3A_566 : i32 to index
        %get3A_570 = arith.index_cast %mul3A_557 : i32 to index
        %get3A_571 = tpu.vector_load %arg6[%get3A_567, %get3A_568, %get3A_569, %get3A_570] {strides = array<i32>} : memref<3x4x4x1024xf32, #tpu.memory_space<vmem>>, vector<1x1x1x16xf32>,
        %get3A_572 = vector.shape_cast %get3A_571 : vector<1x1x1x16xf32> to vector<16xf32>
        %add3A_573 = arith.addf %get3A_572, %get3A_563 : vector<16xf32>
        %swap3A = arith.constant 0 : i32
        %swap3A_574 = arith.constant 0 : i32
        %swap3A_575 = arith.constant 1 : i32
        %swap3A_576 = arith.index_cast %swap3A : i32 to index
        %swap3A_577 = arith.index_cast %swap3A_574 : i32 to index
        %swap3A_578 = arith.index_cast %swap3A_575 : i32 to index
        %swap3A_579 = arith.index_cast %mul3A_557 : i32 to index
        %swap3A_580 = tpu.vector_load %arg7[%swap3A_576, %swap3A_577, %swap3A_578, %swap3A_579] {strides = array<i32>} : memref<3x4x4x1024xf32, #tpu.memory_space<vmem>>, vector<1x1x1x16xf32>,
        %swap3A_581 = vector.shape_cast %swap3A_580 : vector<1x1x1x16xf32> to vector<16xf32>
        %swap3A_582 = vector.shape_cast %add3A_573 : vector<16xf32> to vector<1x1x1x16xf32>
        tpu.vector_store %arg7[%swap3A_576, %swap3A_577, %swap3A_578, %swap3A_579], %swap3A_582 {strides = array<i32>} : memref<3x4x4x1024xf32, #tpu.memory_space<vmem>>, vector<1x1x1x16xf32>,
        %get3A_583 = arith.constant 0 : i32
        %get3A_584 = arith.constant 1 : i32
        %get3A_585 = arith.constant 1 : i32
        %get3A_586 = arith.index_cast %get3A_583 : i32 to index
        %get3A_587 = arith.index_cast %get3A_584 : i32 to index
        %get3A_588 = arith.index_cast %get3A_585 : i32 to index
        %get3A_589 = arith.index_cast %mul3A_557 : i32 to index
        %get3A_590 = tpu.vector_load %arg6[%get3A_586, %get3A_587, %get3A_588, %get3A_589] {strides = array<i32>} : memref<3x4x4x1024xf32, #tpu.memory_space<vmem>>, vector<1x1x1x16xf32>,
        %get3A_591 = vector.shape_cast %get3A_590 : vector<1x1x1x16xf32> to vector<16xf32>
        %add3A_592 = arith.addf %get3A_591, %get3A_563 : vector<16xf32>
        %swap3A_593 = arith.constant 0 : i32
        %swap3A_594 = arith.constant 1 : i32
        %swap3A_595 = arith.constant 1 : i32
        %swap3A_596 = arith.index_cast %swap3A_593 : i32 to index
        %swap3A_597 = arith.index_cast %swap3A_594 : i32 to index
        %swap3A_598 = arith.index_cast %swap3A_595 : i32 to index
        %swap3A_599 = arith.index_cast %mul3A_557 : i32 to index
        %swap3A_600 = tpu.vector_load %arg7[%swap3A_596, %swap3A_597, %swap3A_598, %swap3A_599] {strides = array<i32>} : memref<3x4x4x1024xf32, #tpu.memory_space<vmem>>, vector<1x1x1x16xf32>,
        %swap3A_601 = vector.shape_cast %swap3A_600 : vector<1x1x1x16xf32> to vector<16xf32>
        %swap3A_602 = vector.shape_cast %add3A_592 : vector<16xf32> to vector<1x1x1x16xf32>
        tpu.vector_store %arg7[%swap3A_596, %swap3A_597, %swap3A_598, %swap3A_599], %swap3A_602 {strides = array<i32>} : memref<3x4x4x1024xf32, #tpu.memory_space<vmem>>, vector<1x1x1x16xf32>,
        %get3A_603 = arith.constant 0 : i32
        %get3A_604 = arith.constant 2 : i32
        %get3A_605 = arith.constant 1 : i32
        %get3A_606 = arith.index_cast %get3A_603 : i32 to index
        %get3A_607 = arith.index_cast %get3A_604 : i32 to index
        %get3A_608 = arith.index_cast %get3A_605 : i32 to index
        %get3A_609 = arith.index_cast %mul3A_557 : i32 to index
        %get3A_610 = tpu.vector_load %arg6[%get3A_606, %get3A_607, %get3A_608, %get3A_609] {strides = array<i32>} : memref<3x4x4x1024xf32, #tpu.memory_space<vmem>>, vector<1x1x1x16xf32>,
        %get3A_611 = vector.shape_cast %get3A_610 : vector<1x1x1x16xf32> to vector<16xf32>
        %add3A_612 = arith.addf %get3A_611, %get3A_563 : vector<16xf32>
        %swap3A_613 = arith.constant 0 : i32
        %swap3A_614 = arith.constant 2 : i32
        %swap3A_615 = arith.constant 1 : i32
        %swap3A_616 = arith.index_cast %swap3A_613 : i32 to index
        %swap3A_617 = arith.index_cast %swap3A_614 : i32 to index
        %swap3A_618 = arith.index_cast %swap3A_615 : i32 to index
        %swap3A_619 = arith.index_cast %mul3A_557 : i32 to index
        %swap3A_620 = tpu.vector_load %arg7[%swap3A_616, %swap3A_617, %swap3A_618, %swap3A_619] {strides = array<i32>} : memref<3x4x4x1024xf32, #tpu.memory_space<vmem>>, vector<1x1x1x16xf32>,
        %swap3A_621 = vector.shape_cast %swap3A_620 : vector<1x1x1x16xf32> to vector<16xf32>
        %swap3A_622 = vector.shape_cast %add3A_612 : vector<16xf32> to vector<1x1x1x16xf32>
        tpu.vector_store %arg7[%swap3A_616, %swap3A_617, %swap3A_618, %swap3A_619], %swap3A_622 {strides = array<i32>} : memref<3x4x4x1024xf32, #tpu.memory_space<vmem>>, vector<1x1x1x16xf32>,
        %get3A_623 = arith.constant 0 : i32
        %get3A_624 = arith.constant 3 : i32
        %get3A_625 = arith.constant 1 : i32
        %get3A_626 = arith.index_cast %get3A_623 : i32 to index
        %get3A_627 = arith.index_cast %get3A_624 : i32 to index
        %get3A_628 = arith.index_cast %get3A_625 : i32 to index
        %get3A_629 = arith.index_cast %mul3A_557 : i32 to index
        %get3A_630 = tpu.vector_load %arg6[%get3A_626, %get3A_627, %get3A_628, %get3A_629] {strides = array<i32>} : memref<3x4x4x1024xf32, #tpu.memory_space<vmem>>, vector<1x1x1x16xf32>,
        %get3A_631 = vector.shape_cast %get3A_630 : vector<1x1x1x16xf32> to vector<16xf32>
        %add3A_632 = arith.addf %get3A_631, %get3A_563 : vector<16xf32>
        %swap3A_633 = arith.constant 0 : i32
        %swap3A_634 = arith.constant 3 : i32
        %swap3A_635 = arith.constant 1 : i32
        %swap3A_636 = arith.index_cast %swap3A_633 : i32 to index
        %swap3A_637 = arith.index_cast %swap3A_634 : i32 to index
        %swap3A_638 = arith.index_cast %swap3A_635 : i32 to index
        %swap3A_639 = arith.index_cast %mul3A_557 : i32 to index
        %swap3A_640 = tpu.vector_load %arg7[%swap3A_636, %swap3A_637, %swap3A_638, %swap3A_639] {strides = array<i32>} : memref<3x4x4x1024xf32, #tpu.memory_space<vmem>>, vector<1x1x1x16xf32>,
        %swap3A_641 = vector.shape_cast %swap3A_640 : vector<1x1x1x16xf32> to vector<16xf32>
        %swap3A_642 = vector.shape_cast %add3A_632 : vector<16xf32> to vector<1x1x1x16xf32>
        tpu.vector_store %arg7[%swap3A_636, %swap3A_637, %swap3A_638, %swap3A_639], %swap3A_642 {strides = array<i32>} : memref<3x4x4x1024xf32, #tpu.memory_space<vmem>>, vector<1x1x1x16xf32>,
      }
      %scan3A_336 = arith.constant 64 : i32
      %scan3A_337 = arith.constant 0 : i32
      %scan3A_338 = arith.constant 0 : i32
      %scan3A_339 = arith.constant 64 : i32
      %scan3A_340 = arith.addi %scan3A_338, %scan3A_339 : i32
      %scan3A_341 = arith.constant 1 : i32
      scf.for %scan3A_555 = %scan3A_338 to %scan3A_340 step %scan3A_341  : i32 {
        %mul3A_556 = arith.constant 16 : i32
        %mul3A_557 = arith.muli %scan3A_555, %mul3A_556 : i32
        %get3A = arith.constant 0 : i32
        %get3A_558 = arith.constant 2 : i32
        %get3A_559 = arith.index_cast %get3A : i32 to index
        %get3A_560 = arith.index_cast %get3A_558 : i32 to index
        %get3A_561 = arith.index_cast %mul3A_557 : i32 to index
        %get3A_562 = tpu.vector_load %arg5[%get3A_559, %get3A_560, %get3A_561] {strides = array<i32>} : memref<3x4x1024xf32, #tpu.memory_space<vmem>>, vector<1x1x16xf32>,
        %get3A_563 = vector.shape_cast %get3A_562 : vector<1x1x16xf32> to vector<16xf32>
        %get3A_564 = arith.constant 0 : i32
        %get3A_565 = arith.constant 0 : i32
        %get3A_566 = arith.constant 2 : i32
        %get3A_567 = arith.index_cast %get3A_564 : i32 to index
        %get3A_568 = arith.index_cast %get3A_565 : i32 to index
        %get3A_569 = arith.index_cast %get3A_566 : i32 to index
        %get3A_570 = arith.index_cast %mul3A_557 : i32 to index
        %get3A_571 = tpu.vector_load %arg6[%get3A_567, %get3A_568, %get3A_569, %get3A_570] {strides = array<i32>} : memref<3x4x4x1024xf32, #tpu.memory_space<vmem>>, vector<1x1x1x16xf32>,
        %get3A_572 = vector.shape_cast %get3A_571 : vector<1x1x1x16xf32> to vector<16xf32>
        %add3A_573 = arith.addf %get3A_572, %get3A_563 : vector<16xf32>
        %swap3A = arith.constant 0 : i32
        %swap3A_574 = arith.constant 0 : i32
        %swap3A_575 = arith.constant 2 : i32
        %swap3A_576 = arith.index_cast %swap3A : i32 to index
        %swap3A_577 = arith.index_cast %swap3A_574 : i32 to index
        %swap3A_578 = arith.index_cast %swap3A_575 : i32 to index
        %swap3A_579 = arith.index_cast %mul3A_557 : i32 to index
        %swap3A_580 = tpu.vector_load %arg7[%swap3A_576, %swap3A_577, %swap3A_578, %swap3A_579] {strides = array<i32>} : memref<3x4x4x1024xf32, #tpu.memory_space<vmem>>, vector<1x1x1x16xf32>,
        %swap3A_581 = vector.shape_cast %swap3A_580 : vector<1x1x1x16xf32> to vector<16xf32>
        %swap3A_582 = vector.shape_cast %add3A_573 : vector<16xf32> to vector<1x1x1x16xf32>
        tpu.vector_store %arg7[%swap3A_576, %swap3A_577, %swap3A_578, %swap3A_579], %swap3A_582 {strides = array<i32>} : memref<3x4x4x1024xf32, #tpu.memory_space<vmem>>, vector<1x1x1x16xf32>,
        %get3A_583 = arith.constant 0 : i32
        %get3A_584 = arith.constant 1 : i32
        %get3A_585 = arith.constant 2 : i32
        %get3A_586 = arith.index_cast %get3A_583 : i32 to index
        %get3A_587 = arith.index_cast %get3A_584 : i32 to index
        %get3A_588 = arith.index_cast %get3A_585 : i32 to index
        %get3A_589 = arith.index_cast %mul3A_557 : i32 to index
        %get3A_590 = tpu.vector_load %arg6[%get3A_586, %get3A_587, %get3A_588, %get3A_589] {strides = array<i32>} : memref<3x4x4x1024xf32, #tpu.memory_space<vmem>>, vector<1x1x1x16xf32>,
        %get3A_591 = vector.shape_cast %get3A_590 : vector<1x1x1x16xf32> to vector<16xf32>
        %add3A_592 = arith.addf %get3A_591, %get3A_563 : vector<16xf32>
        %swap3A_593 = arith.constant 0 : i32
        %swap3A_594 = arith.constant 1 : i32
        %swap3A_595 = arith.constant 2 : i32
        %swap3A_596 = arith.index_cast %swap3A_593 : i32 to index
        %swap3A_597 = arith.index_cast %swap3A_594 : i32 to index
        %swap3A_598 = arith.index_cast %swap3A_595 : i32 to index
        %swap3A_599 = arith.index_cast %mul3A_557 : i32 to index
        %swap3A_600 = tpu.vector_load %arg7[%swap3A_596, %swap3A_597, %swap3A_598, %swap3A_599] {strides = array<i32>} : memref<3x4x4x1024xf32, #tpu.memory_space<vmem>>, vector<1x1x1x16xf32>,
        %swap3A_601 = vector.shape_cast %swap3A_600 : vector<1x1x1x16xf32> to vector<16xf32>
        %swap3A_602 = vector.shape_cast %add3A_592 : vector<16xf32> to vector<1x1x1x16xf32>
        tpu.vector_store %arg7[%swap3A_596, %swap3A_597, %swap3A_598, %swap3A_599], %swap3A_602 {strides = array<i32>} : memref<3x4x4x1024xf32, #tpu.memory_space<vmem>>, vector<1x1x1x16xf32>,
        %get3A_603 = arith.constant 0 : i32
        %get3A_604 = arith.constant 2 : i32
        %get3A_605 = arith.constant 2 : i32
        %get3A_606 = arith.index_cast %get3A_603 : i32 to index
        %get3A_607 = arith.index_cast %get3A_604 : i32 to index
        %get3A_608 = arith.index_cast %get3A_605 : i32 to index
        %get3A_609 = arith.index_cast %mul3A_557 : i32 to index
        %get3A_610 = tpu.vector_load %arg6[%get3A_606, %get3A_607, %get3A_608, %get3A_609] {strides = array<i32>} : memref<3x4x4x1024xf32, #tpu.memory_space<vmem>>, vector<1x1x1x16xf32>,
        %get3A_611 = vector.shape_cast %get3A_610 : vector<1x1x1x16xf32> to vector<16xf32>
        %add3A_612 = arith.addf %get3A_611, %get3A_563 : vector<16xf32>
        %swap3A_613 = arith.constant 0 : i32
        %swap3A_614 = arith.constant 2 : i32
        %swap3A_615 = arith.constant 2 : i32
        %swap3A_616 = arith.index_cast %swap3A_613 : i32 to index
        %swap3A_617 = arith.index_cast %swap3A_614 : i32 to index
        %swap3A_618 = arith.index_cast %swap3A_615 : i32 to index
        %swap3A_619 = arith.index_cast %mul3A_557 : i32 to index
        %swap3A_620 = tpu.vector_load %arg7[%swap3A_616, %swap3A_617, %swap3A_618, %swap3A_619] {strides = array<i32>} : memref<3x4x4x1024xf32, #tpu.memory_space<vmem>>, vector<1x1x1x16xf32>,
        %swap3A_621 = vector.shape_cast %swap3A_620 : vector<1x1x1x16xf32> to vector<16xf32>
        %swap3A_622 = vector.shape_cast %add3A_612 : vector<16xf32> to vector<1x1x1x16xf32>
        tpu.vector_store %arg7[%swap3A_616, %swap3A_617, %swap3A_618, %swap3A_619], %swap3A_622 {strides = array<i32>} : memref<3x4x4x1024xf32, #tpu.memory_space<vmem>>, vector<1x1x1x16xf32>,
        %get3A_623 = arith.constant 0 : i32
        %get3A_624 = arith.constant 3 : i32
        %get3A_625 = arith.constant 2 : i32
        %get3A_626 = arith.index_cast %get3A_623 : i32 to index
        %get3A_627 = arith.index_cast %get3A_624 : i32 to index
        %get3A_628 = arith.index_cast %get3A_625 : i32 to index
        %get3A_629 = arith.index_cast %mul3A_557 : i32 to index
        %get3A_630 = tpu.vector_load %arg6[%get3A_626, %get3A_627, %get3A_628, %get3A_629] {strides = array<i32>} : memref<3x4x4x1024xf32, #tpu.memory_space<vmem>>, vector<1x1x1x16xf32>,
        %get3A_631 = vector.shape_cast %get3A_630 : vector<1x1x1x16xf32> to vector<16xf32>
        %add3A_632 = arith.addf %get3A_631, %get3A_563 : vector<16xf32>
        %swap3A_633 = arith.constant 0 : i32
        %swap3A_634 = arith.constant 3 : i32
        %swap3A_635 = arith.constant 2 : i32
        %swap3A_636 = arith.index_cast %swap3A_633 : i32 to index
        %swap3A_637 = arith.index_cast %swap3A_634 : i32 to index
        %swap3A_638 = arith.index_cast %swap3A_635 : i32 to index
        %swap3A_639 = arith.index_cast %mul3A_557 : i32 to index
        %swap3A_640 = tpu.vector_load %arg7[%swap3A_636, %swap3A_637, %swap3A_638, %swap3A_639] {strides = array<i32>} : memref<3x4x4x1024xf32, #tpu.memory_space<vmem>>, vector<1x1x1x16xf32>,
        %swap3A_641 = vector.shape_cast %swap3A_640 : vector<1x1x1x16xf32> to vector<16xf32>
        %swap3A_642 = vector.shape_cast %add3A_632 : vector<16xf32> to vector<1x1x1x16xf32>
        tpu.vector_store %arg7[%swap3A_636, %swap3A_637, %swap3A_638, %swap3A_639], %swap3A_642 {strides = array<i32>} : memref<3x4x4x1024xf32, #tpu.memory_space<vmem>>, vector<1x1x1x16xf32>,
      }
      %scan3A_342 = arith.constant 64 : i32
      %scan3A_343 = arith.constant 0 : i32
      %scan3A_344 = arith.constant 0 : i32
      %scan3A_345 = arith.constant 64 : i32
      %scan3A_346 = arith.addi %scan3A_344, %scan3A_345 : i32
      %scan3A_347 = arith.constant 1 : i32
      scf.for %scan3A_555 = %scan3A_344 to %scan3A_346 step %scan3A_347  : i32 {
        %mul3A_556 = arith.constant 16 : i32
        %mul3A_557 = arith.muli %scan3A_555, %mul3A_556 : i32
        %get3A = arith.constant 0 : i32
        %get3A_558 = arith.constant 3 : i32
        %get3A_559 = arith.index_cast %get3A : i32 to index
        %get3A_560 = arith.index_cast %get3A_558 : i32 to index
        %get3A_561 = arith.index_cast %mul3A_557 : i32 to index
        %get3A_562 = tpu.vector_load %arg5[%get3A_559, %get3A_560, %get3A_561] {strides = array<i32>} : memref<3x4x1024xf32, #tpu.memory_space<vmem>>, vector<1x1x16xf32>,
        %get3A_563 = vector.shape_cast %get3A_562 : vector<1x1x16xf32> to vector<16xf32>
        %get3A_564 = arith.constant 0 : i32
        %get3A_565 = arith.constant 0 : i32
        %get3A_566 = arith.constant 3 : i32
        %get3A_567 = arith.index_cast %get3A_564 : i32 to index
        %get3A_568 = arith.index_cast %get3A_565 : i32 to index
        %get3A_569 = arith.index_cast %get3A_566 : i32 to index
        %get3A_570 = arith.index_cast %mul3A_557 : i32 to index
        %get3A_571 = tpu.vector_load %arg6[%get3A_567, %get3A_568, %get3A_569, %get3A_570] {strides = array<i32>} : memref<3x4x4x1024xf32, #tpu.memory_space<vmem>>, vector<1x1x1x16xf32>,
        %get3A_572 = vector.shape_cast %get3A_571 : vector<1x1x1x16xf32> to vector<16xf32>
        %add3A_573 = arith.addf %get3A_572, %get3A_563 : vector<16xf32>
        %swap3A = arith.constant 0 : i32
        %swap3A_574 = arith.constant 0 : i32
        %swap3A_575 = arith.constant 3 : i32
        %swap3A_576 = arith.index_cast %swap3A : i32 to index
        %swap3A_577 = arith.index_cast %swap3A_574 : i32 to index
        %swap3A_578 = arith.index_cast %swap3A_575 : i32 to index
        %swap3A_579 = arith.index_cast %mul3A_557 : i32 to index
        %swap3A_580 = tpu.vector_load %arg7[%swap3A_576, %swap3A_577, %swap3A_578, %swap3A_579] {strides = array<i32>} : memref<3x4x4x1024xf32, #tpu.memory_space<vmem>>, vector<1x1x1x16xf32>,
        %swap3A_581 = vector.shape_cast %swap3A_580 : vector<1x1x1x16xf32> to vector<16xf32>
        %swap3A_582 = vector.shape_cast %add3A_573 : vector<16xf32> to vector<1x1x1x16xf32>
        tpu.vector_store %arg7[%swap3A_576, %swap3A_577, %swap3A_578, %swap3A_579], %swap3A_582 {strides = array<i32>} : memref<3x4x4x1024xf32, #tpu.memory_space<vmem>>, vector<1x1x1x16xf32>,
        %get3A_583 = arith.constant 0 : i32
        %get3A_584 = arith.constant 1 : i32
        %get3A_585 = arith.constant 3 : i32
        %get3A_586 = arith.index_cast %get3A_583 : i32 to index
        %get3A_587 = arith.index_cast %get3A_584 : i32 to index
        %get3A_588 = arith.index_cast %get3A_585 : i32 to index
        %get3A_589 = arith.index_cast %mul3A_557 : i32 to index
        %get3A_590 = tpu.vector_load %arg6[%get3A_586, %get3A_587, %get3A_588, %get3A_589] {strides = array<i32>} : memref<3x4x4x1024xf32, #tpu.memory_space<vmem>>, vector<1x1x1x16xf32>,
        %get3A_591 = vector.shape_cast %get3A_590 : vector<1x1x1x16xf32> to vector<16xf32>
        %add3A_592 = arith.addf %get3A_591, %get3A_563 : vector<16xf32>
        %swap3A_593 = arith.constant 0 : i32
        %swap3A_594 = arith.constant 1 : i32
        %swap3A_595 = arith.constant 3 : i32
        %swap3A_596 = arith.index_cast %swap3A_593 : i32 to index
        %swap3A_597 = arith.index_cast %swap3A_594 : i32 to index
        %swap3A_598 = arith.index_cast %swap3A_595 : i32 to index
        %swap3A_599 = arith.index_cast %mul3A_557 : i32 to index
        %swap3A_600 = tpu.vector_load %arg7[%swap3A_596, %swap3A_597, %swap3A_598, %swap3A_599] {strides = array<i32>} : memref<3x4x4x1024xf32, #tpu.memory_space<vmem>>, vector<1x1x1x16xf32>,
        %swap3A_601 = vector.shape_cast %swap3A_600 : vector<1x1x1x16xf32> to vector<16xf32>
        %swap3A_602 = vector.shape_cast %add3A_592 : vector<16xf32> to vector<1x1x1x16xf32>
        tpu.vector_store %arg7[%swap3A_596, %swap3A_597, %swap3A_598, %swap3A_599], %swap3A_602 {strides = array<i32>} : memref<3x4x4x1024xf32, #tpu.memory_space<vmem>>, vector<1x1x1x16xf32>,
        %get3A_603 = arith.constant 0 : i32
        %get3A_604 = arith.constant 2 : i32
        %get3A_605 = arith.constant 3 : i32
        %get3A_606 = arith.index_cast %get3A_603 : i32 to index
        %get3A_607 = arith.index_cast %get3A_604 : i32 to index
        %get3A_608 = arith.index_cast %get3A_605 : i32 to index
        %get3A_609 = arith.index_cast %mul3A_557 : i32 to index
        %get3A_610 = tpu.vector_load %arg6[%get3A_606, %get3A_607, %get3A_608, %get3A_609] {strides = array<i32>} : memref<3x4x4x1024xf32, #tpu.memory_space<vmem>>, vector<1x1x1x16xf32>,
        %get3A_611 = vector.shape_cast %get3A_610 : vector<1x1x1x16xf32> to vector<16xf32>
        %add3A_612 = arith.addf %get3A_611, %get3A_563 : vector<16xf32>
        %swap3A_613 = arith.constant 0 : i32
        %swap3A_614 = arith.constant 2 : i32
        %swap3A_615 = arith.constant 3 : i32
        %swap3A_616 = arith.index_cast %swap3A_613 : i32 to index
        %swap3A_617 = arith.index_cast %swap3A_614 : i32 to index
        %swap3A_618 = arith.index_cast %swap3A_615 : i32 to index
        %swap3A_619 = arith.index_cast %mul3A_557 : i32 to index
        %swap3A_620 = tpu.vector_load %arg7[%swap3A_616, %swap3A_617, %swap3A_618, %swap3A_619] {strides = array<i32>} : memref<3x4x4x1024xf32, #tpu.memory_space<vmem>>, vector<1x1x1x16xf32>,
        %swap3A_621 = vector.shape_cast %swap3A_620 : vector<1x1x1x16xf32> to vector<16xf32>
        %swap3A_622 = vector.shape_cast %add3A_612 : vector<16xf32> to vector<1x1x1x16xf32>
        tpu.vector_store %arg7[%swap3A_616, %swap3A_617, %swap3A_618, %swap3A_619], %swap3A_622 {strides = array<i32>} : memref<3x4x4x1024xf32, #tpu.memory_space<vmem>>, vector<1x1x1x16xf32>,
        %get3A_623 = arith.constant 0 : i32
        %get3A_624 = arith.constant 3 : i32
        %get3A_625 = arith.constant 3 : i32
        %get3A_626 = arith.index_cast %get3A_623 : i32 to index
        %get3A_627 = arith.index_cast %get3A_624 : i32 to index
        %get3A_628 = arith.index_cast %get3A_625 : i32 to index
        %get3A_629 = arith.index_cast %mul3A_557 : i32 to index
        %get3A_630 = tpu.vector_load %arg6[%get3A_626, %get3A_627, %get3A_628, %get3A_629] {strides = array<i32>} : memref<3x4x4x1024xf32, #tpu.memory_space<vmem>>, vector<1x1x1x16xf32>,
        %get3A_631 = vector.shape_cast %get3A_630 : vector<1x1x1x16xf32> to vector<16xf32>
        %add3A_632 = arith.addf %get3A_631, %get3A_563 : vector<16xf32>
        %swap3A_633 = arith.constant 0 : i32
        %swap3A_634 = arith.constant 3 : i32
        %swap3A_635 = arith.constant 3 : i32
        %swap3A_636 = arith.index_cast %swap3A_633 : i32 to index
        %swap3A_637 = arith.index_cast %swap3A_634 : i32 to index
        %swap3A_638 = arith.index_cast %swap3A_635 : i32 to index
        %swap3A_639 = arith.index_cast %mul3A_557 : i32 to index
        %swap3A_640 = tpu.vector_load %arg7[%swap3A_636, %swap3A_637, %swap3A_638, %swap3A_639] {strides = array<i32>} : memref<3x4x4x1024xf32, #tpu.memory_space<vmem>>, vector<1x1x1x16xf32>,
        %swap3A_641 = vector.shape_cast %swap3A_640 : vector<1x1x1x16xf32> to vector<16xf32>
        %swap3A_642 = vector.shape_cast %add3A_632 : vector<16xf32> to vector<1x1x1x16xf32>
        tpu.vector_store %arg7[%swap3A_636, %swap3A_637, %swap3A_638, %swap3A_639], %swap3A_642 {strides = array<i32>} : memref<3x4x4x1024xf32, #tpu.memory_space<vmem>>, vector<1x1x1x16xf32>,
      }
      %scan3A_348 = arith.constant 64 : i32
      %mul3A_349 = arith.constant 4 : i32
      %mul3A_350 = arith.muli %add3A_289, %mul3A_349 : i32
      %add3A_351 = arith.addi %mul3A_2, %mul3A_350 : i32
      %dma_start3A_352 = arith.constant 0 : i32
      %dma_start3A_353 = arith.constant 0 : i32
      %dma_start3A_354 = arith.constant 0 : i32
      %dma_start3A_355 = arith.constant 0 : i32
      %dma_start3A_356 = tpu.memref_slice %arg7[%dma_start3A_352, %dma_start3A_353, %dma_start3A_354, %dma_start3A_355] : memref<3x4x4x1024xf32, #tpu.memory_space<vmem>> -> memref<1x4x4x1024xf32, #tpu.memory_space<vmem>>
      %dma_start3A_357 = tpu.memref_squeeze %dma_start3A_356 : memref<1x4x4x1024xf32, #tpu.memory_space<vmem>> -> memref<4x4x1024xf32, #tpu.memory_space<vmem>>
      %dma_start3A_358 = arith.constant 0 : i32
      %dma_start3A_359 = arith.constant 0 : i32
      %dma_start3A_360 = tpu.memref_slice %arg4[%dma_start3A_358, %add3A_351, %dma_start3A_359] : memref<4x8192x1024xf32, #tpu.memory_space<hbm>> -> memref<4x4x1024xf32, #tpu.memory_space<hbm>>
      %dma_start3A_361 = arith.constant 0 : i32
      %dma_start3A_362 = arith.constant 0 : i32
      %dma_start3A_363 = tpu.memref_slice %arg4[%dma_start3A_361, %add3A_351, %dma_start3A_362] : memref<4x8192x1024xf32, #tpu.memory_space<hbm>> -> memref<4x4x1024xf32, #tpu.memory_space<hbm>>
      %dma_start3A_364 = arith.constant 0 : i32
      %dma_start3A_365 = arith.constant 0 : i32
      %dma_start3A_366 = arith.constant 0 : i32
      %dma_start3A_367 = tpu.memref_slice %arg7[%dma_start3A_352, %dma_start3A_364, %dma_start3A_365, %dma_start3A_366] : memref<3x4x4x1024xf32, #tpu.memory_space<vmem>> -> memref<1x4x4x1024xf32, #tpu.memory_space<vmem>>
      %dma_start3A_368 = tpu.memref_squeeze %dma_start3A_367 : memref<1x4x4x1024xf32, #tpu.memory_space<vmem>> -> memref<4x4x1024xf32, #tpu.memory_space<vmem>>
      tpu.enqueue_dma source(%dma_start3A_368 : memref<4x4x1024xf32, #tpu.memory_space<vmem>>) target(%dma_start3A_363 : memref<4x4x1024xf32, #tpu.memory_space<hbm>>) target_semaphore(%arg11 : memref<!tpu.dma_semaphore, #tpu.memory_space<semaphore_mem>>)
      %lt3A = arith.constant 20 : i32
      %lt3A_369 = arith.cmpi slt, %scan3A_285, %lt3A : i32
      %convert_element_type3A_370 = arith.extui %lt3A_369 : i1 to i32
      %cond3A_371 = arith.constant 0 : i32
      %cond3A_372 = arith.cmpi ne, %convert_element_type3A_370, %cond3A_371 : i32
      scf.if %cond3A_372 {
        %add3A_555 = arith.constant 3 : i32
        %add3A_556 = arith.addi %add3A_289, %add3A_555 : i32
        %mul3A_557 = arith.constant 4 : i32
        %mul3A_558 = arith.muli %add3A_556, %mul3A_557 : i32
        %add3A_559 = arith.addi %mul3A_2, %mul3A_558 : i32
        %dma_start3A_560 = arith.constant 0 : i32
        %dma_start3A_561 = arith.constant 0 : i32
        %dma_start3A_562 = arith.constant 0 : i32
        %dma_start3A_563 = tpu.memref_slice %arg5[%dma_start3A_560, %dma_start3A_561, %dma_start3A_562] : memref<3x4x1024xf32, #tpu.memory_space<vmem>> -> memref<1x4x1024xf32, #tpu.memory_space<vmem>>
        %dma_start3A_564 = tpu.memref_squeeze %dma_start3A_563 : memref<1x4x1024xf32, #tpu.memory_space<vmem>> -> memref<4x1024xf32, #tpu.memory_space<vmem>>
        %dma_start3A_565 = arith.constant 0 : i32
        %dma_start3A_566 = tpu.memref_slice %arg3[%add3A_559, %dma_start3A_565] : memref<8192x1024xf32, #tpu.memory_space<hbm>> -> memref<4x1024xf32, #tpu.memory_space<hbm>>
        %dma_start3A_567 = arith.constant 0 : i32
        %dma_start3A_568 = arith.constant 0 : i32
        %dma_start3A_569 = tpu.memref_slice %arg5[%dma_start3A_560, %dma_start3A_567, %dma_start3A_568] : memref<3x4x1024xf32, #tpu.memory_space<vmem>> -> memref<1x4x1024xf32, #tpu.memory_space<vmem>>
        %dma_start3A_570 = tpu.memref_squeeze %dma_start3A_569 : memref<1x4x1024xf32, #tpu.memory_space<vmem>> -> memref<4x1024xf32, #tpu.memory_space<vmem>>
        %dma_start3A_571 = arith.constant 0 : i32
        %dma_start3A_572 = tpu.memref_slice %arg3[%add3A_559, %dma_start3A_571] : memref<8192x1024xf32, #tpu.memory_space<hbm>> -> memref<4x1024xf32, #tpu.memory_space<hbm>>
        tpu.enqueue_dma source(%dma_start3A_572 : memref<4x1024xf32, #tpu.memory_space<hbm>>) target(%dma_start3A_570 : memref<4x1024xf32, #tpu.memory_space<vmem>>) target_semaphore(%arg8 : memref<!tpu.dma_semaphore, #tpu.memory_space<semaphore_mem>>)
        %dma_start3A_573 = arith.constant 0 : i32
        %dma_start3A_574 = arith.constant 0 : i32
        %dma_start3A_575 = arith.constant 0 : i32
        %dma_start3A_576 = arith.constant 0 : i32
        %dma_start3A_577 = tpu.memref_slice %arg6[%dma_start3A_573, %dma_start3A_574, %dma_start3A_575, %dma_start3A_576] : memref<3x4x4x1024xf32, #tpu.memory_space<vmem>> -> memref<1x4x4x1024xf32, #tpu.memory_space<vmem>>
        %dma_start3A_578 = tpu.memref_squeeze %dma_start3A_577 : memref<1x4x4x1024xf32, #tpu.memory_space<vmem>> -> memref<4x4x1024xf32, #tpu.memory_space<vmem>>
        %dma_start3A_579 = arith.constant 0 : i32
        %dma_start3A_580 = arith.constant 0 : i32
        %dma_start3A_581 = tpu.memref_slice %arg2[%dma_start3A_579, %add3A_559, %dma_start3A_580] : memref<4x8192x1024xf32, #tpu.memory_space<hbm>> -> memref<4x4x1024xf32, #tpu.memory_space<hbm>>
        %dma_start3A_582 = arith.constant 0 : i32
        %dma_start3A_583 = arith.constant 0 : i32
        %dma_start3A_584 = arith.constant 0 : i32
        %dma_start3A_585 = tpu.memref_slice %arg6[%dma_start3A_573, %dma_start3A_582, %dma_start3A_583, %dma_start3A_584] : memref<3x4x4x1024xf32, #tpu.memory_space<vmem>> -> memref<1x4x4x1024xf32, #tpu.memory_space<vmem>>
        %dma_start3A_586 = tpu.memref_squeeze %dma_start3A_585 : memref<1x4x4x1024xf32, #tpu.memory_space<vmem>> -> memref<4x4x1024xf32, #tpu.memory_space<vmem>>
        %dma_start3A_587 = arith.constant 0 : i32
        %dma_start3A_588 = arith.constant 0 : i32
        %dma_start3A_589 = tpu.memref_slice %arg2[%dma_start3A_587, %add3A_559, %dma_start3A_588] : memref<4x8192x1024xf32, #tpu.memory_space<hbm>> -> memref<4x4x1024xf32, #tpu.memory_space<hbm>>
        tpu.enqueue_dma source(%dma_start3A_589 : memref<4x4x1024xf32, #tpu.memory_space<hbm>>) target(%dma_start3A_586 : memref<4x4x1024xf32, #tpu.memory_space<vmem>>) target_semaphore(%arg8 : memref<!tpu.dma_semaphore, #tpu.memory_space<semaphore_mem>>)
      } else {
      }
      %mul3A_373 = arith.constant 3 : i32
      %mul3A_374 = arith.muli %scan3A_285, %mul3A_373 : i32
      %add3A_375 = arith.constant 1 : i32
      %add3A_376 = arith.addi %mul3A_374, %add3A_375 : i32
      %mul3A_377 = arith.constant 4 : i32
      %mul3A_378 = arith.muli %add3A_376, %mul3A_377 : i32
      %add3A_379 = arith.addi %mul3A_2, %mul3A_378 : i32
      %dma_wait3A_380 = arith.constant 1 : i32
      %dma_wait3A_381 = arith.constant 0 : i32
      %dma_wait3A_382 = arith.constant 0 : i32
      %dma_wait3A_383 = tpu.memref_slice %arg5[%dma_wait3A_380, %dma_wait3A_381, %dma_wait3A_382] : memref<3x4x1024xf32, #tpu.memory_space<vmem>> -> memref<1x4x1024xf32, #tpu.memory_space<vmem>>
      %dma_wait3A_384 = tpu.memref_squeeze %dma_wait3A_383 : memref<1x4x1024xf32, #tpu.memory_space<vmem>> -> memref<4x1024xf32, #tpu.memory_space<vmem>>
      %dma_wait3A_385 = arith.constant 0 : i32
      %dma_wait3A_386 = tpu.memref_slice %arg3[%add3A_379, %dma_wait3A_385] : memref<8192x1024xf32, #tpu.memory_space<hbm>> -> memref<4x1024xf32, #tpu.memory_space<hbm>>
      %dma_wait3A_387 = arith.constant 0 : i32
      %dma_wait3A_388 = arith.constant 0 : i32
      %dma_wait3A_389 = tpu.memref_slice %arg5[%dma_wait3A_380, %dma_wait3A_387, %dma_wait3A_388] : memref<3x4x1024xf32, #tpu.memory_space<vmem>> -> memref<1x4x1024xf32, #tpu.memory_space<vmem>>
      %dma_wait3A_390 = tpu.memref_squeeze %dma_wait3A_389 : memref<1x4x1024xf32, #tpu.memory_space<vmem>> -> memref<4x1024xf32, #tpu.memory_space<vmem>>
      %dma_wait3A_391 = arith.constant 0 : i32
      %dma_wait3A_392 = tpu.memref_slice %arg3[%add3A_379, %dma_wait3A_391] : memref<8192x1024xf32, #tpu.memory_space<hbm>> -> memref<4x1024xf32, #tpu.memory_space<hbm>>
      tpu.wait_dma2 semaphore(%arg9 : memref<!tpu.dma_semaphore, #tpu.memory_space<semaphore_mem>>) src(%dma_wait3A_392 : memref<4x1024xf32, #tpu.memory_space<hbm>>) dst(%dma_wait3A_390 : memref<4x1024xf32, #tpu.memory_space<vmem>>)
      %dma_wait3A_393 = arith.constant 1 : i32
      %dma_wait3A_394 = arith.constant 0 : i32
      %dma_wait3A_395 = arith.constant 0 : i32
      %dma_wait3A_396 = arith.constant 0 : i32
      %dma_wait3A_397 = tpu.memref_slice %arg6[%dma_wait3A_393, %dma_wait3A_394, %dma_wait3A_395, %dma_wait3A_396] : memref<3x4x4x1024xf32, #tpu.memory_space<vmem>> -> memref<1x4x4x1024xf32, #tpu.memory_space<vmem>>
      %dma_wait3A_398 = tpu.memref_squeeze %dma_wait3A_397 : memref<1x4x4x1024xf32, #tpu.memory_space<vmem>> -> memref<4x4x1024xf32, #tpu.memory_space<vmem>>
      %dma_wait3A_399 = arith.constant 0 : i32
      %dma_wait3A_400 = arith.constant 0 : i32
      %dma_wait3A_401 = tpu.memref_slice %arg2[%dma_wait3A_399, %add3A_379, %dma_wait3A_400] : memref<4x8192x1024xf32, #tpu.memory_space<hbm>> -> memref<4x4x1024xf32, #tpu.memory_space<hbm>>
      %dma_wait3A_402 = arith.constant 0 : i32
      %dma_wait3A_403 = arith.constant 0 : i32
      %dma_wait3A_404 = arith.constant 0 : i32
      %dma_wait3A_405 = tpu.memref_slice %arg6[%dma_wait3A_393, %dma_wait3A_402, %dma_wait3A_403, %dma_wait3A_404] : memref<3x4x4x1024xf32, #tpu.memory_space<vmem>> -> memref<1x4x4x1024xf32, #tpu.memory_space<vmem>>
      %dma_wait3A_406 = tpu.memref_squeeze %dma_wait3A_405 : memref<1x4x4x1024xf32, #tpu.memory_space<vmem>> -> memref<4x4x1024xf32, #tpu.memory_space<vmem>>
      %dma_wait3A_407 = arith.constant 0 : i32
      %dma_wait3A_408 = arith.constant 0 : i32
      %dma_wait3A_409 = tpu.memref_slice %arg2[%dma_wait3A_407, %add3A_379, %dma_wait3A_408] : memref<4x8192x1024xf32, #tpu.memory_space<hbm>> -> memref<4x4x1024xf32, #tpu.memory_space<hbm>>
      tpu.wait_dma2 semaphore(%arg9 : memref<!tpu.dma_semaphore, #tpu.memory_space<semaphore_mem>>) src(%dma_wait3A_409 : memref<4x4x1024xf32, #tpu.memory_space<hbm>>) dst(%dma_wait3A_406 : memref<4x4x1024xf32, #tpu.memory_space<vmem>>)
      %gt3A_410 = arith.constant 0 : i32
      %gt3A_411 = arith.cmpi sgt, %scan3A_285, %gt3A_410 : i32
      %convert_element_type3A_412 = arith.extui %gt3A_411 : i1 to i32
      %cond3A_413 = arith.constant 0 : i32
      %cond3A_414 = arith.cmpi ne, %convert_element_type3A_412, %cond3A_413 : i32
      scf.if %cond3A_414 {
        %sub3A = arith.constant 3 : i32
        %sub3A_555 = arith.subi %add3A_376, %sub3A : i32
        %mul3A_556 = arith.constant 4 : i32
        %mul3A_557 = arith.muli %sub3A_555, %mul3A_556 : i32
        %add3A_558 = arith.addi %mul3A_2, %mul3A_557 : i32
        %dma_wait3A_559 = arith.constant 1 : i32
        %dma_wait3A_560 = arith.constant 0 : i32
        %dma_wait3A_561 = arith.constant 0 : i32
        %dma_wait3A_562 = arith.constant 0 : i32
        %dma_wait3A_563 = tpu.memref_slice %arg7[%dma_wait3A_559, %dma_wait3A_560, %dma_wait3A_561, %dma_wait3A_562] : memref<3x4x4x1024xf32, #tpu.memory_space<vmem>> -> memref<1x4x4x1024xf32, #tpu.memory_space<vmem>>
        %dma_wait3A_564 = tpu.memref_squeeze %dma_wait3A_563 : memref<1x4x4x1024xf32, #tpu.memory_space<vmem>> -> memref<4x4x1024xf32, #tpu.memory_space<vmem>>
        %dma_wait3A_565 = arith.constant 0 : i32
        %dma_wait3A_566 = arith.constant 0 : i32
        %dma_wait3A_567 = tpu.memref_slice %arg4[%dma_wait3A_565, %add3A_558, %dma_wait3A_566] : memref<4x8192x1024xf32, #tpu.memory_space<hbm>> -> memref<4x4x1024xf32, #tpu.memory_space<hbm>>
        %dma_wait3A_568 = arith.constant 0 : i32
        %dma_wait3A_569 = arith.constant 0 : i32
        %dma_wait3A_570 = tpu.memref_slice %arg4[%dma_wait3A_568, %add3A_558, %dma_wait3A_569] : memref<4x8192x1024xf32, #tpu.memory_space<hbm>> -> memref<4x4x1024xf32, #tpu.memory_space<hbm>>
        %dma_wait3A_571 = arith.constant 0 : i32
        %dma_wait3A_572 = arith.constant 0 : i32
        %dma_wait3A_573 = arith.constant 0 : i32
        %dma_wait3A_574 = tpu.memref_slice %arg7[%dma_wait3A_559, %dma_wait3A_571, %dma_wait3A_572, %dma_wait3A_573] : memref<3x4x4x1024xf32, #tpu.memory_space<vmem>> -> memref<1x4x4x1024xf32, #tpu.memory_space<vmem>>
        %dma_wait3A_575 = tpu.memref_squeeze %dma_wait3A_574 : memref<1x4x4x1024xf32, #tpu.memory_space<vmem>> -> memref<4x4x1024xf32, #tpu.memory_space<vmem>>
        tpu.wait_dma2 semaphore(%arg12 : memref<!tpu.dma_semaphore, #tpu.memory_space<semaphore_mem>>) src(%dma_wait3A_575 : memref<4x4x1024xf32, #tpu.memory_space<vmem>>) dst(%dma_wait3A_570 : memref<4x4x1024xf32, #tpu.memory_space<hbm>>)
      } else {
      }
      %scan3A_415 = arith.constant 0 : i32
      %scan3A_416 = arith.constant 0 : i32
      %scan3A_417 = arith.constant 64 : i32
      %scan3A_418 = arith.addi %scan3A_416, %scan3A_417 : i32
      %scan3A_419 = arith.constant 1 : i32
      scf.for %scan3A_555 = %scan3A_416 to %scan3A_418 step %scan3A_419  : i32 {
        %mul3A_556 = arith.constant 16 : i32
        %mul3A_557 = arith.muli %scan3A_555, %mul3A_556 : i32
        %get3A = arith.constant 1 : i32
        %get3A_558 = arith.constant 0 : i32
        %get3A_559 = arith.index_cast %get3A : i32 to index
        %get3A_560 = arith.index_cast %get3A_558 : i32 to index
        %get3A_561 = arith.index_cast %mul3A_557 : i32 to index
        %get3A_562 = tpu.vector_load %arg5[%get3A_559, %get3A_560, %get3A_561] {strides = array<i32>} : memref<3x4x1024xf32, #tpu.memory_space<vmem>>, vector<1x1x16xf32>,
        %get3A_563 = vector.shape_cast %get3A_562 : vector<1x1x16xf32> to vector<16xf32>
        %get3A_564 = arith.constant 1 : i32
        %get3A_565 = arith.constant 0 : i32
        %get3A_566 = arith.constant 0 : i32
        %get3A_567 = arith.index_cast %get3A_564 : i32 to index
        %get3A_568 = arith.index_cast %get3A_565 : i32 to index
        %get3A_569 = arith.index_cast %get3A_566 : i32 to index
        %get3A_570 = arith.index_cast %mul3A_557 : i32 to index
        %get3A_571 = tpu.vector_load %arg6[%get3A_567, %get3A_568, %get3A_569, %get3A_570] {strides = array<i32>} : memref<3x4x4x1024xf32, #tpu.memory_space<vmem>>, vector<1x1x1x16xf32>,
        %get3A_572 = vector.shape_cast %get3A_571 : vector<1x1x1x16xf32> to vector<16xf32>
        %add3A_573 = arith.addf %get3A_572, %get3A_563 : vector<16xf32>
        %swap3A = arith.constant 1 : i32
        %swap3A_574 = arith.constant 0 : i32
        %swap3A_575 = arith.constant 0 : i32
        %swap3A_576 = arith.index_cast %swap3A : i32 to index
        %swap3A_577 = arith.index_cast %swap3A_574 : i32 to index
        %swap3A_578 = arith.index_cast %swap3A_575 : i32 to index
        %swap3A_579 = arith.index_cast %mul3A_557 : i32 to index
        %swap3A_580 = tpu.vector_load %arg7[%swap3A_576, %swap3A_577, %swap3A_578, %swap3A_579] {strides = array<i32>} : memref<3x4x4x1024xf32, #tpu.memory_space<vmem>>, vector<1x1x1x16xf32>,
        %swap3A_581 = vector.shape_cast %swap3A_580 : vector<1x1x1x16xf32> to vector<16xf32>
        %swap3A_582 = vector.shape_cast %add3A_573 : vector<16xf32> to vector<1x1x1x16xf32>
        tpu.vector_store %arg7[%swap3A_576, %swap3A_577, %swap3A_578, %swap3A_579], %swap3A_582 {strides = array<i32>} : memref<3x4x4x1024xf32, #tpu.memory_space<vmem>>, vector<1x1x1x16xf32>,
        %get3A_583 = arith.constant 1 : i32
        %get3A_584 = arith.constant 1 : i32
        %get3A_585 = arith.constant 0 : i32
        %get3A_586 = arith.index_cast %get3A_583 : i32 to index
        %get3A_587 = arith.index_cast %get3A_584 : i32 to index
        %get3A_588 = arith.index_cast %get3A_585 : i32 to index
        %get3A_589 = arith.index_cast %mul3A_557 : i32 to index
        %get3A_590 = tpu.vector_load %arg6[%get3A_586, %get3A_587, %get3A_588, %get3A_589] {strides = array<i32>} : memref<3x4x4x1024xf32, #tpu.memory_space<vmem>>, vector<1x1x1x16xf32>,
        %get3A_591 = vector.shape_cast %get3A_590 : vector<1x1x1x16xf32> to vector<16xf32>
        %add3A_592 = arith.addf %get3A_591, %get3A_563 : vector<16xf32>
        %swap3A_593 = arith.constant 1 : i32
        %swap3A_594 = arith.constant 1 : i32
        %swap3A_595 = arith.constant 0 : i32
        %swap3A_596 = arith.index_cast %swap3A_593 : i32 to index
        %swap3A_597 = arith.index_cast %swap3A_594 : i32 to index
        %swap3A_598 = arith.index_cast %swap3A_595 : i32 to index
        %swap3A_599 = arith.index_cast %mul3A_557 : i32 to index
        %swap3A_600 = tpu.vector_load %arg7[%swap3A_596, %swap3A_597, %swap3A_598, %swap3A_599] {strides = array<i32>} : memref<3x4x4x1024xf32, #tpu.memory_space<vmem>>, vector<1x1x1x16xf32>,
        %swap3A_601 = vector.shape_cast %swap3A_600 : vector<1x1x1x16xf32> to vector<16xf32>
        %swap3A_602 = vector.shape_cast %add3A_592 : vector<16xf32> to vector<1x1x1x16xf32>
        tpu.vector_store %arg7[%swap3A_596, %swap3A_597, %swap3A_598, %swap3A_599], %swap3A_602 {strides = array<i32>} : memref<3x4x4x1024xf32, #tpu.memory_space<vmem>>, vector<1x1x1x16xf32>,
        %get3A_603 = arith.constant 1 : i32
        %get3A_604 = arith.constant 2 : i32
        %get3A_605 = arith.constant 0 : i32
        %get3A_606 = arith.index_cast %get3A_603 : i32 to index
        %get3A_607 = arith.index_cast %get3A_604 : i32 to index
        %get3A_608 = arith.index_cast %get3A_605 : i32 to index
        %get3A_609 = arith.index_cast %mul3A_557 : i32 to index
        %get3A_610 = tpu.vector_load %arg6[%get3A_606, %get3A_607, %get3A_608, %get3A_609] {strides = array<i32>} : memref<3x4x4x1024xf32, #tpu.memory_space<vmem>>, vector<1x1x1x16xf32>,
        %get3A_611 = vector.shape_cast %get3A_610 : vector<1x1x1x16xf32> to vector<16xf32>
        %add3A_612 = arith.addf %get3A_611, %get3A_563 : vector<16xf32>
        %swap3A_613 = arith.constant 1 : i32
        %swap3A_614 = arith.constant 2 : i32
        %swap3A_615 = arith.constant 0 : i32
        %swap3A_616 = arith.index_cast %swap3A_613 : i32 to index
        %swap3A_617 = arith.index_cast %swap3A_614 : i32 to index
        %swap3A_618 = arith.index_cast %swap3A_615 : i32 to index
        %swap3A_619 = arith.index_cast %mul3A_557 : i32 to index
        %swap3A_620 = tpu.vector_load %arg7[%swap3A_616, %swap3A_617, %swap3A_618, %swap3A_619] {strides = array<i32>} : memref<3x4x4x1024xf32, #tpu.memory_space<vmem>>, vector<1x1x1x16xf32>,
        %swap3A_621 = vector.shape_cast %swap3A_620 : vector<1x1x1x16xf32> to vector<16xf32>
        %swap3A_622 = vector.shape_cast %add3A_612 : vector<16xf32> to vector<1x1x1x16xf32>
        tpu.vector_store %arg7[%swap3A_616, %swap3A_617, %swap3A_618, %swap3A_619], %swap3A_622 {strides = array<i32>} : memref<3x4x4x1024xf32, #tpu.memory_space<vmem>>, vector<1x1x1x16xf32>,
        %get3A_623 = arith.constant 1 : i32
        %get3A_624 = arith.constant 3 : i32
        %get3A_625 = arith.constant 0 : i32
        %get3A_626 = arith.index_cast %get3A_623 : i32 to index
        %get3A_627 = arith.index_cast %get3A_624 : i32 to index
        %get3A_628 = arith.index_cast %get3A_625 : i32 to index
        %get3A_629 = arith.index_cast %mul3A_557 : i32 to index
        %get3A_630 = tpu.vector_load %arg6[%get3A_626, %get3A_627, %get3A_628, %get3A_629] {strides = array<i32>} : memref<3x4x4x1024xf32, #tpu.memory_space<vmem>>, vector<1x1x1x16xf32>,
        %get3A_631 = vector.shape_cast %get3A_630 : vector<1x1x1x16xf32> to vector<16xf32>
        %add3A_632 = arith.addf %get3A_631, %get3A_563 : vector<16xf32>
        %swap3A_633 = arith.constant 1 : i32
        %swap3A_634 = arith.constant 3 : i32
        %swap3A_635 = arith.constant 0 : i32
        %swap3A_636 = arith.index_cast %swap3A_633 : i32 to index
        %swap3A_637 = arith.index_cast %swap3A_634 : i32 to index
        %swap3A_638 = arith.index_cast %swap3A_635 : i32 to index
        %swap3A_639 = arith.index_cast %mul3A_557 : i32 to index
        %swap3A_640 = tpu.vector_load %arg7[%swap3A_636, %swap3A_637, %swap3A_638, %swap3A_639] {strides = array<i32>} : memref<3x4x4x1024xf32, #tpu.memory_space<vmem>>, vector<1x1x1x16xf32>,
        %swap3A_641 = vector.shape_cast %swap3A_640 : vector<1x1x1x16xf32> to vector<16xf32>
        %swap3A_642 = vector.shape_cast %add3A_632 : vector<16xf32> to vector<1x1x1x16xf32>
        tpu.vector_store %arg7[%swap3A_636, %swap3A_637, %swap3A_638, %swap3A_639], %swap3A_642 {strides = array<i32>} : memref<3x4x4x1024xf32, #tpu.memory_space<vmem>>, vector<1x1x1x16xf32>,
      }
      %scan3A_420 = arith.constant 64 : i32
      %scan3A_421 = arith.constant 0 : i32
      %scan3A_422 = arith.constant 0 : i32
      %scan3A_423 = arith.constant 64 : i32
      %scan3A_424 = arith.addi %scan3A_422, %scan3A_423 : i32
      %scan3A_425 = arith.constant 1 : i32
      scf.for %scan3A_555 = %scan3A_422 to %scan3A_424 step %scan3A_425  : i32 {
        %mul3A_556 = arith.constant 16 : i32
        %mul3A_557 = arith.muli %scan3A_555, %mul3A_556 : i32
        %get3A = arith.constant 1 : i32
        %get3A_558 = arith.constant 1 : i32
        %get3A_559 = arith.index_cast %get3A : i32 to index
        %get3A_560 = arith.index_cast %get3A_558 : i32 to index
        %get3A_561 = arith.index_cast %mul3A_557 : i32 to index
        %get3A_562 = tpu.vector_load %arg5[%get3A_559, %get3A_560, %get3A_561] {strides = array<i32>} : memref<3x4x1024xf32, #tpu.memory_space<vmem>>, vector<1x1x16xf32>,
        %get3A_563 = vector.shape_cast %get3A_562 : vector<1x1x16xf32> to vector<16xf32>
        %get3A_564 = arith.constant 1 : i32
        %get3A_565 = arith.constant 0 : i32
        %get3A_566 = arith.constant 1 : i32
        %get3A_567 = arith.index_cast %get3A_564 : i32 to index
        %get3A_568 = arith.index_cast %get3A_565 : i32 to index
        %get3A_569 = arith.index_cast %get3A_566 : i32 to index
        %get3A_570 = arith.index_cast %mul3A_557 : i32 to index
        %get3A_571 = tpu.vector_load %arg6[%get3A_567, %get3A_568, %get3A_569, %get3A_570] {strides = array<i32>} : memref<3x4x4x1024xf32, #tpu.memory_space<vmem>>, vector<1x1x1x16xf32>,
        %get3A_572 = vector.shape_cast %get3A_571 : vector<1x1x1x16xf32> to vector<16xf32>
        %add3A_573 = arith.addf %get3A_572, %get3A_563 : vector<16xf32>
        %swap3A = arith.constant 1 : i32
        %swap3A_574 = arith.constant 0 : i32
        %swap3A_575 = arith.constant 1 : i32
        %swap3A_576 = arith.index_cast %swap3A : i32 to index
        %swap3A_577 = arith.index_cast %swap3A_574 : i32 to index
        %swap3A_578 = arith.index_cast %swap3A_575 : i32 to index
        %swap3A_579 = arith.index_cast %mul3A_557 : i32 to index
        %swap3A_580 = tpu.vector_load %arg7[%swap3A_576, %swap3A_577, %swap3A_578, %swap3A_579] {strides = array<i32>} : memref<3x4x4x1024xf32, #tpu.memory_space<vmem>>, vector<1x1x1x16xf32>,
        %swap3A_581 = vector.shape_cast %swap3A_580 : vector<1x1x1x16xf32> to vector<16xf32>
        %swap3A_582 = vector.shape_cast %add3A_573 : vector<16xf32> to vector<1x1x1x16xf32>
        tpu.vector_store %arg7[%swap3A_576, %swap3A_577, %swap3A_578, %swap3A_579], %swap3A_582 {strides = array<i32>} : memref<3x4x4x1024xf32, #tpu.memory_space<vmem>>, vector<1x1x1x16xf32>,
        %get3A_583 = arith.constant 1 : i32
        %get3A_584 = arith.constant 1 : i32
        %get3A_585 = arith.constant 1 : i32
        %get3A_586 = arith.index_cast %get3A_583 : i32 to index
        %get3A_587 = arith.index_cast %get3A_584 : i32 to index
        %get3A_588 = arith.index_cast %get3A_585 : i32 to index
        %get3A_589 = arith.index_cast %mul3A_557 : i32 to index
        %get3A_590 = tpu.vector_load %arg6[%get3A_586, %get3A_587, %get3A_588, %get3A_589] {strides = array<i32>} : memref<3x4x4x1024xf32, #tpu.memory_space<vmem>>, vector<1x1x1x16xf32>,
        %get3A_591 = vector.shape_cast %get3A_590 : vector<1x1x1x16xf32> to vector<16xf32>
        %add3A_592 = arith.addf %get3A_591, %get3A_563 : vector<16xf32>
        %swap3A_593 = arith.constant 1 : i32
        %swap3A_594 = arith.constant 1 : i32
        %swap3A_595 = arith.constant 1 : i32
        %swap3A_596 = arith.index_cast %swap3A_593 : i32 to index
        %swap3A_597 = arith.index_cast %swap3A_594 : i32 to index
        %swap3A_598 = arith.index_cast %swap3A_595 : i32 to index
        %swap3A_599 = arith.index_cast %mul3A_557 : i32 to index
        %swap3A_600 = tpu.vector_load %arg7[%swap3A_596, %swap3A_597, %swap3A_598, %swap3A_599] {strides = array<i32>} : memref<3x4x4x1024xf32, #tpu.memory_space<vmem>>, vector<1x1x1x16xf32>,
        %swap3A_601 = vector.shape_cast %swap3A_600 : vector<1x1x1x16xf32> to vector<16xf32>
        %swap3A_602 = vector.shape_cast %add3A_592 : vector<16xf32> to vector<1x1x1x16xf32>
        tpu.vector_store %arg7[%swap3A_596, %swap3A_597, %swap3A_598, %swap3A_599], %swap3A_602 {strides = array<i32>} : memref<3x4x4x1024xf32, #tpu.memory_space<vmem>>, vector<1x1x1x16xf32>,
        %get3A_603 = arith.constant 1 : i32
        %get3A_604 = arith.constant 2 : i32
        %get3A_605 = arith.constant 1 : i32
        %get3A_606 = arith.index_cast %get3A_603 : i32 to index
        %get3A_607 = arith.index_cast %get3A_604 : i32 to index
        %get3A_608 = arith.index_cast %get3A_605 : i32 to index
        %get3A_609 = arith.index_cast %mul3A_557 : i32 to index
        %get3A_610 = tpu.vector_load %arg6[%get3A_606, %get3A_607, %get3A_608, %get3A_609] {strides = array<i32>} : memref<3x4x4x1024xf32, #tpu.memory_space<vmem>>, vector<1x1x1x16xf32>,
        %get3A_611 = vector.shape_cast %get3A_610 : vector<1x1x1x16xf32> to vector<16xf32>
        %add3A_612 = arith.addf %get3A_611, %get3A_563 : vector<16xf32>
        %swap3A_613 = arith.constant 1 : i32
        %swap3A_614 = arith.constant 2 : i32
        %swap3A_615 = arith.constant 1 : i32
        %swap3A_616 = arith.index_cast %swap3A_613 : i32 to index
        %swap3A_617 = arith.index_cast %swap3A_614 : i32 to index
        %swap3A_618 = arith.index_cast %swap3A_615 : i32 to index
        %swap3A_619 = arith.index_cast %mul3A_557 : i32 to index
        %swap3A_620 = tpu.vector_load %arg7[%swap3A_616, %swap3A_617, %swap3A_618, %swap3A_619] {strides = array<i32>} : memref<3x4x4x1024xf32, #tpu.memory_space<vmem>>, vector<1x1x1x16xf32>,
        %swap3A_621 = vector.shape_cast %swap3A_620 : vector<1x1x1x16xf32> to vector<16xf32>
        %swap3A_622 = vector.shape_cast %add3A_612 : vector<16xf32> to vector<1x1x1x16xf32>
        tpu.vector_store %arg7[%swap3A_616, %swap3A_617, %swap3A_618, %swap3A_619], %swap3A_622 {strides = array<i32>} : memref<3x4x4x1024xf32, #tpu.memory_space<vmem>>, vector<1x1x1x16xf32>,
        %get3A_623 = arith.constant 1 : i32
        %get3A_624 = arith.constant 3 : i32
        %get3A_625 = arith.constant 1 : i32
        %get3A_626 = arith.index_cast %get3A_623 : i32 to index
        %get3A_627 = arith.index_cast %get3A_624 : i32 to index
        %get3A_628 = arith.index_cast %get3A_625 : i32 to index
        %get3A_629 = arith.index_cast %mul3A_557 : i32 to index
        %get3A_630 = tpu.vector_load %arg6[%get3A_626, %get3A_627, %get3A_628, %get3A_629] {strides = array<i32>} : memref<3x4x4x1024xf32, #tpu.memory_space<vmem>>, vector<1x1x1x16xf32>,
        %get3A_631 = vector.shape_cast %get3A_630 : vector<1x1x1x16xf32> to vector<16xf32>
        %add3A_632 = arith.addf %get3A_631, %get3A_563 : vector<16xf32>
        %swap3A_633 = arith.constant 1 : i32
        %swap3A_634 = arith.constant 3 : i32
        %swap3A_635 = arith.constant 1 : i32
        %swap3A_636 = arith.index_cast %swap3A_633 : i32 to index
        %swap3A_637 = arith.index_cast %swap3A_634 : i32 to index
        %swap3A_638 = arith.index_cast %swap3A_635 : i32 to index
        %swap3A_639 = arith.index_cast %mul3A_557 : i32 to index
        %swap3A_640 = tpu.vector_load %arg7[%swap3A_636, %swap3A_637, %swap3A_638, %swap3A_639] {strides = array<i32>} : memref<3x4x4x1024xf32, #tpu.memory_space<vmem>>, vector<1x1x1x16xf32>,
        %swap3A_641 = vector.shape_cast %swap3A_640 : vector<1x1x1x16xf32> to vector<16xf32>
        %swap3A_642 = vector.shape_cast %add3A_632 : vector<16xf32> to vector<1x1x1x16xf32>
        tpu.vector_store %arg7[%swap3A_636, %swap3A_637, %swap3A_638, %swap3A_639], %swap3A_642 {strides = array<i32>} : memref<3x4x4x1024xf32, #tpu.memory_space<vmem>>, vector<1x1x1x16xf32>,
      }
      %scan3A_426 = arith.constant 64 : i32
      %scan3A_427 = arith.constant 0 : i32
      %scan3A_428 = arith.constant 0 : i32
      %scan3A_429 = arith.constant 64 : i32
      %scan3A_430 = arith.addi %scan3A_428, %scan3A_429 : i32
      %scan3A_431 = arith.constant 1 : i32
      scf.for %scan3A_555 = %scan3A_428 to %scan3A_430 step %scan3A_431  : i32 {
        %mul3A_556 = arith.constant 16 : i32
        %mul3A_557 = arith.muli %scan3A_555, %mul3A_556 : i32
        %get3A = arith.constant 1 : i32
        %get3A_558 = arith.constant 2 : i32
        %get3A_559 = arith.index_cast %get3A : i32 to index
        %get3A_560 = arith.index_cast %get3A_558 : i32 to index
        %get3A_561 = arith.index_cast %mul3A_557 : i32 to index
        %get3A_562 = tpu.vector_load %arg5[%get3A_559, %get3A_560, %get3A_561] {strides = array<i32>} : memref<3x4x1024xf32, #tpu.memory_space<vmem>>, vector<1x1x16xf32>,
        %get3A_563 = vector.shape_cast %get3A_562 : vector<1x1x16xf32> to vector<16xf32>
        %get3A_564 = arith.constant 1 : i32
        %get3A_565 = arith.constant 0 : i32
        %get3A_566 = arith.constant 2 : i32
        %get3A_567 = arith.index_cast %get3A_564 : i32 to index
        %get3A_568 = arith.index_cast %get3A_565 : i32 to index
        %get3A_569 = arith.index_cast %get3A_566 : i32 to index
        %get3A_570 = arith.index_cast %mul3A_557 : i32 to index
        %get3A_571 = tpu.vector_load %arg6[%get3A_567, %get3A_568, %get3A_569, %get3A_570] {strides = array<i32>} : memref<3x4x4x1024xf32, #tpu.memory_space<vmem>>, vector<1x1x1x16xf32>,
        %get3A_572 = vector.shape_cast %get3A_571 : vector<1x1x1x16xf32> to vector<16xf32>
        %add3A_573 = arith.addf %get3A_572, %get3A_563 : vector<16xf32>
        %swap3A = arith.constant 1 : i32
        %swap3A_574 = arith.constant 0 : i32
        %swap3A_575 = arith.constant 2 : i32
        %swap3A_576 = arith.index_cast %swap3A : i32 to index
        %swap3A_577 = arith.index_cast %swap3A_574 : i32 to index
        %swap3A_578 = arith.index_cast %swap3A_575 : i32 to index
        %swap3A_579 = arith.index_cast %mul3A_557 : i32 to index
        %swap3A_580 = tpu.vector_load %arg7[%swap3A_576, %swap3A_577, %swap3A_578, %swap3A_579] {strides = array<i32>} : memref<3x4x4x1024xf32, #tpu.memory_space<vmem>>, vector<1x1x1x16xf32>,
        %swap3A_581 = vector.shape_cast %swap3A_580 : vector<1x1x1x16xf32> to vector<16xf32>
        %swap3A_582 = vector.shape_cast %add3A_573 : vector<16xf32> to vector<1x1x1x16xf32>
        tpu.vector_store %arg7[%swap3A_576, %swap3A_577, %swap3A_578, %swap3A_579], %swap3A_582 {strides = array<i32>} : memref<3x4x4x1024xf32, #tpu.memory_space<vmem>>, vector<1x1x1x16xf32>,
        %get3A_583 = arith.constant 1 : i32
        %get3A_584 = arith.constant 1 : i32
        %get3A_585 = arith.constant 2 : i32
        %get3A_586 = arith.index_cast %get3A_583 : i32 to index
        %get3A_587 = arith.index_cast %get3A_584 : i32 to index
        %get3A_588 = arith.index_cast %get3A_585 : i32 to index
        %get3A_589 = arith.index_cast %mul3A_557 : i32 to index
        %get3A_590 = tpu.vector_load %arg6[%get3A_586, %get3A_587, %get3A_588, %get3A_589] {strides = array<i32>} : memref<3x4x4x1024xf32, #tpu.memory_space<vmem>>, vector<1x1x1x16xf32>,
        %get3A_591 = vector.shape_cast %get3A_590 : vector<1x1x1x16xf32> to vector<16xf32>
        %add3A_592 = arith.addf %get3A_591, %get3A_563 : vector<16xf32>
        %swap3A_593 = arith.constant 1 : i32
        %swap3A_594 = arith.constant 1 : i32
        %swap3A_595 = arith.constant 2 : i32
        %swap3A_596 = arith.index_cast %swap3A_593 : i32 to index
        %swap3A_597 = arith.index_cast %swap3A_594 : i32 to index
        %swap3A_598 = arith.index_cast %swap3A_595 : i32 to index
        %swap3A_599 = arith.index_cast %mul3A_557 : i32 to index
        %swap3A_600 = tpu.vector_load %arg7[%swap3A_596, %swap3A_597, %swap3A_598, %swap3A_599] {strides = array<i32>} : memref<3x4x4x1024xf32, #tpu.memory_space<vmem>>, vector<1x1x1x16xf32>,
        %swap3A_601 = vector.shape_cast %swap3A_600 : vector<1x1x1x16xf32> to vector<16xf32>
        %swap3A_602 = vector.shape_cast %add3A_592 : vector<16xf32> to vector<1x1x1x16xf32>
        tpu.vector_store %arg7[%swap3A_596, %swap3A_597, %swap3A_598, %swap3A_599], %swap3A_602 {strides = array<i32>} : memref<3x4x4x1024xf32, #tpu.memory_space<vmem>>, vector<1x1x1x16xf32>,
        %get3A_603 = arith.constant 1 : i32
        %get3A_604 = arith.constant 2 : i32
        %get3A_605 = arith.constant 2 : i32
        %get3A_606 = arith.index_cast %get3A_603 : i32 to index
        %get3A_607 = arith.index_cast %get3A_604 : i32 to index
        %get3A_608 = arith.index_cast %get3A_605 : i32 to index
        %get3A_609 = arith.index_cast %mul3A_557 : i32 to index
        %get3A_610 = tpu.vector_load %arg6[%get3A_606, %get3A_607, %get3A_608, %get3A_609] {strides = array<i32>} : memref<3x4x4x1024xf32, #tpu.memory_space<vmem>>, vector<1x1x1x16xf32>,
        %get3A_611 = vector.shape_cast %get3A_610 : vector<1x1x1x16xf32> to vector<16xf32>
        %add3A_612 = arith.addf %get3A_611, %get3A_563 : vector<16xf32>
        %swap3A_613 = arith.constant 1 : i32
        %swap3A_614 = arith.constant 2 : i32
        %swap3A_615 = arith.constant 2 : i32
        %swap3A_616 = arith.index_cast %swap3A_613 : i32 to index
        %swap3A_617 = arith.index_cast %swap3A_614 : i32 to index
        %swap3A_618 = arith.index_cast %swap3A_615 : i32 to index
        %swap3A_619 = arith.index_cast %mul3A_557 : i32 to index
        %swap3A_620 = tpu.vector_load %arg7[%swap3A_616, %swap3A_617, %swap3A_618, %swap3A_619] {strides = array<i32>} : memref<3x4x4x1024xf32, #tpu.memory_space<vmem>>, vector<1x1x1x16xf32>,
        %swap3A_621 = vector.shape_cast %swap3A_620 : vector<1x1x1x16xf32> to vector<16xf32>
        %swap3A_622 = vector.shape_cast %add3A_612 : vector<16xf32> to vector<1x1x1x16xf32>
        tpu.vector_store %arg7[%swap3A_616, %swap3A_617, %swap3A_618, %swap3A_619], %swap3A_622 {strides = array<i32>} : memref<3x4x4x1024xf32, #tpu.memory_space<vmem>>, vector<1x1x1x16xf32>,
        %get3A_623 = arith.constant 1 : i32
        %get3A_624 = arith.constant 3 : i32
        %get3A_625 = arith.constant 2 : i32
        %get3A_626 = arith.index_cast %get3A_623 : i32 to index
        %get3A_627 = arith.index_cast %get3A_624 : i32 to index
        %get3A_628 = arith.index_cast %get3A_625 : i32 to index
        %get3A_629 = arith.index_cast %mul3A_557 : i32 to index
        %get3A_630 = tpu.vector_load %arg6[%get3A_626, %get3A_627, %get3A_628, %get3A_629] {strides = array<i32>} : memref<3x4x4x1024xf32, #tpu.memory_space<vmem>>, vector<1x1x1x16xf32>,
        %get3A_631 = vector.shape_cast %get3A_630 : vector<1x1x1x16xf32> to vector<16xf32>
        %add3A_632 = arith.addf %get3A_631, %get3A_563 : vector<16xf32>
        %swap3A_633 = arith.constant 1 : i32
        %swap3A_634 = arith.constant 3 : i32
        %swap3A_635 = arith.constant 2 : i32
        %swap3A_636 = arith.index_cast %swap3A_633 : i32 to index
        %swap3A_637 = arith.index_cast %swap3A_634 : i32 to index
        %swap3A_638 = arith.index_cast %swap3A_635 : i32 to index
        %swap3A_639 = arith.index_cast %mul3A_557 : i32 to index
        %swap3A_640 = tpu.vector_load %arg7[%swap3A_636, %swap3A_637, %swap3A_638, %swap3A_639] {strides = array<i32>} : memref<3x4x4x1024xf32, #tpu.memory_space<vmem>>, vector<1x1x1x16xf32>,
        %swap3A_641 = vector.shape_cast %swap3A_640 : vector<1x1x1x16xf32> to vector<16xf32>
        %swap3A_642 = vector.shape_cast %add3A_632 : vector<16xf32> to vector<1x1x1x16xf32>
        tpu.vector_store %arg7[%swap3A_636, %swap3A_637, %swap3A_638, %swap3A_639], %swap3A_642 {strides = array<i32>} : memref<3x4x4x1024xf32, #tpu.memory_space<vmem>>, vector<1x1x1x16xf32>,
      }
      %scan3A_432 = arith.constant 64 : i32
      %scan3A_433 = arith.constant 0 : i32
      %scan3A_434 = arith.constant 0 : i32
      %scan3A_435 = arith.constant 64 : i32
      %scan3A_436 = arith.addi %scan3A_434, %scan3A_435 : i32
      %scan3A_437 = arith.constant 1 : i32
      scf.for %scan3A_555 = %scan3A_434 to %scan3A_436 step %scan3A_437  : i32 {
        %mul3A_556 = arith.constant 16 : i32
        %mul3A_557 = arith.muli %scan3A_555, %mul3A_556 : i32
        %get3A = arith.constant 1 : i32
        %get3A_558 = arith.constant 3 : i32
        %get3A_559 = arith.index_cast %get3A : i32 to index
        %get3A_560 = arith.index_cast %get3A_558 : i32 to index
        %get3A_561 = arith.index_cast %mul3A_557 : i32 to index
        %get3A_562 = tpu.vector_load %arg5[%get3A_559, %get3A_560, %get3A_561] {strides = array<i32>} : memref<3x4x1024xf32, #tpu.memory_space<vmem>>, vector<1x1x16xf32>,
        %get3A_563 = vector.shape_cast %get3A_562 : vector<1x1x16xf32> to vector<16xf32>
        %get3A_564 = arith.constant 1 : i32
        %get3A_565 = arith.constant 0 : i32
        %get3A_566 = arith.constant 3 : i32
        %get3A_567 = arith.index_cast %get3A_564 : i32 to index
        %get3A_568 = arith.index_cast %get3A_565 : i32 to index
        %get3A_569 = arith.index_cast %get3A_566 : i32 to index
        %get3A_570 = arith.index_cast %mul3A_557 : i32 to index
        %get3A_571 = tpu.vector_load %arg6[%get3A_567, %get3A_568, %get3A_569, %get3A_570] {strides = array<i32>} : memref<3x4x4x1024xf32, #tpu.memory_space<vmem>>, vector<1x1x1x16xf32>,
        %get3A_572 = vector.shape_cast %get3A_571 : vector<1x1x1x16xf32> to vector<16xf32>
        %add3A_573 = arith.addf %get3A_572, %get3A_563 : vector<16xf32>
        %swap3A = arith.constant 1 : i32
        %swap3A_574 = arith.constant 0 : i32
        %swap3A_575 = arith.constant 3 : i32
        %swap3A_576 = arith.index_cast %swap3A : i32 to index
        %swap3A_577 = arith.index_cast %swap3A_574 : i32 to index
        %swap3A_578 = arith.index_cast %swap3A_575 : i32 to index
        %swap3A_579 = arith.index_cast %mul3A_557 : i32 to index
        %swap3A_580 = tpu.vector_load %arg7[%swap3A_576, %swap3A_577, %swap3A_578, %swap3A_579] {strides = array<i32>} : memref<3x4x4x1024xf32, #tpu.memory_space<vmem>>, vector<1x1x1x16xf32>,
        %swap3A_581 = vector.shape_cast %swap3A_580 : vector<1x1x1x16xf32> to vector<16xf32>
        %swap3A_582 = vector.shape_cast %add3A_573 : vector<16xf32> to vector<1x1x1x16xf32>
        tpu.vector_store %arg7[%swap3A_576, %swap3A_577, %swap3A_578, %swap3A_579], %swap3A_582 {strides = array<i32>} : memref<3x4x4x1024xf32, #tpu.memory_space<vmem>>, vector<1x1x1x16xf32>,
        %get3A_583 = arith.constant 1 : i32
        %get3A_584 = arith.constant 1 : i32
        %get3A_585 = arith.constant 3 : i32
        %get3A_586 = arith.index_cast %get3A_583 : i32 to index
        %get3A_587 = arith.index_cast %get3A_584 : i32 to index
        %get3A_588 = arith.index_cast %get3A_585 : i32 to index
        %get3A_589 = arith.index_cast %mul3A_557 : i32 to index
        %get3A_590 = tpu.vector_load %arg6[%get3A_586, %get3A_587, %get3A_588, %get3A_589] {strides = array<i32>} : memref<3x4x4x1024xf32, #tpu.memory_space<vmem>>, vector<1x1x1x16xf32>,
        %get3A_591 = vector.shape_cast %get3A_590 : vector<1x1x1x16xf32> to vector<16xf32>
        %add3A_592 = arith.addf %get3A_591, %get3A_563 : vector<16xf32>
        %swap3A_593 = arith.constant 1 : i32
        %swap3A_594 = arith.constant 1 : i32
        %swap3A_595 = arith.constant 3 : i32
        %swap3A_596 = arith.index_cast %swap3A_593 : i32 to index
        %swap3A_597 = arith.index_cast %swap3A_594 : i32 to index
        %swap3A_598 = arith.index_cast %swap3A_595 : i32 to index
        %swap3A_599 = arith.index_cast %mul3A_557 : i32 to index
        %swap3A_600 = tpu.vector_load %arg7[%swap3A_596, %swap3A_597, %swap3A_598, %swap3A_599] {strides = array<i32>} : memref<3x4x4x1024xf32, #tpu.memory_space<vmem>>, vector<1x1x1x16xf32>,
        %swap3A_601 = vector.shape_cast %swap3A_600 : vector<1x1x1x16xf32> to vector<16xf32>
        %swap3A_602 = vector.shape_cast %add3A_592 : vector<16xf32> to vector<1x1x1x16xf32>
        tpu.vector_store %arg7[%swap3A_596, %swap3A_597, %swap3A_598, %swap3A_599], %swap3A_602 {strides = array<i32>} : memref<3x4x4x1024xf32, #tpu.memory_space<vmem>>, vector<1x1x1x16xf32>,
        %get3A_603 = arith.constant 1 : i32
        %get3A_604 = arith.constant 2 : i32
        %get3A_605 = arith.constant 3 : i32
        %get3A_606 = arith.index_cast %get3A_603 : i32 to index
        %get3A_607 = arith.index_cast %get3A_604 : i32 to index
        %get3A_608 = arith.index_cast %get3A_605 : i32 to index
        %get3A_609 = arith.index_cast %mul3A_557 : i32 to index
        %get3A_610 = tpu.vector_load %arg6[%get3A_606, %get3A_607, %get3A_608, %get3A_609] {strides = array<i32>} : memref<3x4x4x1024xf32, #tpu.memory_space<vmem>>, vector<1x1x1x16xf32>,
        %get3A_611 = vector.shape_cast %get3A_610 : vector<1x1x1x16xf32> to vector<16xf32>
        %add3A_612 = arith.addf %get3A_611, %get3A_563 : vector<16xf32>
        %swap3A_613 = arith.constant 1 : i32
        %swap3A_614 = arith.constant 2 : i32
        %swap3A_615 = arith.constant 3 : i32
        %swap3A_616 = arith.index_cast %swap3A_613 : i32 to index
        %swap3A_617 = arith.index_cast %swap3A_614 : i32 to index
        %swap3A_618 = arith.index_cast %swap3A_615 : i32 to index
        %swap3A_619 = arith.index_cast %mul3A_557 : i32 to index
        %swap3A_620 = tpu.vector_load %arg7[%swap3A_616, %swap3A_617, %swap3A_618, %swap3A_619] {strides = array<i32>} : memref<3x4x4x1024xf32, #tpu.memory_space<vmem>>, vector<1x1x1x16xf32>,
        %swap3A_621 = vector.shape_cast %swap3A_620 : vector<1x1x1x16xf32> to vector<16xf32>
        %swap3A_622 = vector.shape_cast %add3A_612 : vector<16xf32> to vector<1x1x1x16xf32>
        tpu.vector_store %arg7[%swap3A_616, %swap3A_617, %swap3A_618, %swap3A_619], %swap3A_622 {strides = array<i32>} : memref<3x4x4x1024xf32, #tpu.memory_space<vmem>>, vector<1x1x1x16xf32>,
        %get3A_623 = arith.constant 1 : i32
        %get3A_624 = arith.constant 3 : i32
        %get3A_625 = arith.constant 3 : i32
        %get3A_626 = arith.index_cast %get3A_623 : i32 to index
        %get3A_627 = arith.index_cast %get3A_624 : i32 to index
        %get3A_628 = arith.index_cast %get3A_625 : i32 to index
        %get3A_629 = arith.index_cast %mul3A_557 : i32 to index
        %get3A_630 = tpu.vector_load %arg6[%get3A_626, %get3A_627, %get3A_628, %get3A_629] {strides = array<i32>} : memref<3x4x4x1024xf32, #tpu.memory_space<vmem>>, vector<1x1x1x16xf32>,
        %get3A_631 = vector.shape_cast %get3A_630 : vector<1x1x1x16xf32> to vector<16xf32>
        %add3A_632 = arith.addf %get3A_631, %get3A_563 : vector<16xf32>
        %swap3A_633 = arith.constant 1 : i32
        %swap3A_634 = arith.constant 3 : i32
        %swap3A_635 = arith.constant 3 : i32
        %swap3A_636 = arith.index_cast %swap3A_633 : i32 to index
        %swap3A_637 = arith.index_cast %swap3A_634 : i32 to index
        %swap3A_638 = arith.index_cast %swap3A_635 : i32 to index
        %swap3A_639 = arith.index_cast %mul3A_557 : i32 to index
        %swap3A_640 = tpu.vector_load %arg7[%swap3A_636, %swap3A_637, %swap3A_638, %swap3A_639] {strides = array<i32>} : memref<3x4x4x1024xf32, #tpu.memory_space<vmem>>, vector<1x1x1x16xf32>,
        %swap3A_641 = vector.shape_cast %swap3A_640 : vector<1x1x1x16xf32> to vector<16xf32>
        %swap3A_642 = vector.shape_cast %add3A_632 : vector<16xf32> to vector<1x1x1x16xf32>
        tpu.vector_store %arg7[%swap3A_636, %swap3A_637, %swap3A_638, %swap3A_639], %swap3A_642 {strides = array<i32>} : memref<3x4x4x1024xf32, #tpu.memory_space<vmem>>, vector<1x1x1x16xf32>,
      }
      %scan3A_438 = arith.constant 64 : i32
      %mul3A_439 = arith.constant 4 : i32
      %mul3A_440 = arith.muli %add3A_376, %mul3A_439 : i32
      %add3A_441 = arith.addi %mul3A_2, %mul3A_440 : i32
      %dma_start3A_442 = arith.constant 1 : i32
      %dma_start3A_443 = arith.constant 0 : i32
      %dma_start3A_444 = arith.constant 0 : i32
      %dma_start3A_445 = arith.constant 0 : i32
      %dma_start3A_446 = tpu.memref_slice %arg7[%dma_start3A_442, %dma_start3A_443, %dma_start3A_444, %dma_start3A_445] : memref<3x4x4x1024xf32, #tpu.memory_space<vmem>> -> memref<1x4x4x1024xf32, #tpu.memory_space<vmem>>
      %dma_start3A_447 = tpu.memref_squeeze %dma_start3A_446 : memref<1x4x4x1024xf32, #tpu.memory_space<vmem>> -> memref<4x4x1024xf32, #tpu.memory_space<vmem>>
      %dma_start3A_448 = arith.constant 0 : i32
      %dma_start3A_449 = arith.constant 0 : i32
      %dma_start3A_450 = tpu.memref_slice %arg4[%dma_start3A_448, %add3A_441, %dma_start3A_449] : memref<4x8192x1024xf32, #tpu.memory_space<hbm>> -> memref<4x4x1024xf32, #tpu.memory_space<hbm>>
      %dma_start3A_451 = arith.constant 0 : i32
      %dma_start3A_452 = arith.constant 0 : i32
      %dma_start3A_453 = tpu.memref_slice %arg4[%dma_start3A_451, %add3A_441, %dma_start3A_452] : memref<4x8192x1024xf32, #tpu.memory_space<hbm>> -> memref<4x4x1024xf32, #tpu.memory_space<hbm>>
      %dma_start3A_454 = arith.constant 0 : i32
      %dma_start3A_455 = arith.constant 0 : i32
      %dma_start3A_456 = arith.constant 0 : i32
      %dma_start3A_457 = tpu.memref_slice %arg7[%dma_start3A_442, %dma_start3A_454, %dma_start3A_455, %dma_start3A_456] : memref<3x4x4x1024xf32, #tpu.memory_space<vmem>> -> memref<1x4x4x1024xf32, #tpu.memory_space<vmem>>
      %dma_start3A_458 = tpu.memref_squeeze %dma_start3A_457 : memref<1x4x4x1024xf32, #tpu.memory_space<vmem>> -> memref<4x4x1024xf32, #tpu.memory_space<vmem>>
      tpu.enqueue_dma source(%dma_start3A_458 : memref<4x4x1024xf32, #tpu.memory_space<vmem>>) target(%dma_start3A_453 : memref<4x4x1024xf32, #tpu.memory_space<hbm>>) target_semaphore(%arg12 : memref<!tpu.dma_semaphore, #tpu.memory_space<semaphore_mem>>)
      %lt3A_459 = arith.constant 20 : i32
      %lt3A_460 = arith.cmpi slt, %scan3A_285, %lt3A_459 : i32
      %convert_element_type3A_461 = arith.extui %lt3A_460 : i1 to i32
      %cond3A_462 = arith.constant 0 : i32
      %cond3A_463 = arith.cmpi ne, %convert_element_type3A_461, %cond3A_462 : i32
      scf.if %cond3A_463 {
        %add3A_555 = arith.constant 3 : i32
        %add3A_556 = arith.addi %add3A_376, %add3A_555 : i32
        %mul3A_557 = arith.constant 4 : i32
        %mul3A_558 = arith.muli %add3A_556, %mul3A_557 : i32
        %add3A_559 = arith.addi %mul3A_2, %mul3A_558 : i32
        %dma_start3A_560 = arith.constant 1 : i32
        %dma_start3A_561 = arith.constant 0 : i32
        %dma_start3A_562 = arith.constant 0 : i32
        %dma_start3A_563 = tpu.memref_slice %arg5[%dma_start3A_560, %dma_start3A_561, %dma_start3A_562] : memref<3x4x1024xf32, #tpu.memory_space<vmem>> -> memref<1x4x1024xf32, #tpu.memory_space<vmem>>
        %dma_start3A_564 = tpu.memref_squeeze %dma_start3A_563 : memref<1x4x1024xf32, #tpu.memory_space<vmem>> -> memref<4x1024xf32, #tpu.memory_space<vmem>>
        %dma_start3A_565 = arith.constant 0 : i32
        %dma_start3A_566 = tpu.memref_slice %arg3[%add3A_559, %dma_start3A_565] : memref<8192x1024xf32, #tpu.memory_space<hbm>> -> memref<4x1024xf32, #tpu.memory_space<hbm>>
        %dma_start3A_567 = arith.constant 0 : i32
        %dma_start3A_568 = arith.constant 0 : i32
        %dma_start3A_569 = tpu.memref_slice %arg5[%dma_start3A_560, %dma_start3A_567, %dma_start3A_568] : memref<3x4x1024xf32, #tpu.memory_space<vmem>> -> memref<1x4x1024xf32, #tpu.memory_space<vmem>>
        %dma_start3A_570 = tpu.memref_squeeze %dma_start3A_569 : memref<1x4x1024xf32, #tpu.memory_space<vmem>> -> memref<4x1024xf32, #tpu.memory_space<vmem>>
        %dma_start3A_571 = arith.constant 0 : i32
        %dma_start3A_572 = tpu.memref_slice %arg3[%add3A_559, %dma_start3A_571] : memref<8192x1024xf32, #tpu.memory_space<hbm>> -> memref<4x1024xf32, #tpu.memory_space<hbm>>
        tpu.enqueue_dma source(%dma_start3A_572 : memref<4x1024xf32, #tpu.memory_space<hbm>>) target(%dma_start3A_570 : memref<4x1024xf32, #tpu.memory_space<vmem>>) target_semaphore(%arg9 : memref<!tpu.dma_semaphore, #tpu.memory_space<semaphore_mem>>)
        %dma_start3A_573 = arith.constant 1 : i32
        %dma_start3A_574 = arith.constant 0 : i32
        %dma_start3A_575 = arith.constant 0 : i32
        %dma_start3A_576 = arith.constant 0 : i32
        %dma_start3A_577 = tpu.memref_slice %arg6[%dma_start3A_573, %dma_start3A_574, %dma_start3A_575, %dma_start3A_576] : memref<3x4x4x1024xf32, #tpu.memory_space<vmem>> -> memref<1x4x4x1024xf32, #tpu.memory_space<vmem>>
        %dma_start3A_578 = tpu.memref_squeeze %dma_start3A_577 : memref<1x4x4x1024xf32, #tpu.memory_space<vmem>> -> memref<4x4x1024xf32, #tpu.memory_space<vmem>>
        %dma_start3A_579 = arith.constant 0 : i32
        %dma_start3A_580 = arith.constant 0 : i32
        %dma_start3A_581 = tpu.memref_slice %arg2[%dma_start3A_579, %add3A_559, %dma_start3A_580] : memref<4x8192x1024xf32, #tpu.memory_space<hbm>> -> memref<4x4x1024xf32, #tpu.memory_space<hbm>>
        %dma_start3A_582 = arith.constant 0 : i32
        %dma_start3A_583 = arith.constant 0 : i32
        %dma_start3A_584 = arith.constant 0 : i32
        %dma_start3A_585 = tpu.memref_slice %arg6[%dma_start3A_573, %dma_start3A_582, %dma_start3A_583, %dma_start3A_584] : memref<3x4x4x1024xf32, #tpu.memory_space<vmem>> -> memref<1x4x4x1024xf32, #tpu.memory_space<vmem>>
        %dma_start3A_586 = tpu.memref_squeeze %dma_start3A_585 : memref<1x4x4x1024xf32, #tpu.memory_space<vmem>> -> memref<4x4x1024xf32, #tpu.memory_space<vmem>>
        %dma_start3A_587 = arith.constant 0 : i32
        %dma_start3A_588 = arith.constant 0 : i32
        %dma_start3A_589 = tpu.memref_slice %arg2[%dma_start3A_587, %add3A_559, %dma_start3A_588] : memref<4x8192x1024xf32, #tpu.memory_space<hbm>> -> memref<4x4x1024xf32, #tpu.memory_space<hbm>>
        tpu.enqueue_dma source(%dma_start3A_589 : memref<4x4x1024xf32, #tpu.memory_space<hbm>>) target(%dma_start3A_586 : memref<4x4x1024xf32, #tpu.memory_space<vmem>>) target_semaphore(%arg9 : memref<!tpu.dma_semaphore, #tpu.memory_space<semaphore_mem>>)
      } else {
      }
      %mul3A_464 = arith.constant 3 : i32
      %mul3A_465 = arith.muli %scan3A_285, %mul3A_464 : i32
      %add3A_466 = arith.constant 2 : i32
      %add3A_467 = arith.addi %mul3A_465, %add3A_466 : i32
      %mul3A_468 = arith.constant 4 : i32
      %mul3A_469 = arith.muli %add3A_467, %mul3A_468 : i32
      %add3A_470 = arith.addi %mul3A_2, %mul3A_469 : i32
      %dma_wait3A_471 = arith.constant 2 : i32
      %dma_wait3A_472 = arith.constant 0 : i32
      %dma_wait3A_473 = arith.constant 0 : i32
      %dma_wait3A_474 = tpu.memref_slice %arg5[%dma_wait3A_471, %dma_wait3A_472, %dma_wait3A_473] : memref<3x4x1024xf32, #tpu.memory_space<vmem>> -> memref<1x4x1024xf32, #tpu.memory_space<vmem>>
      %dma_wait3A_475 = tpu.memref_squeeze %dma_wait3A_474 : memref<1x4x1024xf32, #tpu.memory_space<vmem>> -> memref<4x1024xf32, #tpu.memory_space<vmem>>
      %dma_wait3A_476 = arith.constant 0 : i32
      %dma_wait3A_477 = tpu.memref_slice %arg3[%add3A_470, %dma_wait3A_476] : memref<8192x1024xf32, #tpu.memory_space<hbm>> -> memref<4x1024xf32, #tpu.memory_space<hbm>>
      %dma_wait3A_478 = arith.constant 0 : i32
      %dma_wait3A_479 = arith.constant 0 : i32
      %dma_wait3A_480 = tpu.memref_slice %arg5[%dma_wait3A_471, %dma_wait3A_478, %dma_wait3A_479] : memref<3x4x1024xf32, #tpu.memory_space<vmem>> -> memref<1x4x1024xf32, #tpu.memory_space<vmem>>
      %dma_wait3A_481 = tpu.memref_squeeze %dma_wait3A_480 : memref<1x4x1024xf32, #tpu.memory_space<vmem>> -> memref<4x1024xf32, #tpu.memory_space<vmem>>
      %dma_wait3A_482 = arith.constant 0 : i32
      %dma_wait3A_483 = tpu.memref_slice %arg3[%add3A_470, %dma_wait3A_482] : memref<8192x1024xf32, #tpu.memory_space<hbm>> -> memref<4x1024xf32, #tpu.memory_space<hbm>>
      tpu.wait_dma2 semaphore(%arg10 : memref<!tpu.dma_semaphore, #tpu.memory_space<semaphore_mem>>) src(%dma_wait3A_483 : memref<4x1024xf32, #tpu.memory_space<hbm>>) dst(%dma_wait3A_481 : memref<4x1024xf32, #tpu.memory_space<vmem>>)
      %dma_wait3A_484 = arith.constant 2 : i32
      %dma_wait3A_485 = arith.constant 0 : i32
      %dma_wait3A_486 = arith.constant 0 : i32
      %dma_wait3A_487 = arith.constant 0 : i32
      %dma_wait3A_488 = tpu.memref_slice %arg6[%dma_wait3A_484, %dma_wait3A_485, %dma_wait3A_486, %dma_wait3A_487] : memref<3x4x4x1024xf32, #tpu.memory_space<vmem>> -> memref<1x4x4x1024xf32, #tpu.memory_space<vmem>>
      %dma_wait3A_489 = tpu.memref_squeeze %dma_wait3A_488 : memref<1x4x4x1024xf32, #tpu.memory_space<vmem>> -> memref<4x4x1024xf32, #tpu.memory_space<vmem>>
      %dma_wait3A_490 = arith.constant 0 : i32
      %dma_wait3A_491 = arith.constant 0 : i32
      %dma_wait3A_492 = tpu.memref_slice %arg2[%dma_wait3A_490, %add3A_470, %dma_wait3A_491] : memref<4x8192x1024xf32, #tpu.memory_space<hbm>> -> memref<4x4x1024xf32, #tpu.memory_space<hbm>>
      %dma_wait3A_493 = arith.constant 0 : i32
      %dma_wait3A_494 = arith.constant 0 : i32
      %dma_wait3A_495 = arith.constant 0 : i32
      %dma_wait3A_496 = tpu.memref_slice %arg6[%dma_wait3A_484, %dma_wait3A_493, %dma_wait3A_494, %dma_wait3A_495] : memref<3x4x4x1024xf32, #tpu.memory_space<vmem>> -> memref<1x4x4x1024xf32, #tpu.memory_space<vmem>>
      %dma_wait3A_497 = tpu.memref_squeeze %dma_wait3A_496 : memref<1x4x4x1024xf32, #tpu.memory_space<vmem>> -> memref<4x4x1024xf32, #tpu.memory_space<vmem>>
      %dma_wait3A_498 = arith.constant 0 : i32
      %dma_wait3A_499 = arith.constant 0 : i32
      %dma_wait3A_500 = tpu.memref_slice %arg2[%dma_wait3A_498, %add3A_470, %dma_wait3A_499] : memref<4x8192x1024xf32, #tpu.memory_space<hbm>> -> memref<4x4x1024xf32, #tpu.memory_space<hbm>>
      tpu.wait_dma2 semaphore(%arg10 : memref<!tpu.dma_semaphore, #tpu.memory_space<semaphore_mem>>) src(%dma_wait3A_500 : memref<4x4x1024xf32, #tpu.memory_space<hbm>>) dst(%dma_wait3A_497 : memref<4x4x1024xf32, #tpu.memory_space<vmem>>)
      %gt3A_501 = arith.constant 0 : i32
      %gt3A_502 = arith.cmpi sgt, %scan3A_285, %gt3A_501 : i32
      %convert_element_type3A_503 = arith.extui %gt3A_502 : i1 to i32
      %cond3A_504 = arith.constant 0 : i32
      %cond3A_505 = arith.cmpi ne, %convert_element_type3A_503, %cond3A_504 : i32
      scf.if %cond3A_505 {
        %sub3A = arith.constant 3 : i32
        %sub3A_555 = arith.subi %add3A_467, %sub3A : i32
        %mul3A_556 = arith.constant 4 : i32
        %mul3A_557 = arith.muli %sub3A_555, %mul3A_556 : i32
        %add3A_558 = arith.addi %mul3A_2, %mul3A_557 : i32
        %dma_wait3A_559 = arith.constant 2 : i32
        %dma_wait3A_560 = arith.constant 0 : i32
        %dma_wait3A_561 = arith.constant 0 : i32
        %dma_wait3A_562 = arith.constant 0 : i32
        %dma_wait3A_563 = tpu.memref_slice %arg7[%dma_wait3A_559, %dma_wait3A_560, %dma_wait3A_561, %dma_wait3A_562] : memref<3x4x4x1024xf32, #tpu.memory_space<vmem>> -> memref<1x4x4x1024xf32, #tpu.memory_space<vmem>>
        %dma_wait3A_564 = tpu.memref_squeeze %dma_wait3A_563 : memref<1x4x4x1024xf32, #tpu.memory_space<vmem>> -> memref<4x4x1024xf32, #tpu.memory_space<vmem>>
        %dma_wait3A_565 = arith.constant 0 : i32
        %dma_wait3A_566 = arith.constant 0 : i32
        %dma_wait3A_567 = tpu.memref_slice %arg4[%dma_wait3A_565, %add3A_558, %dma_wait3A_566] : memref<4x8192x1024xf32, #tpu.memory_space<hbm>> -> memref<4x4x1024xf32, #tpu.memory_space<hbm>>
        %dma_wait3A_568 = arith.constant 0 : i32
        %dma_wait3A_569 = arith.constant 0 : i32
        %dma_wait3A_570 = tpu.memref_slice %arg4[%dma_wait3A_568, %add3A_558, %dma_wait3A_569] : memref<4x8192x1024xf32, #tpu.memory_space<hbm>> -> memref<4x4x1024xf32, #tpu.memory_space<hbm>>
        %dma_wait3A_571 = arith.constant 0 : i32
        %dma_wait3A_572 = arith.constant 0 : i32
        %dma_wait3A_573 = arith.constant 0 : i32
        %dma_wait3A_574 = tpu.memref_slice %arg7[%dma_wait3A_559, %dma_wait3A_571, %dma_wait3A_572, %dma_wait3A_573] : memref<3x4x4x1024xf32, #tpu.memory_space<vmem>> -> memref<1x4x4x1024xf32, #tpu.memory_space<vmem>>
        %dma_wait3A_575 = tpu.memref_squeeze %dma_wait3A_574 : memref<1x4x4x1024xf32, #tpu.memory_space<vmem>> -> memref<4x4x1024xf32, #tpu.memory_space<vmem>>
        tpu.wait_dma2 semaphore(%arg13 : memref<!tpu.dma_semaphore, #tpu.memory_space<semaphore_mem>>) src(%dma_wait3A_575 : memref<4x4x1024xf32, #tpu.memory_space<vmem>>) dst(%dma_wait3A_570 : memref<4x4x1024xf32, #tpu.memory_space<hbm>>)
      } else {
      }
      %scan3A_506 = arith.constant 0 : i32
      %scan3A_507 = arith.constant 0 : i32
      %scan3A_508 = arith.constant 64 : i32
      %scan3A_509 = arith.addi %scan3A_507, %scan3A_508 : i32
      %scan3A_510 = arith.constant 1 : i32
      scf.for %scan3A_555 = %scan3A_507 to %scan3A_509 step %scan3A_510  : i32 {
        %mul3A_556 = arith.constant 16 : i32
        %mul3A_557 = arith.muli %scan3A_555, %mul3A_556 : i32
        %get3A = arith.constant 2 : i32
        %get3A_558 = arith.constant 0 : i32
        %get3A_559 = arith.index_cast %get3A : i32 to index
        %get3A_560 = arith.index_cast %get3A_558 : i32 to index
        %get3A_561 = arith.index_cast %mul3A_557 : i32 to index
        %get3A_562 = tpu.vector_load %arg5[%get3A_559, %get3A_560, %get3A_561] {strides = array<i32>} : memref<3x4x1024xf32, #tpu.memory_space<vmem>>, vector<1x1x16xf32>,
        %get3A_563 = vector.shape_cast %get3A_562 : vector<1x1x16xf32> to vector<16xf32>
        %get3A_564 = arith.constant 2 : i32
        %get3A_565 = arith.constant 0 : i32
        %get3A_566 = arith.constant 0 : i32
        %get3A_567 = arith.index_cast %get3A_564 : i32 to index
        %get3A_568 = arith.index_cast %get3A_565 : i32 to index
        %get3A_569 = arith.index_cast %get3A_566 : i32 to index
        %get3A_570 = arith.index_cast %mul3A_557 : i32 to index
        %get3A_571 = tpu.vector_load %arg6[%get3A_567, %get3A_568, %get3A_569, %get3A_570] {strides = array<i32>} : memref<3x4x4x1024xf32, #tpu.memory_space<vmem>>, vector<1x1x1x16xf32>,
        %get3A_572 = vector.shape_cast %get3A_571 : vector<1x1x1x16xf32> to vector<16xf32>
        %add3A_573 = arith.addf %get3A_572, %get3A_563 : vector<16xf32>
        %swap3A = arith.constant 2 : i32
        %swap3A_574 = arith.constant 0 : i32
        %swap3A_575 = arith.constant 0 : i32
        %swap3A_576 = arith.index_cast %swap3A : i32 to index
        %swap3A_577 = arith.index_cast %swap3A_574 : i32 to index
        %swap3A_578 = arith.index_cast %swap3A_575 : i32 to index
        %swap3A_579 = arith.index_cast %mul3A_557 : i32 to index
        %swap3A_580 = tpu.vector_load %arg7[%swap3A_576, %swap3A_577, %swap3A_578, %swap3A_579] {strides = array<i32>} : memref<3x4x4x1024xf32, #tpu.memory_space<vmem>>, vector<1x1x1x16xf32>,
        %swap3A_581 = vector.shape_cast %swap3A_580 : vector<1x1x1x16xf32> to vector<16xf32>
        %swap3A_582 = vector.shape_cast %add3A_573 : vector<16xf32> to vector<1x1x1x16xf32>
        tpu.vector_store %arg7[%swap3A_576, %swap3A_577, %swap3A_578, %swap3A_579], %swap3A_582 {strides = array<i32>} : memref<3x4x4x1024xf32, #tpu.memory_space<vmem>>, vector<1x1x1x16xf32>,
        %get3A_583 = arith.constant 2 : i32
        %get3A_584 = arith.constant 1 : i32
        %get3A_585 = arith.constant 0 : i32
        %get3A_586 = arith.index_cast %get3A_583 : i32 to index
        %get3A_587 = arith.index_cast %get3A_584 : i32 to index
        %get3A_588 = arith.index_cast %get3A_585 : i32 to index
        %get3A_589 = arith.index_cast %mul3A_557 : i32 to index
        %get3A_590 = tpu.vector_load %arg6[%get3A_586, %get3A_587, %get3A_588, %get3A_589] {strides = array<i32>} : memref<3x4x4x1024xf32, #tpu.memory_space<vmem>>, vector<1x1x1x16xf32>,
        %get3A_591 = vector.shape_cast %get3A_590 : vector<1x1x1x16xf32> to vector<16xf32>
        %add3A_592 = arith.addf %get3A_591, %get3A_563 : vector<16xf32>
        %swap3A_593 = arith.constant 2 : i32
        %swap3A_594 = arith.constant 1 : i32
        %swap3A_595 = arith.constant 0 : i32
        %swap3A_596 = arith.index_cast %swap3A_593 : i32 to index
        %swap3A_597 = arith.index_cast %swap3A_594 : i32 to index
        %swap3A_598 = arith.index_cast %swap3A_595 : i32 to index
        %swap3A_599 = arith.index_cast %mul3A_557 : i32 to index
        %swap3A_600 = tpu.vector_load %arg7[%swap3A_596, %swap3A_597, %swap3A_598, %swap3A_599] {strides = array<i32>} : memref<3x4x4x1024xf32, #tpu.memory_space<vmem>>, vector<1x1x1x16xf32>,
        %swap3A_601 = vector.shape_cast %swap3A_600 : vector<1x1x1x16xf32> to vector<16xf32>
        %swap3A_602 = vector.shape_cast %add3A_592 : vector<16xf32> to vector<1x1x1x16xf32>
        tpu.vector_store %arg7[%swap3A_596, %swap3A_597, %swap3A_598, %swap3A_599], %swap3A_602 {strides = array<i32>} : memref<3x4x4x1024xf32, #tpu.memory_space<vmem>>, vector<1x1x1x16xf32>,
        %get3A_603 = arith.constant 2 : i32
        %get3A_604 = arith.constant 2 : i32
        %get3A_605 = arith.constant 0 : i32
        %get3A_606 = arith.index_cast %get3A_603 : i32 to index
        %get3A_607 = arith.index_cast %get3A_604 : i32 to index
        %get3A_608 = arith.index_cast %get3A_605 : i32 to index
        %get3A_609 = arith.index_cast %mul3A_557 : i32 to index
        %get3A_610 = tpu.vector_load %arg6[%get3A_606, %get3A_607, %get3A_608, %get3A_609] {strides = array<i32>} : memref<3x4x4x1024xf32, #tpu.memory_space<vmem>>, vector<1x1x1x16xf32>,
        %get3A_611 = vector.shape_cast %get3A_610 : vector<1x1x1x16xf32> to vector<16xf32>
        %add3A_612 = arith.addf %get3A_611, %get3A_563 : vector<16xf32>
        %swap3A_613 = arith.constant 2 : i32
        %swap3A_614 = arith.constant 2 : i32
        %swap3A_615 = arith.constant 0 : i32
        %swap3A_616 = arith.index_cast %swap3A_613 : i32 to index
        %swap3A_617 = arith.index_cast %swap3A_614 : i32 to index
        %swap3A_618 = arith.index_cast %swap3A_615 : i32 to index
        %swap3A_619 = arith.index_cast %mul3A_557 : i32 to index
        %swap3A_620 = tpu.vector_load %arg7[%swap3A_616, %swap3A_617, %swap3A_618, %swap3A_619] {strides = array<i32>} : memref<3x4x4x1024xf32, #tpu.memory_space<vmem>>, vector<1x1x1x16xf32>,
        %swap3A_621 = vector.shape_cast %swap3A_620 : vector<1x1x1x16xf32> to vector<16xf32>
        %swap3A_622 = vector.shape_cast %add3A_612 : vector<16xf32> to vector<1x1x1x16xf32>
        tpu.vector_store %arg7[%swap3A_616, %swap3A_617, %swap3A_618, %swap3A_619], %swap3A_622 {strides = array<i32>} : memref<3x4x4x1024xf32, #tpu.memory_space<vmem>>, vector<1x1x1x16xf32>,
        %get3A_623 = arith.constant 2 : i32
        %get3A_624 = arith.constant 3 : i32
        %get3A_625 = arith.constant 0 : i32
        %get3A_626 = arith.index_cast %get3A_623 : i32 to index
        %get3A_627 = arith.index_cast %get3A_624 : i32 to index
        %get3A_628 = arith.index_cast %get3A_625 : i32 to index
        %get3A_629 = arith.index_cast %mul3A_557 : i32 to index
        %get3A_630 = tpu.vector_load %arg6[%get3A_626, %get3A_627, %get3A_628, %get3A_629] {strides = array<i32>} : memref<3x4x4x1024xf32, #tpu.memory_space<vmem>>, vector<1x1x1x16xf32>,
        %get3A_631 = vector.shape_cast %get3A_630 : vector<1x1x1x16xf32> to vector<16xf32>
        %add3A_632 = arith.addf %get3A_631, %get3A_563 : vector<16xf32>
        %swap3A_633 = arith.constant 2 : i32
        %swap3A_634 = arith.constant 3 : i32
        %swap3A_635 = arith.constant 0 : i32
        %swap3A_636 = arith.index_cast %swap3A_633 : i32 to index
        %swap3A_637 = arith.index_cast %swap3A_634 : i32 to index
        %swap3A_638 = arith.index_cast %swap3A_635 : i32 to index
        %swap3A_639 = arith.index_cast %mul3A_557 : i32 to index
        %swap3A_640 = tpu.vector_load %arg7[%swap3A_636, %swap3A_637, %swap3A_638, %swap3A_639] {strides = array<i32>} : memref<3x4x4x1024xf32, #tpu.memory_space<vmem>>, vector<1x1x1x16xf32>,
        %swap3A_641 = vector.shape_cast %swap3A_640 : vector<1x1x1x16xf32> to vector<16xf32>
        %swap3A_642 = vector.shape_cast %add3A_632 : vector<16xf32> to vector<1x1x1x16xf32>
        tpu.vector_store %arg7[%swap3A_636, %swap3A_637, %swap3A_638, %swap3A_639], %swap3A_642 {strides = array<i32>} : memref<3x4x4x1024xf32, #tpu.memory_space<vmem>>, vector<1x1x1x16xf32>,
      }
      %scan3A_511 = arith.constant 64 : i32
      %scan3A_512 = arith.constant 0 : i32
      %scan3A_513 = arith.constant 0 : i32
      %scan3A_514 = arith.constant 64 : i32
      %scan3A_515 = arith.addi %scan3A_513, %scan3A_514 : i32
      %scan3A_516 = arith.constant 1 : i32
      scf.for %scan3A_555 = %scan3A_513 to %scan3A_515 step %scan3A_516  : i32 {
        %mul3A_556 = arith.constant 16 : i32
        %mul3A_557 = arith.muli %scan3A_555, %mul3A_556 : i32
        %get3A = arith.constant 2 : i32
        %get3A_558 = arith.constant 1 : i32
        %get3A_559 = arith.index_cast %get3A : i32 to index
        %get3A_560 = arith.index_cast %get3A_558 : i32 to index
        %get3A_561 = arith.index_cast %mul3A_557 : i32 to index
        %get3A_562 = tpu.vector_load %arg5[%get3A_559, %get3A_560, %get3A_561] {strides = array<i32>} : memref<3x4x1024xf32, #tpu.memory_space<vmem>>, vector<1x1x16xf32>,
        %get3A_563 = vector.shape_cast %get3A_562 : vector<1x1x16xf32> to vector<16xf32>
        %get3A_564 = arith.constant 2 : i32
        %get3A_565 = arith.constant 0 : i32
        %get3A_566 = arith.constant 1 : i32
        %get3A_567 = arith.index_cast %get3A_564 : i32 to index
        %get3A_568 = arith.index_cast %get3A_565 : i32 to index
        %get3A_569 = arith.index_cast %get3A_566 : i32 to index
        %get3A_570 = arith.index_cast %mul3A_557 : i32 to index
        %get3A_571 = tpu.vector_load %arg6[%get3A_567, %get3A_568, %get3A_569, %get3A_570] {strides = array<i32>} : memref<3x4x4x1024xf32, #tpu.memory_space<vmem>>, vector<1x1x1x16xf32>,
        %get3A_572 = vector.shape_cast %get3A_571 : vector<1x1x1x16xf32> to vector<16xf32>
        %add3A_573 = arith.addf %get3A_572, %get3A_563 : vector<16xf32>
        %swap3A = arith.constant 2 : i32
        %swap3A_574 = arith.constant 0 : i32
        %swap3A_575 = arith.constant 1 : i32
        %swap3A_576 = arith.index_cast %swap3A : i32 to index
        %swap3A_577 = arith.index_cast %swap3A_574 : i32 to index
        %swap3A_578 = arith.index_cast %swap3A_575 : i32 to index
        %swap3A_579 = arith.index_cast %mul3A_557 : i32 to index
        %swap3A_580 = tpu.vector_load %arg7[%swap3A_576, %swap3A_577, %swap3A_578, %swap3A_579] {strides = array<i32>} : memref<3x4x4x1024xf32, #tpu.memory_space<vmem>>, vector<1x1x1x16xf32>,
        %swap3A_581 = vector.shape_cast %swap3A_580 : vector<1x1x1x16xf32> to vector<16xf32>
        %swap3A_582 = vector.shape_cast %add3A_573 : vector<16xf32> to vector<1x1x1x16xf32>
        tpu.vector_store %arg7[%swap3A_576, %swap3A_577, %swap3A_578, %swap3A_579], %swap3A_582 {strides = array<i32>} : memref<3x4x4x1024xf32, #tpu.memory_space<vmem>>, vector<1x1x1x16xf32>,
        %get3A_583 = arith.constant 2 : i32
        %get3A_584 = arith.constant 1 : i32
        %get3A_585 = arith.constant 1 : i32
        %get3A_586 = arith.index_cast %get3A_583 : i32 to index
        %get3A_587 = arith.index_cast %get3A_584 : i32 to index
        %get3A_588 = arith.index_cast %get3A_585 : i32 to index
        %get3A_589 = arith.index_cast %mul3A_557 : i32 to index
        %get3A_590 = tpu.vector_load %arg6[%get3A_586, %get3A_587, %get3A_588, %get3A_589] {strides = array<i32>} : memref<3x4x4x1024xf32, #tpu.memory_space<vmem>>, vector<1x1x1x16xf32>,
        %get3A_591 = vector.shape_cast %get3A_590 : vector<1x1x1x16xf32> to vector<16xf32>
        %add3A_592 = arith.addf %get3A_591, %get3A_563 : vector<16xf32>
        %swap3A_593 = arith.constant 2 : i32
        %swap3A_594 = arith.constant 1 : i32
        %swap3A_595 = arith.constant 1 : i32
        %swap3A_596 = arith.index_cast %swap3A_593 : i32 to index
        %swap3A_597 = arith.index_cast %swap3A_594 : i32 to index
        %swap3A_598 = arith.index_cast %swap3A_595 : i32 to index
        %swap3A_599 = arith.index_cast %mul3A_557 : i32 to index
        %swap3A_600 = tpu.vector_load %arg7[%swap3A_596, %swap3A_597, %swap3A_598, %swap3A_599] {strides = array<i32>} : memref<3x4x4x1024xf32, #tpu.memory_space<vmem>>, vector<1x1x1x16xf32>,
        %swap3A_601 = vector.shape_cast %swap3A_600 : vector<1x1x1x16xf32> to vector<16xf32>
        %swap3A_602 = vector.shape_cast %add3A_592 : vector<16xf32> to vector<1x1x1x16xf32>
        tpu.vector_store %arg7[%swap3A_596, %swap3A_597, %swap3A_598, %swap3A_599], %swap3A_602 {strides = array<i32>} : memref<3x4x4x1024xf32, #tpu.memory_space<vmem>>, vector<1x1x1x16xf32>,
        %get3A_603 = arith.constant 2 : i32
        %get3A_604 = arith.constant 2 : i32
        %get3A_605 = arith.constant 1 : i32
        %get3A_606 = arith.index_cast %get3A_603 : i32 to index
        %get3A_607 = arith.index_cast %get3A_604 : i32 to index
        %get3A_608 = arith.index_cast %get3A_605 : i32 to index
        %get3A_609 = arith.index_cast %mul3A_557 : i32 to index
        %get3A_610 = tpu.vector_load %arg6[%get3A_606, %get3A_607, %get3A_608, %get3A_609] {strides = array<i32>} : memref<3x4x4x1024xf32, #tpu.memory_space<vmem>>, vector<1x1x1x16xf32>,
        %get3A_611 = vector.shape_cast %get3A_610 : vector<1x1x1x16xf32> to vector<16xf32>
        %add3A_612 = arith.addf %get3A_611, %get3A_563 : vector<16xf32>
        %swap3A_613 = arith.constant 2 : i32
        %swap3A_614 = arith.constant 2 : i32
        %swap3A_615 = arith.constant 1 : i32
        %swap3A_616 = arith.index_cast %swap3A_613 : i32 to index
        %swap3A_617 = arith.index_cast %swap3A_614 : i32 to index
        %swap3A_618 = arith.index_cast %swap3A_615 : i32 to index
        %swap3A_619 = arith.index_cast %mul3A_557 : i32 to index
        %swap3A_620 = tpu.vector_load %arg7[%swap3A_616, %swap3A_617, %swap3A_618, %swap3A_619] {strides = array<i32>} : memref<3x4x4x1024xf32, #tpu.memory_space<vmem>>, vector<1x1x1x16xf32>,
        %swap3A_621 = vector.shape_cast %swap3A_620 : vector<1x1x1x16xf32> to vector<16xf32>
        %swap3A_622 = vector.shape_cast %add3A_612 : vector<16xf32> to vector<1x1x1x16xf32>
        tpu.vector_store %arg7[%swap3A_616, %swap3A_617, %swap3A_618, %swap3A_619], %swap3A_622 {strides = array<i32>} : memref<3x4x4x1024xf32, #tpu.memory_space<vmem>>, vector<1x1x1x16xf32>,
        %get3A_623 = arith.constant 2 : i32
        %get3A_624 = arith.constant 3 : i32
        %get3A_625 = arith.constant 1 : i32
        %get3A_626 = arith.index_cast %get3A_623 : i32 to index
        %get3A_627 = arith.index_cast %get3A_624 : i32 to index
        %get3A_628 = arith.index_cast %get3A_625 : i32 to index
        %get3A_629 = arith.index_cast %mul3A_557 : i32 to index
        %get3A_630 = tpu.vector_load %arg6[%get3A_626, %get3A_627, %get3A_628, %get3A_629] {strides = array<i32>} : memref<3x4x4x1024xf32, #tpu.memory_space<vmem>>, vector<1x1x1x16xf32>,
        %get3A_631 = vector.shape_cast %get3A_630 : vector<1x1x1x16xf32> to vector<16xf32>
        %add3A_632 = arith.addf %get3A_631, %get3A_563 : vector<16xf32>
        %swap3A_633 = arith.constant 2 : i32
        %swap3A_634 = arith.constant 3 : i32
        %swap3A_635 = arith.constant 1 : i32
        %swap3A_636 = arith.index_cast %swap3A_633 : i32 to index
        %swap3A_637 = arith.index_cast %swap3A_634 : i32 to index
        %swap3A_638 = arith.index_cast %swap3A_635 : i32 to index
        %swap3A_639 = arith.index_cast %mul3A_557 : i32 to index
        %swap3A_640 = tpu.vector_load %arg7[%swap3A_636, %swap3A_637, %swap3A_638, %swap3A_639] {strides = array<i32>} : memref<3x4x4x1024xf32, #tpu.memory_space<vmem>>, vector<1x1x1x16xf32>,
        %swap3A_641 = vector.shape_cast %swap3A_640 : vector<1x1x1x16xf32> to vector<16xf32>
        %swap3A_642 = vector.shape_cast %add3A_632 : vector<16xf32> to vector<1x1x1x16xf32>
        tpu.vector_store %arg7[%swap3A_636, %swap3A_637, %swap3A_638, %swap3A_639], %swap3A_642 {strides = array<i32>} : memref<3x4x4x1024xf32, #tpu.memory_space<vmem>>, vector<1x1x1x16xf32>,
      }
      %scan3A_517 = arith.constant 64 : i32
      %scan3A_518 = arith.constant 0 : i32
      %scan3A_519 = arith.constant 0 : i32
      %scan3A_520 = arith.constant 64 : i32
      %scan3A_521 = arith.addi %scan3A_519, %scan3A_520 : i32
      %scan3A_522 = arith.constant 1 : i32
      scf.for %scan3A_555 = %scan3A_519 to %scan3A_521 step %scan3A_522  : i32 {
        %mul3A_556 = arith.constant 16 : i32
        %mul3A_557 = arith.muli %scan3A_555, %mul3A_556 : i32
        %get3A = arith.constant 2 : i32
        %get3A_558 = arith.constant 2 : i32
        %get3A_559 = arith.index_cast %get3A : i32 to index
        %get3A_560 = arith.index_cast %get3A_558 : i32 to index
        %get3A_561 = arith.index_cast %mul3A_557 : i32 to index
        %get3A_562 = tpu.vector_load %arg5[%get3A_559, %get3A_560, %get3A_561] {strides = array<i32>} : memref<3x4x1024xf32, #tpu.memory_space<vmem>>, vector<1x1x16xf32>,
        %get3A_563 = vector.shape_cast %get3A_562 : vector<1x1x16xf32> to vector<16xf32>
        %get3A_564 = arith.constant 2 : i32
        %get3A_565 = arith.constant 0 : i32
        %get3A_566 = arith.constant 2 : i32
        %get3A_567 = arith.index_cast %get3A_564 : i32 to index
        %get3A_568 = arith.index_cast %get3A_565 : i32 to index
        %get3A_569 = arith.index_cast %get3A_566 : i32 to index
        %get3A_570 = arith.index_cast %mul3A_557 : i32 to index
        %get3A_571 = tpu.vector_load %arg6[%get3A_567, %get3A_568, %get3A_569, %get3A_570] {strides = array<i32>} : memref<3x4x4x1024xf32, #tpu.memory_space<vmem>>, vector<1x1x1x16xf32>,
        %get3A_572 = vector.shape_cast %get3A_571 : vector<1x1x1x16xf32> to vector<16xf32>
        %add3A_573 = arith.addf %get3A_572, %get3A_563 : vector<16xf32>
        %swap3A = arith.constant 2 : i32
        %swap3A_574 = arith.constant 0 : i32
        %swap3A_575 = arith.constant 2 : i32
        %swap3A_576 = arith.index_cast %swap3A : i32 to index
        %swap3A_577 = arith.index_cast %swap3A_574 : i32 to index
        %swap3A_578 = arith.index_cast %swap3A_575 : i32 to index
        %swap3A_579 = arith.index_cast %mul3A_557 : i32 to index
        %swap3A_580 = tpu.vector_load %arg7[%swap3A_576, %swap3A_577, %swap3A_578, %swap3A_579] {strides = array<i32>} : memref<3x4x4x1024xf32, #tpu.memory_space<vmem>>, vector<1x1x1x16xf32>,
        %swap3A_581 = vector.shape_cast %swap3A_580 : vector<1x1x1x16xf32> to vector<16xf32>
        %swap3A_582 = vector.shape_cast %add3A_573 : vector<16xf32> to vector<1x1x1x16xf32>
        tpu.vector_store %arg7[%swap3A_576, %swap3A_577, %swap3A_578, %swap3A_579], %swap3A_582 {strides = array<i32>} : memref<3x4x4x1024xf32, #tpu.memory_space<vmem>>, vector<1x1x1x16xf32>,
        %get3A_583 = arith.constant 2 : i32
        %get3A_584 = arith.constant 1 : i32
        %get3A_585 = arith.constant 2 : i32
        %get3A_586 = arith.index_cast %get3A_583 : i32 to index
        %get3A_587 = arith.index_cast %get3A_584 : i32 to index
        %get3A_588 = arith.index_cast %get3A_585 : i32 to index
        %get3A_589 = arith.index_cast %mul3A_557 : i32 to index
        %get3A_590 = tpu.vector_load %arg6[%get3A_586, %get3A_587, %get3A_588, %get3A_589] {strides = array<i32>} : memref<3x4x4x1024xf32, #tpu.memory_space<vmem>>, vector<1x1x1x16xf32>,
        %get3A_591 = vector.shape_cast %get3A_590 : vector<1x1x1x16xf32> to vector<16xf32>
        %add3A_592 = arith.addf %get3A_591, %get3A_563 : vector<16xf32>
        %swap3A_593 = arith.constant 2 : i32
        %swap3A_594 = arith.constant 1 : i32
        %swap3A_595 = arith.constant 2 : i32
        %swap3A_596 = arith.index_cast %swap3A_593 : i32 to index
        %swap3A_597 = arith.index_cast %swap3A_594 : i32 to index
        %swap3A_598 = arith.index_cast %swap3A_595 : i32 to index
        %swap3A_599 = arith.index_cast %mul3A_557 : i32 to index
        %swap3A_600 = tpu.vector_load %arg7[%swap3A_596, %swap3A_597, %swap3A_598, %swap3A_599] {strides = array<i32>} : memref<3x4x4x1024xf32, #tpu.memory_space<vmem>>, vector<1x1x1x16xf32>,
        %swap3A_601 = vector.shape_cast %swap3A_600 : vector<1x1x1x16xf32> to vector<16xf32>
        %swap3A_602 = vector.shape_cast %add3A_592 : vector<16xf32> to vector<1x1x1x16xf32>
        tpu.vector_store %arg7[%swap3A_596, %swap3A_597, %swap3A_598, %swap3A_599], %swap3A_602 {strides = array<i32>} : memref<3x4x4x1024xf32, #tpu.memory_space<vmem>>, vector<1x1x1x16xf32>,
        %get3A_603 = arith.constant 2 : i32
        %get3A_604 = arith.constant 2 : i32
        %get3A_605 = arith.constant 2 : i32
        %get3A_606 = arith.index_cast %get3A_603 : i32 to index
        %get3A_607 = arith.index_cast %get3A_604 : i32 to index
        %get3A_608 = arith.index_cast %get3A_605 : i32 to index
        %get3A_609 = arith.index_cast %mul3A_557 : i32 to index
        %get3A_610 = tpu.vector_load %arg6[%get3A_606, %get3A_607, %get3A_608, %get3A_609] {strides = array<i32>} : memref<3x4x4x1024xf32, #tpu.memory_space<vmem>>, vector<1x1x1x16xf32>,
        %get3A_611 = vector.shape_cast %get3A_610 : vector<1x1x1x16xf32> to vector<16xf32>
        %add3A_612 = arith.addf %get3A_611, %get3A_563 : vector<16xf32>
        %swap3A_613 = arith.constant 2 : i32
        %swap3A_614 = arith.constant 2 : i32
        %swap3A_615 = arith.constant 2 : i32
        %swap3A_616 = arith.index_cast %swap3A_613 : i32 to index
        %swap3A_617 = arith.index_cast %swap3A_614 : i32 to index
        %swap3A_618 = arith.index_cast %swap3A_615 : i32 to index
        %swap3A_619 = arith.index_cast %mul3A_557 : i32 to index
        %swap3A_620 = tpu.vector_load %arg7[%swap3A_616, %swap3A_617, %swap3A_618, %swap3A_619] {strides = array<i32>} : memref<3x4x4x1024xf32, #tpu.memory_space<vmem>>, vector<1x1x1x16xf32>,
        %swap3A_621 = vector.shape_cast %swap3A_620 : vector<1x1x1x16xf32> to vector<16xf32>
        %swap3A_622 = vector.shape_cast %add3A_612 : vector<16xf32> to vector<1x1x1x16xf32>
        tpu.vector_store %arg7[%swap3A_616, %swap3A_617, %swap3A_618, %swap3A_619], %swap3A_622 {strides = array<i32>} : memref<3x4x4x1024xf32, #tpu.memory_space<vmem>>, vector<1x1x1x16xf32>,
        %get3A_623 = arith.constant 2 : i32
        %get3A_624 = arith.constant 3 : i32
        %get3A_625 = arith.constant 2 : i32
        %get3A_626 = arith.index_cast %get3A_623 : i32 to index
        %get3A_627 = arith.index_cast %get3A_624 : i32 to index
        %get3A_628 = arith.index_cast %get3A_625 : i32 to index
        %get3A_629 = arith.index_cast %mul3A_557 : i32 to index
        %get3A_630 = tpu.vector_load %arg6[%get3A_626, %get3A_627, %get3A_628, %get3A_629] {strides = array<i32>} : memref<3x4x4x1024xf32, #tpu.memory_space<vmem>>, vector<1x1x1x16xf32>,
        %get3A_631 = vector.shape_cast %get3A_630 : vector<1x1x1x16xf32> to vector<16xf32>
        %add3A_632 = arith.addf %get3A_631, %get3A_563 : vector<16xf32>
        %swap3A_633 = arith.constant 2 : i32
        %swap3A_634 = arith.constant 3 : i32
        %swap3A_635 = arith.constant 2 : i32
        %swap3A_636 = arith.index_cast %swap3A_633 : i32 to index
        %swap3A_637 = arith.index_cast %swap3A_634 : i32 to index
        %swap3A_638 = arith.index_cast %swap3A_635 : i32 to index
        %swap3A_639 = arith.index_cast %mul3A_557 : i32 to index
        %swap3A_640 = tpu.vector_load %arg7[%swap3A_636, %swap3A_637, %swap3A_638, %swap3A_639] {strides = array<i32>} : memref<3x4x4x1024xf32, #tpu.memory_space<vmem>>, vector<1x1x1x16xf32>,
        %swap3A_641 = vector.shape_cast %swap3A_640 : vector<1x1x1x16xf32> to vector<16xf32>
        %swap3A_642 = vector.shape_cast %add3A_632 : vector<16xf32> to vector<1x1x1x16xf32>
        tpu.vector_store %arg7[%swap3A_636, %swap3A_637, %swap3A_638, %swap3A_639], %swap3A_642 {strides = array<i32>} : memref<3x4x4x1024xf32, #tpu.memory_space<vmem>>, vector<1x1x1x16xf32>,
      }
      %scan3A_523 = arith.constant 64 : i32
      %scan3A_524 = arith.constant 0 : i32
      %scan3A_525 = arith.constant 0 : i32
      %scan3A_526 = arith.constant 64 : i32
      %scan3A_527 = arith.addi %scan3A_525, %scan3A_526 : i32
      %scan3A_528 = arith.constant 1 : i32
      scf.for %scan3A_555 = %scan3A_525 to %scan3A_527 step %scan3A_528  : i32 {
        %mul3A_556 = arith.constant 16 : i32
        %mul3A_557 = arith.muli %scan3A_555, %mul3A_556 : i32
        %get3A = arith.constant 2 : i32
        %get3A_558 = arith.constant 3 : i32
        %get3A_559 = arith.index_cast %get3A : i32 to index
        %get3A_560 = arith.index_cast %get3A_558 : i32 to index
        %get3A_561 = arith.index_cast %mul3A_557 : i32 to index
        %get3A_562 = tpu.vector_load %arg5[%get3A_559, %get3A_560, %get3A_561] {strides = array<i32>} : memref<3x4x1024xf32, #tpu.memory_space<vmem>>, vector<1x1x16xf32>,
        %get3A_563 = vector.shape_cast %get3A_562 : vector<1x1x16xf32> to vector<16xf32>
        %get3A_564 = arith.constant 2 : i32
        %get3A_565 = arith.constant 0 : i32
        %get3A_566 = arith.constant 3 : i32
        %get3A_567 = arith.index_cast %get3A_564 : i32 to index
        %get3A_568 = arith.index_cast %get3A_565 : i32 to index
        %get3A_569 = arith.index_cast %get3A_566 : i32 to index
        %get3A_570 = arith.index_cast %mul3A_557 : i32 to index
        %get3A_571 = tpu.vector_load %arg6[%get3A_567, %get3A_568, %get3A_569, %get3A_570] {strides = array<i32>} : memref<3x4x4x1024xf32, #tpu.memory_space<vmem>>, vector<1x1x1x16xf32>,
        %get3A_572 = vector.shape_cast %get3A_571 : vector<1x1x1x16xf32> to vector<16xf32>
        %add3A_573 = arith.addf %get3A_572, %get3A_563 : vector<16xf32>
        %swap3A = arith.constant 2 : i32
        %swap3A_574 = arith.constant 0 : i32
        %swap3A_575 = arith.constant 3 : i32
        %swap3A_576 = arith.index_cast %swap3A : i32 to index
        %swap3A_577 = arith.index_cast %swap3A_574 : i32 to index
        %swap3A_578 = arith.index_cast %swap3A_575 : i32 to index
        %swap3A_579 = arith.index_cast %mul3A_557 : i32 to index
        %swap3A_580 = tpu.vector_load %arg7[%swap3A_576, %swap3A_577, %swap3A_578, %swap3A_579] {strides = array<i32>} : memref<3x4x4x1024xf32, #tpu.memory_space<vmem>>, vector<1x1x1x16xf32>,
        %swap3A_581 = vector.shape_cast %swap3A_580 : vector<1x1x1x16xf32> to vector<16xf32>
        %swap3A_582 = vector.shape_cast %add3A_573 : vector<16xf32> to vector<1x1x1x16xf32>
        tpu.vector_store %arg7[%swap3A_576, %swap3A_577, %swap3A_578, %swap3A_579], %swap3A_582 {strides = array<i32>} : memref<3x4x4x1024xf32, #tpu.memory_space<vmem>>, vector<1x1x1x16xf32>,
        %get3A_583 = arith.constant 2 : i32
        %get3A_584 = arith.constant 1 : i32
        %get3A_585 = arith.constant 3 : i32
        %get3A_586 = arith.index_cast %get3A_583 : i32 to index
        %get3A_587 = arith.index_cast %get3A_584 : i32 to index
        %get3A_588 = arith.index_cast %get3A_585 : i32 to index
        %get3A_589 = arith.index_cast %mul3A_557 : i32 to index
        %get3A_590 = tpu.vector_load %arg6[%get3A_586, %get3A_587, %get3A_588, %get3A_589] {strides = array<i32>} : memref<3x4x4x1024xf32, #tpu.memory_space<vmem>>, vector<1x1x1x16xf32>,
        %get3A_591 = vector.shape_cast %get3A_590 : vector<1x1x1x16xf32> to vector<16xf32>
        %add3A_592 = arith.addf %get3A_591, %get3A_563 : vector<16xf32>
        %swap3A_593 = arith.constant 2 : i32
        %swap3A_594 = arith.constant 1 : i32
        %swap3A_595 = arith.constant 3 : i32
        %swap3A_596 = arith.index_cast %swap3A_593 : i32 to index
        %swap3A_597 = arith.index_cast %swap3A_594 : i32 to index
        %swap3A_598 = arith.index_cast %swap3A_595 : i32 to index
        %swap3A_599 = arith.index_cast %mul3A_557 : i32 to index
        %swap3A_600 = tpu.vector_load %arg7[%swap3A_596, %swap3A_597, %swap3A_598, %swap3A_599] {strides = array<i32>} : memref<3x4x4x1024xf32, #tpu.memory_space<vmem>>, vector<1x1x1x16xf32>,
        %swap3A_601 = vector.shape_cast %swap3A_600 : vector<1x1x1x16xf32> to vector<16xf32>
        %swap3A_602 = vector.shape_cast %add3A_592 : vector<16xf32> to vector<1x1x1x16xf32>
        tpu.vector_store %arg7[%swap3A_596, %swap3A_597, %swap3A_598, %swap3A_599], %swap3A_602 {strides = array<i32>} : memref<3x4x4x1024xf32, #tpu.memory_space<vmem>>, vector<1x1x1x16xf32>,
        %get3A_603 = arith.constant 2 : i32
        %get3A_604 = arith.constant 2 : i32
        %get3A_605 = arith.constant 3 : i32
        %get3A_606 = arith.index_cast %get3A_603 : i32 to index
        %get3A_607 = arith.index_cast %get3A_604 : i32 to index
        %get3A_608 = arith.index_cast %get3A_605 : i32 to index
        %get3A_609 = arith.index_cast %mul3A_557 : i32 to index
        %get3A_610 = tpu.vector_load %arg6[%get3A_606, %get3A_607, %get3A_608, %get3A_609] {strides = array<i32>} : memref<3x4x4x1024xf32, #tpu.memory_space<vmem>>, vector<1x1x1x16xf32>,
        %get3A_611 = vector.shape_cast %get3A_610 : vector<1x1x1x16xf32> to vector<16xf32>
        %add3A_612 = arith.addf %get3A_611, %get3A_563 : vector<16xf32>
        %swap3A_613 = arith.constant 2 : i32
        %swap3A_614 = arith.constant 2 : i32
        %swap3A_615 = arith.constant 3 : i32
        %swap3A_616 = arith.index_cast %swap3A_613 : i32 to index
        %swap3A_617 = arith.index_cast %swap3A_614 : i32 to index
        %swap3A_618 = arith.index_cast %swap3A_615 : i32 to index
        %swap3A_619 = arith.index_cast %mul3A_557 : i32 to index
        %swap3A_620 = tpu.vector_load %arg7[%swap3A_616, %swap3A_617, %swap3A_618, %swap3A_619] {strides = array<i32>} : memref<3x4x4x1024xf32, #tpu.memory_space<vmem>>, vector<1x1x1x16xf32>,
        %swap3A_621 = vector.shape_cast %swap3A_620 : vector<1x1x1x16xf32> to vector<16xf32>
        %swap3A_622 = vector.shape_cast %add3A_612 : vector<16xf32> to vector<1x1x1x16xf32>
        tpu.vector_store %arg7[%swap3A_616, %swap3A_617, %swap3A_618, %swap3A_619], %swap3A_622 {strides = array<i32>} : memref<3x4x4x1024xf32, #tpu.memory_space<vmem>>, vector<1x1x1x16xf32>,
        %get3A_623 = arith.constant 2 : i32
        %get3A_624 = arith.constant 3 : i32
        %get3A_625 = arith.constant 3 : i32
        %get3A_626 = arith.index_cast %get3A_623 : i32 to index
        %get3A_627 = arith.index_cast %get3A_624 : i32 to index
        %get3A_628 = arith.index_cast %get3A_625 : i32 to index
        %get3A_629 = arith.index_cast %mul3A_557 : i32 to index
        %get3A_630 = tpu.vector_load %arg6[%get3A_626, %get3A_627, %get3A_628, %get3A_629] {strides = array<i32>} : memref<3x4x4x1024xf32, #tpu.memory_space<vmem>>, vector<1x1x1x16xf32>,
        %get3A_631 = vector.shape_cast %get3A_630 : vector<1x1x1x16xf32> to vector<16xf32>
        %add3A_632 = arith.addf %get3A_631, %get3A_563 : vector<16xf32>
        %swap3A_633 = arith.constant 2 : i32
        %swap3A_634 = arith.constant 3 : i32
        %swap3A_635 = arith.constant 3 : i32
        %swap3A_636 = arith.index_cast %swap3A_633 : i32 to index
        %swap3A_637 = arith.index_cast %swap3A_634 : i32 to index
        %swap3A_638 = arith.index_cast %swap3A_635 : i32 to index
        %swap3A_639 = arith.index_cast %mul3A_557 : i32 to index
        %swap3A_640 = tpu.vector_load %arg7[%swap3A_636, %swap3A_637, %swap3A_638, %swap3A_639] {strides = array<i32>} : memref<3x4x4x1024xf32, #tpu.memory_space<vmem>>, vector<1x1x1x16xf32>,
        %swap3A_641 = vector.shape_cast %swap3A_640 : vector<1x1x1x16xf32> to vector<16xf32>
        %swap3A_642 = vector.shape_cast %add3A_632 : vector<16xf32> to vector<1x1x1x16xf32>
        tpu.vector_store %arg7[%swap3A_636, %swap3A_637, %swap3A_638, %swap3A_639], %swap3A_642 {strides = array<i32>} : memref<3x4x4x1024xf32, #tpu.memory_space<vmem>>, vector<1x1x1x16xf32>,
      }
      %scan3A_529 = arith.constant 64 : i32
      %mul3A_530 = arith.constant 4 : i32
      %mul3A_531 = arith.muli %add3A_467, %mul3A_530 : i32
      %add3A_532 = arith.addi %mul3A_2, %mul3A_531 : i32
      %dma_start3A_533 = arith.constant 2 : i32
      %dma_start3A_534 = arith.constant 0 : i32
      %dma_start3A_535 = arith.constant 0 : i32
      %dma_start3A_536 = arith.constant 0 : i32
      %dma_start3A_537 = tpu.memref_slice %arg7[%dma_start3A_533, %dma_start3A_534, %dma_start3A_535, %dma_start3A_536] : memref<3x4x4x1024xf32, #tpu.memory_space<vmem>> -> memref<1x4x4x1024xf32, #tpu.memory_space<vmem>>
      %dma_start3A_538 = tpu.memref_squeeze %dma_start3A_537 : memref<1x4x4x1024xf32, #tpu.memory_space<vmem>> -> memref<4x4x1024xf32, #tpu.memory_space<vmem>>
      %dma_start3A_539 = arith.constant 0 : i32
      %dma_start3A_540 = arith.constant 0 : i32
      %dma_start3A_541 = tpu.memref_slice %arg4[%dma_start3A_539, %add3A_532, %dma_start3A_540] : memref<4x8192x1024xf32, #tpu.memory_space<hbm>> -> memref<4x4x1024xf32, #tpu.memory_space<hbm>>
      %dma_start3A_542 = arith.constant 0 : i32
      %dma_start3A_543 = arith.constant 0 : i32
      %dma_start3A_544 = tpu.memref_slice %arg4[%dma_start3A_542, %add3A_532, %dma_start3A_543] : memref<4x8192x1024xf32, #tpu.memory_space<hbm>> -> memref<4x4x1024xf32, #tpu.memory_space<hbm>>
      %dma_start3A_545 = arith.constant 0 : i32
      %dma_start3A_546 = arith.constant 0 : i32
      %dma_start3A_547 = arith.constant 0 : i32
      %dma_start3A_548 = tpu.memref_slice %arg7[%dma_start3A_533, %dma_start3A_545, %dma_start3A_546, %dma_start3A_547] : memref<3x4x4x1024xf32, #tpu.memory_space<vmem>> -> memref<1x4x4x1024xf32, #tpu.memory_space<vmem>>
      %dma_start3A_549 = tpu.memref_squeeze %dma_start3A_548 : memref<1x4x4x1024xf32, #tpu.memory_space<vmem>> -> memref<4x4x1024xf32, #tpu.memory_space<vmem>>
      tpu.enqueue_dma source(%dma_start3A_549 : memref<4x4x1024xf32, #tpu.memory_space<vmem>>) target(%dma_start3A_544 : memref<4x4x1024xf32, #tpu.memory_space<hbm>>) target_semaphore(%arg13 : memref<!tpu.dma_semaphore, #tpu.memory_space<semaphore_mem>>)
      %lt3A_550 = arith.constant 20 : i32
      %lt3A_551 = arith.cmpi slt, %scan3A_285, %lt3A_550 : i32
      %convert_element_type3A_552 = arith.extui %lt3A_551 : i1 to i32
      %cond3A_553 = arith.constant 0 : i32
      %cond3A_554 = arith.cmpi ne, %convert_element_type3A_552, %cond3A_553 : i32
      scf.if %cond3A_554 {
        %add3A_555 = arith.constant 3 : i32
        %add3A_556 = arith.addi %add3A_467, %add3A_555 : i32
        %mul3A_557 = arith.constant 4 : i32
        %mul3A_558 = arith.muli %add3A_556, %mul3A_557 : i32
        %add3A_559 = arith.addi %mul3A_2, %mul3A_558 : i32
        %dma_start3A_560 = arith.constant 2 : i32
        %dma_start3A_561 = arith.constant 0 : i32
        %dma_start3A_562 = arith.constant 0 : i32
        %dma_start3A_563 = tpu.memref_slice %arg5[%dma_start3A_560, %dma_start3A_561, %dma_start3A_562] : memref<3x4x1024xf32, #tpu.memory_space<vmem>> -> memref<1x4x1024xf32, #tpu.memory_space<vmem>>
        %dma_start3A_564 = tpu.memref_squeeze %dma_start3A_563 : memref<1x4x1024xf32, #tpu.memory_space<vmem>> -> memref<4x1024xf32, #tpu.memory_space<vmem>>
        %dma_start3A_565 = arith.constant 0 : i32
        %dma_start3A_566 = tpu.memref_slice %arg3[%add3A_559, %dma_start3A_565] : memref<8192x1024xf32, #tpu.memory_space<hbm>> -> memref<4x1024xf32, #tpu.memory_space<hbm>>
        %dma_start3A_567 = arith.constant 0 : i32
        %dma_start3A_568 = arith.constant 0 : i32
        %dma_start3A_569 = tpu.memref_slice %arg5[%dma_start3A_560, %dma_start3A_567, %dma_start3A_568] : memref<3x4x1024xf32, #tpu.memory_space<vmem>> -> memref<1x4x1024xf32, #tpu.memory_space<vmem>>
        %dma_start3A_570 = tpu.memref_squeeze %dma_start3A_569 : memref<1x4x1024xf32, #tpu.memory_space<vmem>> -> memref<4x1024xf32, #tpu.memory_space<vmem>>
        %dma_start3A_571 = arith.constant 0 : i32
        %dma_start3A_572 = tpu.memref_slice %arg3[%add3A_559, %dma_start3A_571] : memref<8192x1024xf32, #tpu.memory_space<hbm>> -> memref<4x1024xf32, #tpu.memory_space<hbm>>
        tpu.enqueue_dma source(%dma_start3A_572 : memref<4x1024xf32, #tpu.memory_space<hbm>>) target(%dma_start3A_570 : memref<4x1024xf32, #tpu.memory_space<vmem>>) target_semaphore(%arg10 : memref<!tpu.dma_semaphore, #tpu.memory_space<semaphore_mem>>)
        %dma_start3A_573 = arith.constant 2 : i32
        %dma_start3A_574 = arith.constant 0 : i32
        %dma_start3A_575 = arith.constant 0 : i32
        %dma_start3A_576 = arith.constant 0 : i32
        %dma_start3A_577 = tpu.memref_slice %arg6[%dma_start3A_573, %dma_start3A_574, %dma_start3A_575, %dma_start3A_576] : memref<3x4x4x1024xf32, #tpu.memory_space<vmem>> -> memref<1x4x4x1024xf32, #tpu.memory_space<vmem>>
        %dma_start3A_578 = tpu.memref_squeeze %dma_start3A_577 : memref<1x4x4x1024xf32, #tpu.memory_space<vmem>> -> memref<4x4x1024xf32, #tpu.memory_space<vmem>>
        %dma_start3A_579 = arith.constant 0 : i32
        %dma_start3A_580 = arith.constant 0 : i32
        %dma_start3A_581 = tpu.memref_slice %arg2[%dma_start3A_579, %add3A_559, %dma_start3A_580] : memref<4x8192x1024xf32, #tpu.memory_space<hbm>> -> memref<4x4x1024xf32, #tpu.memory_space<hbm>>
        %dma_start3A_582 = arith.constant 0 : i32
        %dma_start3A_583 = arith.constant 0 : i32
        %dma_start3A_584 = arith.constant 0 : i32
        %dma_start3A_585 = tpu.memref_slice %arg6[%dma_start3A_573, %dma_start3A_582, %dma_start3A_583, %dma_start3A_584] : memref<3x4x4x1024xf32, #tpu.memory_space<vmem>> -> memref<1x4x4x1024xf32, #tpu.memory_space<vmem>>
        %dma_start3A_586 = tpu.memref_squeeze %dma_start3A_585 : memref<1x4x4x1024xf32, #tpu.memory_space<vmem>> -> memref<4x4x1024xf32, #tpu.memory_space<vmem>>
        %dma_start3A_587 = arith.constant 0 : i32
        %dma_start3A_588 = arith.constant 0 : i32
        %dma_start3A_589 = tpu.memref_slice %arg2[%dma_start3A_587, %add3A_559, %dma_start3A_588] : memref<4x8192x1024xf32, #tpu.memory_space<hbm>> -> memref<4x4x1024xf32, #tpu.memory_space<hbm>>
        tpu.enqueue_dma source(%dma_start3A_589 : memref<4x4x1024xf32, #tpu.memory_space<hbm>>) target(%dma_start3A_586 : memref<4x4x1024xf32, #tpu.memory_space<vmem>>) target_semaphore(%arg10 : memref<!tpu.dma_semaphore, #tpu.memory_space<semaphore_mem>>)
      } else {
      }
    }
    %scan3A_102 = arith.constant 21 : i32
    %add3A_103 = arith.constant 240 : i32
    %add3A_104 = arith.addi %mul3A_2, %add3A_103 : i32
    %dma_wait3A = arith.constant 0 : i32
    %dma_wait3A_105 = arith.constant 0 : i32
    %dma_wait3A_106 = arith.constant 0 : i32
    %dma_wait3A_107 = arith.constant 0 : i32
    %dma_wait3A_108 = tpu.memref_slice %arg7[%dma_wait3A, %dma_wait3A_105, %dma_wait3A_106, %dma_wait3A_107] : memref<3x4x4x1024xf32, #tpu.memory_space<vmem>> -> memref<1x4x4x1024xf32, #tpu.memory_space<vmem>>
    %dma_wait3A_109 = tpu.memref_squeeze %dma_wait3A_108 : memref<1x4x4x1024xf32, #tpu.memory_space<vmem>> -> memref<4x4x1024xf32, #tpu.memory_space<vmem>>
    %dma_wait3A_110 = arith.constant 0 : i32
    %dma_wait3A_111 = arith.constant 0 : i32
    %dma_wait3A_112 = tpu.memref_slice %arg4[%dma_wait3A_110, %add3A_104, %dma_wait3A_111] : memref<4x8192x1024xf32, #tpu.memory_space<hbm>> -> memref<4x4x1024xf32, #tpu.memory_space<hbm>>
    %dma_wait3A_113 = arith.constant 0 : i32
    %dma_wait3A_114 = arith.constant 0 : i32
    %dma_wait3A_115 = tpu.memref_slice %arg4[%dma_wait3A_113, %add3A_104, %dma_wait3A_114] : memref<4x8192x1024xf32, #tpu.memory_space<hbm>> -> memref<4x4x1024xf32, #tpu.memory_space<hbm>>
    %dma_wait3A_116 = arith.constant 0 : i32
    %dma_wait3A_117 = arith.constant 0 : i32
    %dma_wait3A_118 = arith.constant 0 : i32
    %dma_wait3A_119 = tpu.memref_slice %arg7[%dma_wait3A, %dma_wait3A_116, %dma_wait3A_117, %dma_wait3A_118] : memref<3x4x4x1024xf32, #tpu.memory_space<vmem>> -> memref<1x4x4x1024xf32, #tpu.memory_space<vmem>>
    %dma_wait3A_120 = tpu.memref_squeeze %dma_wait3A_119 : memref<1x4x4x1024xf32, #tpu.memory_space<vmem>> -> memref<4x4x1024xf32, #tpu.memory_space<vmem>>
    tpu.wait_dma2 semaphore(%arg11 : memref<!tpu.dma_semaphore, #tpu.memory_space<semaphore_mem>>) src(%dma_wait3A_120 : memref<4x4x1024xf32, #tpu.memory_space<vmem>>) dst(%dma_wait3A_115 : memref<4x4x1024xf32, #tpu.memory_space<hbm>>)
    %add3A_121 = arith.constant 252 : i32
    %add3A_122 = arith.addi %mul3A_2, %add3A_121 : i32
    %dma_start3A_123 = arith.constant 0 : i32
    %dma_start3A_124 = arith.constant 0 : i32
    %dma_start3A_125 = arith.constant 0 : i32
    %dma_start3A_126 = tpu.memref_slice %arg5[%dma_start3A_123, %dma_start3A_124, %dma_start3A_125] : memref<3x4x1024xf32, #tpu.memory_space<vmem>> -> memref<1x4x1024xf32, #tpu.memory_space<vmem>>
    %dma_start3A_127 = tpu.memref_squeeze %dma_start3A_126 : memref<1x4x1024xf32, #tpu.memory_space<vmem>> -> memref<4x1024xf32, #tpu.memory_space<vmem>>
    %dma_start3A_128 = arith.constant 0 : i32
    %dma_start3A_129 = tpu.memref_slice %arg3[%add3A_122, %dma_start3A_128] : memref<8192x1024xf32, #tpu.memory_space<hbm>> -> memref<4x1024xf32, #tpu.memory_space<hbm>>
    %dma_start3A_130 = arith.constant 0 : i32
    %dma_start3A_131 = arith.constant 0 : i32
    %dma_start3A_132 = tpu.memref_slice %arg5[%dma_start3A_123, %dma_start3A_130, %dma_start3A_131] : memref<3x4x1024xf32, #tpu.memory_space<vmem>> -> memref<1x4x1024xf32, #tpu.memory_space<vmem>>
    %dma_start3A_133 = tpu.memref_squeeze %dma_start3A_132 : memref<1x4x1024xf32, #tpu.memory_space<vmem>> -> memref<4x1024xf32, #tpu.memory_space<vmem>>
    %dma_start3A_134 = arith.constant 0 : i32
    %dma_start3A_135 = tpu.memref_slice %arg3[%add3A_122, %dma_start3A_134] : memref<8192x1024xf32, #tpu.memory_space<hbm>> -> memref<4x1024xf32, #tpu.memory_space<hbm>>
    tpu.enqueue_dma source(%dma_start3A_135 : memref<4x1024xf32, #tpu.memory_space<hbm>>) target(%dma_start3A_133 : memref<4x1024xf32, #tpu.memory_space<vmem>>) target_semaphore(%arg8 : memref<!tpu.dma_semaphore, #tpu.memory_space<semaphore_mem>>)
    %dma_start3A_136 = arith.constant 0 : i32
    %dma_start3A_137 = arith.constant 0 : i32
    %dma_start3A_138 = arith.constant 0 : i32
    %dma_start3A_139 = arith.constant 0 : i32
    %dma_start3A_140 = tpu.memref_slice %arg6[%dma_start3A_136, %dma_start3A_137, %dma_start3A_138, %dma_start3A_139] : memref<3x4x4x1024xf32, #tpu.memory_space<vmem>> -> memref<1x4x4x1024xf32, #tpu.memory_space<vmem>>
    %dma_start3A_141 = tpu.memref_squeeze %dma_start3A_140 : memref<1x4x4x1024xf32, #tpu.memory_space<vmem>> -> memref<4x4x1024xf32, #tpu.memory_space<vmem>>
    %dma_start3A_142 = arith.constant 0 : i32
    %dma_start3A_143 = arith.constant 0 : i32
    %dma_start3A_144 = tpu.memref_slice %arg2[%dma_start3A_142, %add3A_122, %dma_start3A_143] : memref<4x8192x1024xf32, #tpu.memory_space<hbm>> -> memref<4x4x1024xf32, #tpu.memory_space<hbm>>
    %dma_start3A_145 = arith.constant 0 : i32
    %dma_start3A_146 = arith.constant 0 : i32
    %dma_start3A_147 = arith.constant 0 : i32
    %dma_start3A_148 = tpu.memref_slice %arg6[%dma_start3A_136, %dma_start3A_145, %dma_start3A_146, %dma_start3A_147] : memref<3x4x4x1024xf32, #tpu.memory_space<vmem>> -> memref<1x4x4x1024xf32, #tpu.memory_space<vmem>>
    %dma_start3A_149 = tpu.memref_squeeze %dma_start3A_148 : memref<1x4x4x1024xf32, #tpu.memory_space<vmem>> -> memref<4x4x1024xf32, #tpu.memory_space<vmem>>
    %dma_start3A_150 = arith.constant 0 : i32
    %dma_start3A_151 = arith.constant 0 : i32
    %dma_start3A_152 = tpu.memref_slice %arg2[%dma_start3A_150, %add3A_122, %dma_start3A_151] : memref<4x8192x1024xf32, #tpu.memory_space<hbm>> -> memref<4x4x1024xf32, #tpu.memory_space<hbm>>
    tpu.enqueue_dma source(%dma_start3A_152 : memref<4x4x1024xf32, #tpu.memory_space<hbm>>) target(%dma_start3A_149 : memref<4x4x1024xf32, #tpu.memory_space<vmem>>) target_semaphore(%arg8 : memref<!tpu.dma_semaphore, #tpu.memory_space<semaphore_mem>>)
    %add3A_153 = arith.constant 252 : i32
    %add3A_154 = arith.addi %mul3A_2, %add3A_153 : i32
    %dma_wait3A_155 = arith.constant 0 : i32
    %dma_wait3A_156 = arith.constant 0 : i32
    %dma_wait3A_157 = arith.constant 0 : i32
    %dma_wait3A_158 = tpu.memref_slice %arg5[%dma_wait3A_155, %dma_wait3A_156, %dma_wait3A_157] : memref<3x4x1024xf32, #tpu.memory_space<vmem>> -> memref<1x4x1024xf32, #tpu.memory_space<vmem>>
    %dma_wait3A_159 = tpu.memref_squeeze %dma_wait3A_158 : memref<1x4x1024xf32, #tpu.memory_space<vmem>> -> memref<4x1024xf32, #tpu.memory_space<vmem>>
    %dma_wait3A_160 = arith.constant 0 : i32
    %dma_wait3A_161 = tpu.memref_slice %arg3[%add3A_154, %dma_wait3A_160] : memref<8192x1024xf32, #tpu.memory_space<hbm>> -> memref<4x1024xf32, #tpu.memory_space<hbm>>
    %dma_wait3A_162 = arith.constant 0 : i32
    %dma_wait3A_163 = arith.constant 0 : i32
    %dma_wait3A_164 = tpu.memref_slice %arg5[%dma_wait3A_155, %dma_wait3A_162, %dma_wait3A_163] : memref<3x4x1024xf32, #tpu.memory_space<vmem>> -> memref<1x4x1024xf32, #tpu.memory_space<vmem>>
    %dma_wait3A_165 = tpu.memref_squeeze %dma_wait3A_164 : memref<1x4x1024xf32, #tpu.memory_space<vmem>> -> memref<4x1024xf32, #tpu.memory_space<vmem>>
    %dma_wait3A_166 = arith.constant 0 : i32
    %dma_wait3A_167 = tpu.memref_slice %arg3[%add3A_154, %dma_wait3A_166] : memref<8192x1024xf32, #tpu.memory_space<hbm>> -> memref<4x1024xf32, #tpu.memory_space<hbm>>
    tpu.wait_dma2 semaphore(%arg8 : memref<!tpu.dma_semaphore, #tpu.memory_space<semaphore_mem>>) src(%dma_wait3A_167 : memref<4x1024xf32, #tpu.memory_space<hbm>>) dst(%dma_wait3A_165 : memref<4x1024xf32, #tpu.memory_space<vmem>>)
    %dma_wait3A_168 = arith.constant 0 : i32
    %dma_wait3A_169 = arith.constant 0 : i32
    %dma_wait3A_170 = arith.constant 0 : i32
    %dma_wait3A_171 = arith.constant 0 : i32
    %dma_wait3A_172 = tpu.memref_slice %arg6[%dma_wait3A_168, %dma_wait3A_169, %dma_wait3A_170, %dma_wait3A_171] : memref<3x4x4x1024xf32, #tpu.memory_space<vmem>> -> memref<1x4x4x1024xf32, #tpu.memory_space<vmem>>
    %dma_wait3A_173 = tpu.memref_squeeze %dma_wait3A_172 : memref<1x4x4x1024xf32, #tpu.memory_space<vmem>> -> memref<4x4x1024xf32, #tpu.memory_space<vmem>>
    %dma_wait3A_174 = arith.constant 0 : i32
    %dma_wait3A_175 = arith.constant 0 : i32
    %dma_wait3A_176 = tpu.memref_slice %arg2[%dma_wait3A_174, %add3A_154, %dma_wait3A_175] : memref<4x8192x1024xf32, #tpu.memory_space<hbm>> -> memref<4x4x1024xf32, #tpu.memory_space<hbm>>
    %dma_wait3A_177 = arith.constant 0 : i32
    %dma_wait3A_178 = arith.constant 0 : i32
    %dma_wait3A_179 = arith.constant 0 : i32
    %dma_wait3A_180 = tpu.memref_slice %arg6[%dma_wait3A_168, %dma_wait3A_177, %dma_wait3A_178, %dma_wait3A_179] : memref<3x4x4x1024xf32, #tpu.memory_space<vmem>> -> memref<1x4x4x1024xf32, #tpu.memory_space<vmem>>
    %dma_wait3A_181 = tpu.memref_squeeze %dma_wait3A_180 : memref<1x4x4x1024xf32, #tpu.memory_space<vmem>> -> memref<4x4x1024xf32, #tpu.memory_space<vmem>>
    %dma_wait3A_182 = arith.constant 0 : i32
    %dma_wait3A_183 = arith.constant 0 : i32
    %dma_wait3A_184 = tpu.memref_slice %arg2[%dma_wait3A_182, %add3A_154, %dma_wait3A_183] : memref<4x8192x1024xf32, #tpu.memory_space<hbm>> -> memref<4x4x1024xf32, #tpu.memory_space<hbm>>
    tpu.wait_dma2 semaphore(%arg8 : memref<!tpu.dma_semaphore, #tpu.memory_space<semaphore_mem>>) src(%dma_wait3A_184 : memref<4x4x1024xf32, #tpu.memory_space<hbm>>) dst(%dma_wait3A_181 : memref<4x4x1024xf32, #tpu.memory_space<vmem>>)
    %scan3A_185 = arith.constant 0 : i32
    %scan3A_186 = arith.constant 0 : i32
    %scan3A_187 = arith.constant 64 : i32
    %scan3A_188 = arith.addi %scan3A_186, %scan3A_187 : i32
    %scan3A_189 = arith.constant 1 : i32
    scf.for %scan3A_285 = %scan3A_186 to %scan3A_188 step %scan3A_189  : i32 {
      %mul3A_286 = arith.constant 16 : i32
      %mul3A_287 = arith.muli %scan3A_285, %mul3A_286 : i32
      %get3A = arith.constant 0 : i32
      %get3A_288 = arith.constant 0 : i32
      %get3A_289 = arith.index_cast %get3A : i32 to index
      %get3A_290 = arith.index_cast %get3A_288 : i32 to index
      %get3A_291 = arith.index_cast %mul3A_287 : i32 to index
      %get3A_292 = tpu.vector_load %arg5[%get3A_289, %get3A_290, %get3A_291] {strides = array<i32>} : memref<3x4x1024xf32, #tpu.memory_space<vmem>>, vector<1x1x16xf32>,
      %get3A_293 = vector.shape_cast %get3A_292 : vector<1x1x16xf32> to vector<16xf32>
      %get3A_294 = arith.constant 0 : i32
      %get3A_295 = arith.constant 0 : i32
      %get3A_296 = arith.constant 0 : i32
      %get3A_297 = arith.index_cast %get3A_294 : i32 to index
      %get3A_298 = arith.index_cast %get3A_295 : i32 to index
      %get3A_299 = arith.index_cast %get3A_296 : i32 to index
      %get3A_300 = arith.index_cast %mul3A_287 : i32 to index
      %get3A_301 = tpu.vector_load %arg6[%get3A_297, %get3A_298, %get3A_299, %get3A_300] {strides = array<i32>} : memref<3x4x4x1024xf32, #tpu.memory_space<vmem>>, vector<1x1x1x16xf32>,
      %get3A_302 = vector.shape_cast %get3A_301 : vector<1x1x1x16xf32> to vector<16xf32>
      %add3A_303 = arith.addf %get3A_302, %get3A_293 : vector<16xf32>
      %swap3A = arith.constant 0 : i32
      %swap3A_304 = arith.constant 0 : i32
      %swap3A_305 = arith.constant 0 : i32
      %swap3A_306 = arith.index_cast %swap3A : i32 to index
      %swap3A_307 = arith.index_cast %swap3A_304 : i32 to index
      %swap3A_308 = arith.index_cast %swap3A_305 : i32 to index
      %swap3A_309 = arith.index_cast %mul3A_287 : i32 to index
      %swap3A_310 = tpu.vector_load %arg7[%swap3A_306, %swap3A_307, %swap3A_308, %swap3A_309] {strides = array<i32>} : memref<3x4x4x1024xf32, #tpu.memory_space<vmem>>, vector<1x1x1x16xf32>,
      %swap3A_311 = vector.shape_cast %swap3A_310 : vector<1x1x1x16xf32> to vector<16xf32>
      %swap3A_312 = vector.shape_cast %add3A_303 : vector<16xf32> to vector<1x1x1x16xf32>
      tpu.vector_store %arg7[%swap3A_306, %swap3A_307, %swap3A_308, %swap3A_309], %swap3A_312 {strides = array<i32>} : memref<3x4x4x1024xf32, #tpu.memory_space<vmem>>, vector<1x1x1x16xf32>,
      %get3A_313 = arith.constant 0 : i32
      %get3A_314 = arith.constant 1 : i32
      %get3A_315 = arith.constant 0 : i32
      %get3A_316 = arith.index_cast %get3A_313 : i32 to index
      %get3A_317 = arith.index_cast %get3A_314 : i32 to index
      %get3A_318 = arith.index_cast %get3A_315 : i32 to index
      %get3A_319 = arith.index_cast %mul3A_287 : i32 to index
      %get3A_320 = tpu.vector_load %arg6[%get3A_316, %get3A_317, %get3A_318, %get3A_319] {strides = array<i32>} : memref<3x4x4x1024xf32, #tpu.memory_space<vmem>>, vector<1x1x1x16xf32>,
      %get3A_321 = vector.shape_cast %get3A_320 : vector<1x1x1x16xf32> to vector<16xf32>
      %add3A_322 = arith.addf %get3A_321, %get3A_293 : vector<16xf32>
      %swap3A_323 = arith.constant 0 : i32
      %swap3A_324 = arith.constant 1 : i32
      %swap3A_325 = arith.constant 0 : i32
      %swap3A_326 = arith.index_cast %swap3A_323 : i32 to index
      %swap3A_327 = arith.index_cast %swap3A_324 : i32 to index
      %swap3A_328 = arith.index_cast %swap3A_325 : i32 to index
      %swap3A_329 = arith.index_cast %mul3A_287 : i32 to index
      %swap3A_330 = tpu.vector_load %arg7[%swap3A_326, %swap3A_327, %swap3A_328, %swap3A_329] {strides = array<i32>} : memref<3x4x4x1024xf32, #tpu.memory_space<vmem>>, vector<1x1x1x16xf32>,
      %swap3A_331 = vector.shape_cast %swap3A_330 : vector<1x1x1x16xf32> to vector<16xf32>
      %swap3A_332 = vector.shape_cast %add3A_322 : vector<16xf32> to vector<1x1x1x16xf32>
      tpu.vector_store %arg7[%swap3A_326, %swap3A_327, %swap3A_328, %swap3A_329], %swap3A_332 {strides = array<i32>} : memref<3x4x4x1024xf32, #tpu.memory_space<vmem>>, vector<1x1x1x16xf32>,
      %get3A_333 = arith.constant 0 : i32
      %get3A_334 = arith.constant 2 : i32
      %get3A_335 = arith.constant 0 : i32
      %get3A_336 = arith.index_cast %get3A_333 : i32 to index
      %get3A_337 = arith.index_cast %get3A_334 : i32 to index
      %get3A_338 = arith.index_cast %get3A_335 : i32 to index
      %get3A_339 = arith.index_cast %mul3A_287 : i32 to index
      %get3A_340 = tpu.vector_load %arg6[%get3A_336, %get3A_337, %get3A_338, %get3A_339] {strides = array<i32>} : memref<3x4x4x1024xf32, #tpu.memory_space<vmem>>, vector<1x1x1x16xf32>,
      %get3A_341 = vector.shape_cast %get3A_340 : vector<1x1x1x16xf32> to vector<16xf32>
      %add3A_342 = arith.addf %get3A_341, %get3A_293 : vector<16xf32>
      %swap3A_343 = arith.constant 0 : i32
      %swap3A_344 = arith.constant 2 : i32
      %swap3A_345 = arith.constant 0 : i32
      %swap3A_346 = arith.index_cast %swap3A_343 : i32 to index
      %swap3A_347 = arith.index_cast %swap3A_344 : i32 to index
      %swap3A_348 = arith.index_cast %swap3A_345 : i32 to index
      %swap3A_349 = arith.index_cast %mul3A_287 : i32 to index
      %swap3A_350 = tpu.vector_load %arg7[%swap3A_346, %swap3A_347, %swap3A_348, %swap3A_349] {strides = array<i32>} : memref<3x4x4x1024xf32, #tpu.memory_space<vmem>>, vector<1x1x1x16xf32>,
      %swap3A_351 = vector.shape_cast %swap3A_350 : vector<1x1x1x16xf32> to vector<16xf32>
      %swap3A_352 = vector.shape_cast %add3A_342 : vector<16xf32> to vector<1x1x1x16xf32>
      tpu.vector_store %arg7[%swap3A_346, %swap3A_347, %swap3A_348, %swap3A_349], %swap3A_352 {strides = array<i32>} : memref<3x4x4x1024xf32, #tpu.memory_space<vmem>>, vector<1x1x1x16xf32>,
      %get3A_353 = arith.constant 0 : i32
      %get3A_354 = arith.constant 3 : i32
      %get3A_355 = arith.constant 0 : i32
      %get3A_356 = arith.index_cast %get3A_353 : i32 to index
      %get3A_357 = arith.index_cast %get3A_354 : i32 to index
      %get3A_358 = arith.index_cast %get3A_355 : i32 to index
      %get3A_359 = arith.index_cast %mul3A_287 : i32 to index
      %get3A_360 = tpu.vector_load %arg6[%get3A_356, %get3A_357, %get3A_358, %get3A_359] {strides = array<i32>} : memref<3x4x4x1024xf32, #tpu.memory_space<vmem>>, vector<1x1x1x16xf32>,
      %get3A_361 = vector.shape_cast %get3A_360 : vector<1x1x1x16xf32> to vector<16xf32>
      %add3A_362 = arith.addf %get3A_361, %get3A_293 : vector<16xf32>
      %swap3A_363 = arith.constant 0 : i32
      %swap3A_364 = arith.constant 3 : i32
      %swap3A_365 = arith.constant 0 : i32
      %swap3A_366 = arith.index_cast %swap3A_363 : i32 to index
      %swap3A_367 = arith.index_cast %swap3A_364 : i32 to index
      %swap3A_368 = arith.index_cast %swap3A_365 : i32 to index
      %swap3A_369 = arith.index_cast %mul3A_287 : i32 to index
      %swap3A_370 = tpu.vector_load %arg7[%swap3A_366, %swap3A_367, %swap3A_368, %swap3A_369] {strides = array<i32>} : memref<3x4x4x1024xf32, #tpu.memory_space<vmem>>, vector<1x1x1x16xf32>,
      %swap3A_371 = vector.shape_cast %swap3A_370 : vector<1x1x1x16xf32> to vector<16xf32>
      %swap3A_372 = vector.shape_cast %add3A_362 : vector<16xf32> to vector<1x1x1x16xf32>
      tpu.vector_store %arg7[%swap3A_366, %swap3A_367, %swap3A_368, %swap3A_369], %swap3A_372 {strides = array<i32>} : memref<3x4x4x1024xf32, #tpu.memory_space<vmem>>, vector<1x1x1x16xf32>,
    }
    %scan3A_190 = arith.constant 64 : i32
    %scan3A_191 = arith.constant 0 : i32
    %scan3A_192 = arith.constant 0 : i32
    %scan3A_193 = arith.constant 64 : i32
    %scan3A_194 = arith.addi %scan3A_192, %scan3A_193 : i32
    %scan3A_195 = arith.constant 1 : i32
    scf.for %scan3A_285 = %scan3A_192 to %scan3A_194 step %scan3A_195  : i32 {
      %mul3A_286 = arith.constant 16 : i32
      %mul3A_287 = arith.muli %scan3A_285, %mul3A_286 : i32
      %get3A = arith.constant 0 : i32
      %get3A_288 = arith.constant 1 : i32
      %get3A_289 = arith.index_cast %get3A : i32 to index
      %get3A_290 = arith.index_cast %get3A_288 : i32 to index
      %get3A_291 = arith.index_cast %mul3A_287 : i32 to index
      %get3A_292 = tpu.vector_load %arg5[%get3A_289, %get3A_290, %get3A_291] {strides = array<i32>} : memref<3x4x1024xf32, #tpu.memory_space<vmem>>, vector<1x1x16xf32>,
      %get3A_293 = vector.shape_cast %get3A_292 : vector<1x1x16xf32> to vector<16xf32>
      %get3A_294 = arith.constant 0 : i32
      %get3A_295 = arith.constant 0 : i32
      %get3A_296 = arith.constant 1 : i32
      %get3A_297 = arith.index_cast %get3A_294 : i32 to index
      %get3A_298 = arith.index_cast %get3A_295 : i32 to index
      %get3A_299 = arith.index_cast %get3A_296 : i32 to index
      %get3A_300 = arith.index_cast %mul3A_287 : i32 to index
      %get3A_301 = tpu.vector_load %arg6[%get3A_297, %get3A_298, %get3A_299, %get3A_300] {strides = array<i32>} : memref<3x4x4x1024xf32, #tpu.memory_space<vmem>>, vector<1x1x1x16xf32>,
      %get3A_302 = vector.shape_cast %get3A_301 : vector<1x1x1x16xf32> to vector<16xf32>
      %add3A_303 = arith.addf %get3A_302, %get3A_293 : vector<16xf32>
      %swap3A = arith.constant 0 : i32
      %swap3A_304 = arith.constant 0 : i32
      %swap3A_305 = arith.constant 1 : i32
      %swap3A_306 = arith.index_cast %swap3A : i32 to index
      %swap3A_307 = arith.index_cast %swap3A_304 : i32 to index
      %swap3A_308 = arith.index_cast %swap3A_305 : i32 to index
      %swap3A_309 = arith.index_cast %mul3A_287 : i32 to index
      %swap3A_310 = tpu.vector_load %arg7[%swap3A_306, %swap3A_307, %swap3A_308, %swap3A_309] {strides = array<i32>} : memref<3x4x4x1024xf32, #tpu.memory_space<vmem>>, vector<1x1x1x16xf32>,
      %swap3A_311 = vector.shape_cast %swap3A_310 : vector<1x1x1x16xf32> to vector<16xf32>
      %swap3A_312 = vector.shape_cast %add3A_303 : vector<16xf32> to vector<1x1x1x16xf32>
      tpu.vector_store %arg7[%swap3A_306, %swap3A_307, %swap3A_308, %swap3A_309], %swap3A_312 {strides = array<i32>} : memref<3x4x4x1024xf32, #tpu.memory_space<vmem>>, vector<1x1x1x16xf32>,
      %get3A_313 = arith.constant 0 : i32
      %get3A_314 = arith.constant 1 : i32
      %get3A_315 = arith.constant 1 : i32
      %get3A_316 = arith.index_cast %get3A_313 : i32 to index
      %get3A_317 = arith.index_cast %get3A_314 : i32 to index
      %get3A_318 = arith.index_cast %get3A_315 : i32 to index
      %get3A_319 = arith.index_cast %mul3A_287 : i32 to index
      %get3A_320 = tpu.vector_load %arg6[%get3A_316, %get3A_317, %get3A_318, %get3A_319] {strides = array<i32>} : memref<3x4x4x1024xf32, #tpu.memory_space<vmem>>, vector<1x1x1x16xf32>,
      %get3A_321 = vector.shape_cast %get3A_320 : vector<1x1x1x16xf32> to vector<16xf32>
      %add3A_322 = arith.addf %get3A_321, %get3A_293 : vector<16xf32>
      %swap3A_323 = arith.constant 0 : i32
      %swap3A_324 = arith.constant 1 : i32
      %swap3A_325 = arith.constant 1 : i32
      %swap3A_326 = arith.index_cast %swap3A_323 : i32 to index
      %swap3A_327 = arith.index_cast %swap3A_324 : i32 to index
      %swap3A_328 = arith.index_cast %swap3A_325 : i32 to index
      %swap3A_329 = arith.index_cast %mul3A_287 : i32 to index
      %swap3A_330 = tpu.vector_load %arg7[%swap3A_326, %swap3A_327, %swap3A_328, %swap3A_329] {strides = array<i32>} : memref<3x4x4x1024xf32, #tpu.memory_space<vmem>>, vector<1x1x1x16xf32>,
      %swap3A_331 = vector.shape_cast %swap3A_330 : vector<1x1x1x16xf32> to vector<16xf32>
      %swap3A_332 = vector.shape_cast %add3A_322 : vector<16xf32> to vector<1x1x1x16xf32>
      tpu.vector_store %arg7[%swap3A_326, %swap3A_327, %swap3A_328, %swap3A_329], %swap3A_332 {strides = array<i32>} : memref<3x4x4x1024xf32, #tpu.memory_space<vmem>>, vector<1x1x1x16xf32>,
      %get3A_333 = arith.constant 0 : i32
      %get3A_334 = arith.constant 2 : i32
      %get3A_335 = arith.constant 1 : i32
      %get3A_336 = arith.index_cast %get3A_333 : i32 to index
      %get3A_337 = arith.index_cast %get3A_334 : i32 to index
      %get3A_338 = arith.index_cast %get3A_335 : i32 to index
      %get3A_339 = arith.index_cast %mul3A_287 : i32 to index
      %get3A_340 = tpu.vector_load %arg6[%get3A_336, %get3A_337, %get3A_338, %get3A_339] {strides = array<i32>} : memref<3x4x4x1024xf32, #tpu.memory_space<vmem>>, vector<1x1x1x16xf32>,
      %get3A_341 = vector.shape_cast %get3A_340 : vector<1x1x1x16xf32> to vector<16xf32>
      %add3A_342 = arith.addf %get3A_341, %get3A_293 : vector<16xf32>
      %swap3A_343 = arith.constant 0 : i32
      %swap3A_344 = arith.constant 2 : i32
      %swap3A_345 = arith.constant 1 : i32
      %swap3A_346 = arith.index_cast %swap3A_343 : i32 to index
      %swap3A_347 = arith.index_cast %swap3A_344 : i32 to index
      %swap3A_348 = arith.index_cast %swap3A_345 : i32 to index
      %swap3A_349 = arith.index_cast %mul3A_287 : i32 to index
      %swap3A_350 = tpu.vector_load %arg7[%swap3A_346, %swap3A_347, %swap3A_348, %swap3A_349] {strides = array<i32>} : memref<3x4x4x1024xf32, #tpu.memory_space<vmem>>, vector<1x1x1x16xf32>,
      %swap3A_351 = vector.shape_cast %swap3A_350 : vector<1x1x1x16xf32> to vector<16xf32>
      %swap3A_352 = vector.shape_cast %add3A_342 : vector<16xf32> to vector<1x1x1x16xf32>
      tpu.vector_store %arg7[%swap3A_346, %swap3A_347, %swap3A_348, %swap3A_349], %swap3A_352 {strides = array<i32>} : memref<3x4x4x1024xf32, #tpu.memory_space<vmem>>, vector<1x1x1x16xf32>,
      %get3A_353 = arith.constant 0 : i32
      %get3A_354 = arith.constant 3 : i32
      %get3A_355 = arith.constant 1 : i32
      %get3A_356 = arith.index_cast %get3A_353 : i32 to index
      %get3A_357 = arith.index_cast %get3A_354 : i32 to index
      %get3A_358 = arith.index_cast %get3A_355 : i32 to index
      %get3A_359 = arith.index_cast %mul3A_287 : i32 to index
      %get3A_360 = tpu.vector_load %arg6[%get3A_356, %get3A_357, %get3A_358, %get3A_359] {strides = array<i32>} : memref<3x4x4x1024xf32, #tpu.memory_space<vmem>>, vector<1x1x1x16xf32>,
      %get3A_361 = vector.shape_cast %get3A_360 : vector<1x1x1x16xf32> to vector<16xf32>
      %add3A_362 = arith.addf %get3A_361, %get3A_293 : vector<16xf32>
      %swap3A_363 = arith.constant 0 : i32
      %swap3A_364 = arith.constant 3 : i32
      %swap3A_365 = arith.constant 1 : i32
      %swap3A_366 = arith.index_cast %swap3A_363 : i32 to index
      %swap3A_367 = arith.index_cast %swap3A_364 : i32 to index
      %swap3A_368 = arith.index_cast %swap3A_365 : i32 to index
      %swap3A_369 = arith.index_cast %mul3A_287 : i32 to index
      %swap3A_370 = tpu.vector_load %arg7[%swap3A_366, %swap3A_367, %swap3A_368, %swap3A_369] {strides = array<i32>} : memref<3x4x4x1024xf32, #tpu.memory_space<vmem>>, vector<1x1x1x16xf32>,
      %swap3A_371 = vector.shape_cast %swap3A_370 : vector<1x1x1x16xf32> to vector<16xf32>
      %swap3A_372 = vector.shape_cast %add3A_362 : vector<16xf32> to vector<1x1x1x16xf32>
      tpu.vector_store %arg7[%swap3A_366, %swap3A_367, %swap3A_368, %swap3A_369], %swap3A_372 {strides = array<i32>} : memref<3x4x4x1024xf32, #tpu.memory_space<vmem>>, vector<1x1x1x16xf32>,
    }
    %scan3A_196 = arith.constant 64 : i32
    %scan3A_197 = arith.constant 0 : i32
    %scan3A_198 = arith.constant 0 : i32
    %scan3A_199 = arith.constant 64 : i32
    %scan3A_200 = arith.addi %scan3A_198, %scan3A_199 : i32
    %scan3A_201 = arith.constant 1 : i32
    scf.for %scan3A_285 = %scan3A_198 to %scan3A_200 step %scan3A_201  : i32 {
      %mul3A_286 = arith.constant 16 : i32
      %mul3A_287 = arith.muli %scan3A_285, %mul3A_286 : i32
      %get3A = arith.constant 0 : i32
      %get3A_288 = arith.constant 2 : i32
      %get3A_289 = arith.index_cast %get3A : i32 to index
      %get3A_290 = arith.index_cast %get3A_288 : i32 to index
      %get3A_291 = arith.index_cast %mul3A_287 : i32 to index
      %get3A_292 = tpu.vector_load %arg5[%get3A_289, %get3A_290, %get3A_291] {strides = array<i32>} : memref<3x4x1024xf32, #tpu.memory_space<vmem>>, vector<1x1x16xf32>,
      %get3A_293 = vector.shape_cast %get3A_292 : vector<1x1x16xf32> to vector<16xf32>
      %get3A_294 = arith.constant 0 : i32
      %get3A_295 = arith.constant 0 : i32
      %get3A_296 = arith.constant 2 : i32
      %get3A_297 = arith.index_cast %get3A_294 : i32 to index
      %get3A_298 = arith.index_cast %get3A_295 : i32 to index
      %get3A_299 = arith.index_cast %get3A_296 : i32 to index
      %get3A_300 = arith.index_cast %mul3A_287 : i32 to index
      %get3A_301 = tpu.vector_load %arg6[%get3A_297, %get3A_298, %get3A_299, %get3A_300] {strides = array<i32>} : memref<3x4x4x1024xf32, #tpu.memory_space<vmem>>, vector<1x1x1x16xf32>,
      %get3A_302 = vector.shape_cast %get3A_301 : vector<1x1x1x16xf32> to vector<16xf32>
      %add3A_303 = arith.addf %get3A_302, %get3A_293 : vector<16xf32>
      %swap3A = arith.constant 0 : i32
      %swap3A_304 = arith.constant 0 : i32
      %swap3A_305 = arith.constant 2 : i32
      %swap3A_306 = arith.index_cast %swap3A : i32 to index
      %swap3A_307 = arith.index_cast %swap3A_304 : i32 to index
      %swap3A_308 = arith.index_cast %swap3A_305 : i32 to index
      %swap3A_309 = arith.index_cast %mul3A_287 : i32 to index
      %swap3A_310 = tpu.vector_load %arg7[%swap3A_306, %swap3A_307, %swap3A_308, %swap3A_309] {strides = array<i32>} : memref<3x4x4x1024xf32, #tpu.memory_space<vmem>>, vector<1x1x1x16xf32>,
      %swap3A_311 = vector.shape_cast %swap3A_310 : vector<1x1x1x16xf32> to vector<16xf32>
      %swap3A_312 = vector.shape_cast %add3A_303 : vector<16xf32> to vector<1x1x1x16xf32>
      tpu.vector_store %arg7[%swap3A_306, %swap3A_307, %swap3A_308, %swap3A_309], %swap3A_312 {strides = array<i32>} : memref<3x4x4x1024xf32, #tpu.memory_space<vmem>>, vector<1x1x1x16xf32>,
      %get3A_313 = arith.constant 0 : i32
      %get3A_314 = arith.constant 1 : i32
      %get3A_315 = arith.constant 2 : i32
      %get3A_316 = arith.index_cast %get3A_313 : i32 to index
      %get3A_317 = arith.index_cast %get3A_314 : i32 to index
      %get3A_318 = arith.index_cast %get3A_315 : i32 to index
      %get3A_319 = arith.index_cast %mul3A_287 : i32 to index
      %get3A_320 = tpu.vector_load %arg6[%get3A_316, %get3A_317, %get3A_318, %get3A_319] {strides = array<i32>} : memref<3x4x4x1024xf32, #tpu.memory_space<vmem>>, vector<1x1x1x16xf32>,
      %get3A_321 = vector.shape_cast %get3A_320 : vector<1x1x1x16xf32> to vector<16xf32>
      %add3A_322 = arith.addf %get3A_321, %get3A_293 : vector<16xf32>
      %swap3A_323 = arith.constant 0 : i32
      %swap3A_324 = arith.constant 1 : i32
      %swap3A_325 = arith.constant 2 : i32
      %swap3A_326 = arith.index_cast %swap3A_323 : i32 to index
      %swap3A_327 = arith.index_cast %swap3A_324 : i32 to index
      %swap3A_328 = arith.index_cast %swap3A_325 : i32 to index
      %swap3A_329 = arith.index_cast %mul3A_287 : i32 to index
      %swap3A_330 = tpu.vector_load %arg7[%swap3A_326, %swap3A_327, %swap3A_328, %swap3A_329] {strides = array<i32>} : memref<3x4x4x1024xf32, #tpu.memory_space<vmem>>, vector<1x1x1x16xf32>,
      %swap3A_331 = vector.shape_cast %swap3A_330 : vector<1x1x1x16xf32> to vector<16xf32>
      %swap3A_332 = vector.shape_cast %add3A_322 : vector<16xf32> to vector<1x1x1x16xf32>
      tpu.vector_store %arg7[%swap3A_326, %swap3A_327, %swap3A_328, %swap3A_329], %swap3A_332 {strides = array<i32>} : memref<3x4x4x1024xf32, #tpu.memory_space<vmem>>, vector<1x1x1x16xf32>,
      %get3A_333 = arith.constant 0 : i32
      %get3A_334 = arith.constant 2 : i32
      %get3A_335 = arith.constant 2 : i32
      %get3A_336 = arith.index_cast %get3A_333 : i32 to index
      %get3A_337 = arith.index_cast %get3A_334 : i32 to index
      %get3A_338 = arith.index_cast %get3A_335 : i32 to index
      %get3A_339 = arith.index_cast %mul3A_287 : i32 to index
      %get3A_340 = tpu.vector_load %arg6[%get3A_336, %get3A_337, %get3A_338, %get3A_339] {strides = array<i32>} : memref<3x4x4x1024xf32, #tpu.memory_space<vmem>>, vector<1x1x1x16xf32>,
      %get3A_341 = vector.shape_cast %get3A_340 : vector<1x1x1x16xf32> to vector<16xf32>
      %add3A_342 = arith.addf %get3A_341, %get3A_293 : vector<16xf32>
      %swap3A_343 = arith.constant 0 : i32
      %swap3A_344 = arith.constant 2 : i32
      %swap3A_345 = arith.constant 2 : i32
      %swap3A_346 = arith.index_cast %swap3A_343 : i32 to index
      %swap3A_347 = arith.index_cast %swap3A_344 : i32 to index
      %swap3A_348 = arith.index_cast %swap3A_345 : i32 to index
      %swap3A_349 = arith.index_cast %mul3A_287 : i32 to index
      %swap3A_350 = tpu.vector_load %arg7[%swap3A_346, %swap3A_347, %swap3A_348, %swap3A_349] {strides = array<i32>} : memref<3x4x4x1024xf32, #tpu.memory_space<vmem>>, vector<1x1x1x16xf32>,
      %swap3A_351 = vector.shape_cast %swap3A_350 : vector<1x1x1x16xf32> to vector<16xf32>
      %swap3A_352 = vector.shape_cast %add3A_342 : vector<16xf32> to vector<1x1x1x16xf32>
      tpu.vector_store %arg7[%swap3A_346, %swap3A_347, %swap3A_348, %swap3A_349], %swap3A_352 {strides = array<i32>} : memref<3x4x4x1024xf32, #tpu.memory_space<vmem>>, vector<1x1x1x16xf32>,
      %get3A_353 = arith.constant 0 : i32
      %get3A_354 = arith.constant 3 : i32
      %get3A_355 = arith.constant 2 : i32
      %get3A_356 = arith.index_cast %get3A_353 : i32 to index
      %get3A_357 = arith.index_cast %get3A_354 : i32 to index
      %get3A_358 = arith.index_cast %get3A_355 : i32 to index
      %get3A_359 = arith.index_cast %mul3A_287 : i32 to index
      %get3A_360 = tpu.vector_load %arg6[%get3A_356, %get3A_357, %get3A_358, %get3A_359] {strides = array<i32>} : memref<3x4x4x1024xf32, #tpu.memory_space<vmem>>, vector<1x1x1x16xf32>,
      %get3A_361 = vector.shape_cast %get3A_360 : vector<1x1x1x16xf32> to vector<16xf32>
      %add3A_362 = arith.addf %get3A_361, %get3A_293 : vector<16xf32>
      %swap3A_363 = arith.constant 0 : i32
      %swap3A_364 = arith.constant 3 : i32
      %swap3A_365 = arith.constant 2 : i32
      %swap3A_366 = arith.index_cast %swap3A_363 : i32 to index
      %swap3A_367 = arith.index_cast %swap3A_364 : i32 to index
      %swap3A_368 = arith.index_cast %swap3A_365 : i32 to index
      %swap3A_369 = arith.index_cast %mul3A_287 : i32 to index
      %swap3A_370 = tpu.vector_load %arg7[%swap3A_366, %swap3A_367, %swap3A_368, %swap3A_369] {strides = array<i32>} : memref<3x4x4x1024xf32, #tpu.memory_space<vmem>>, vector<1x1x1x16xf32>,
      %swap3A_371 = vector.shape_cast %swap3A_370 : vector<1x1x1x16xf32> to vector<16xf32>
      %swap3A_372 = vector.shape_cast %add3A_362 : vector<16xf32> to vector<1x1x1x16xf32>
      tpu.vector_store %arg7[%swap3A_366, %swap3A_367, %swap3A_368, %swap3A_369], %swap3A_372 {strides = array<i32>} : memref<3x4x4x1024xf32, #tpu.memory_space<vmem>>, vector<1x1x1x16xf32>,
    }
    %scan3A_202 = arith.constant 64 : i32
    %scan3A_203 = arith.constant 0 : i32
    %scan3A_204 = arith.constant 0 : i32
    %scan3A_205 = arith.constant 64 : i32
    %scan3A_206 = arith.addi %scan3A_204, %scan3A_205 : i32
    %scan3A_207 = arith.constant 1 : i32
    scf.for %scan3A_285 = %scan3A_204 to %scan3A_206 step %scan3A_207  : i32 {
      %mul3A_286 = arith.constant 16 : i32
      %mul3A_287 = arith.muli %scan3A_285, %mul3A_286 : i32
      %get3A = arith.constant 0 : i32
      %get3A_288 = arith.constant 3 : i32
      %get3A_289 = arith.index_cast %get3A : i32 to index
      %get3A_290 = arith.index_cast %get3A_288 : i32 to index
      %get3A_291 = arith.index_cast %mul3A_287 : i32 to index
      %get3A_292 = tpu.vector_load %arg5[%get3A_289, %get3A_290, %get3A_291] {strides = array<i32>} : memref<3x4x1024xf32, #tpu.memory_space<vmem>>, vector<1x1x16xf32>,
      %get3A_293 = vector.shape_cast %get3A_292 : vector<1x1x16xf32> to vector<16xf32>
      %get3A_294 = arith.constant 0 : i32
      %get3A_295 = arith.constant 0 : i32
      %get3A_296 = arith.constant 3 : i32
      %get3A_297 = arith.index_cast %get3A_294 : i32 to index
      %get3A_298 = arith.index_cast %get3A_295 : i32 to index
      %get3A_299 = arith.index_cast %get3A_296 : i32 to index
      %get3A_300 = arith.index_cast %mul3A_287 : i32 to index
      %get3A_301 = tpu.vector_load %arg6[%get3A_297, %get3A_298, %get3A_299, %get3A_300] {strides = array<i32>} : memref<3x4x4x1024xf32, #tpu.memory_space<vmem>>, vector<1x1x1x16xf32>,
      %get3A_302 = vector.shape_cast %get3A_301 : vector<1x1x1x16xf32> to vector<16xf32>
      %add3A_303 = arith.addf %get3A_302, %get3A_293 : vector<16xf32>
      %swap3A = arith.constant 0 : i32
      %swap3A_304 = arith.constant 0 : i32
      %swap3A_305 = arith.constant 3 : i32
      %swap3A_306 = arith.index_cast %swap3A : i32 to index
      %swap3A_307 = arith.index_cast %swap3A_304 : i32 to index
      %swap3A_308 = arith.index_cast %swap3A_305 : i32 to index
      %swap3A_309 = arith.index_cast %mul3A_287 : i32 to index
      %swap3A_310 = tpu.vector_load %arg7[%swap3A_306, %swap3A_307, %swap3A_308, %swap3A_309] {strides = array<i32>} : memref<3x4x4x1024xf32, #tpu.memory_space<vmem>>, vector<1x1x1x16xf32>,
      %swap3A_311 = vector.shape_cast %swap3A_310 : vector<1x1x1x16xf32> to vector<16xf32>
      %swap3A_312 = vector.shape_cast %add3A_303 : vector<16xf32> to vector<1x1x1x16xf32>
      tpu.vector_store %arg7[%swap3A_306, %swap3A_307, %swap3A_308, %swap3A_309], %swap3A_312 {strides = array<i32>} : memref<3x4x4x1024xf32, #tpu.memory_space<vmem>>, vector<1x1x1x16xf32>,
      %get3A_313 = arith.constant 0 : i32
      %get3A_314 = arith.constant 1 : i32
      %get3A_315 = arith.constant 3 : i32
      %get3A_316 = arith.index_cast %get3A_313 : i32 to index
      %get3A_317 = arith.index_cast %get3A_314 : i32 to index
      %get3A_318 = arith.index_cast %get3A_315 : i32 to index
      %get3A_319 = arith.index_cast %mul3A_287 : i32 to index
      %get3A_320 = tpu.vector_load %arg6[%get3A_316, %get3A_317, %get3A_318, %get3A_319] {strides = array<i32>} : memref<3x4x4x1024xf32, #tpu.memory_space<vmem>>, vector<1x1x1x16xf32>,
      %get3A_321 = vector.shape_cast %get3A_320 : vector<1x1x1x16xf32> to vector<16xf32>
      %add3A_322 = arith.addf %get3A_321, %get3A_293 : vector<16xf32>
      %swap3A_323 = arith.constant 0 : i32
      %swap3A_324 = arith.constant 1 : i32
      %swap3A_325 = arith.constant 3 : i32
      %swap3A_326 = arith.index_cast %swap3A_323 : i32 to index
      %swap3A_327 = arith.index_cast %swap3A_324 : i32 to index
      %swap3A_328 = arith.index_cast %swap3A_325 : i32 to index
      %swap3A_329 = arith.index_cast %mul3A_287 : i32 to index
      %swap3A_330 = tpu.vector_load %arg7[%swap3A_326, %swap3A_327, %swap3A_328, %swap3A_329] {strides = array<i32>} : memref<3x4x4x1024xf32, #tpu.memory_space<vmem>>, vector<1x1x1x16xf32>,
      %swap3A_331 = vector.shape_cast %swap3A_330 : vector<1x1x1x16xf32> to vector<16xf32>
      %swap3A_332 = vector.shape_cast %add3A_322 : vector<16xf32> to vector<1x1x1x16xf32>
      tpu.vector_store %arg7[%swap3A_326, %swap3A_327, %swap3A_328, %swap3A_329], %swap3A_332 {strides = array<i32>} : memref<3x4x4x1024xf32, #tpu.memory_space<vmem>>, vector<1x1x1x16xf32>,
      %get3A_333 = arith.constant 0 : i32
      %get3A_334 = arith.constant 2 : i32
      %get3A_335 = arith.constant 3 : i32
      %get3A_336 = arith.index_cast %get3A_333 : i32 to index
      %get3A_337 = arith.index_cast %get3A_334 : i32 to index
      %get3A_338 = arith.index_cast %get3A_335 : i32 to index
      %get3A_339 = arith.index_cast %mul3A_287 : i32 to index
      %get3A_340 = tpu.vector_load %arg6[%get3A_336, %get3A_337, %get3A_338, %get3A_339] {strides = array<i32>} : memref<3x4x4x1024xf32, #tpu.memory_space<vmem>>, vector<1x1x1x16xf32>,
      %get3A_341 = vector.shape_cast %get3A_340 : vector<1x1x1x16xf32> to vector<16xf32>
      %add3A_342 = arith.addf %get3A_341, %get3A_293 : vector<16xf32>
      %swap3A_343 = arith.constant 0 : i32
      %swap3A_344 = arith.constant 2 : i32
      %swap3A_345 = arith.constant 3 : i32
      %swap3A_346 = arith.index_cast %swap3A_343 : i32 to index
      %swap3A_347 = arith.index_cast %swap3A_344 : i32 to index
      %swap3A_348 = arith.index_cast %swap3A_345 : i32 to index
      %swap3A_349 = arith.index_cast %mul3A_287 : i32 to index
      %swap3A_350 = tpu.vector_load %arg7[%swap3A_346, %swap3A_347, %swap3A_348, %swap3A_349] {strides = array<i32>} : memref<3x4x4x1024xf32, #tpu.memory_space<vmem>>, vector<1x1x1x16xf32>,
      %swap3A_351 = vector.shape_cast %swap3A_350 : vector<1x1x1x16xf32> to vector<16xf32>
      %swap3A_352 = vector.shape_cast %add3A_342 : vector<16xf32> to vector<1x1x1x16xf32>
      tpu.vector_store %arg7[%swap3A_346, %swap3A_347, %swap3A_348, %swap3A_349], %swap3A_352 {strides = array<i32>} : memref<3x4x4x1024xf32, #tpu.memory_space<vmem>>, vector<1x1x1x16xf32>,
      %get3A_353 = arith.constant 0 : i32
      %get3A_354 = arith.constant 3 : i32
      %get3A_355 = arith.constant 3 : i32
      %get3A_356 = arith.index_cast %get3A_353 : i32 to index
      %get3A_357 = arith.index_cast %get3A_354 : i32 to index
      %get3A_358 = arith.index_cast %get3A_355 : i32 to index
      %get3A_359 = arith.index_cast %mul3A_287 : i32 to index
      %get3A_360 = tpu.vector_load %arg6[%get3A_356, %get3A_357, %get3A_358, %get3A_359] {strides = array<i32>} : memref<3x4x4x1024xf32, #tpu.memory_space<vmem>>, vector<1x1x1x16xf32>,
      %get3A_361 = vector.shape_cast %get3A_360 : vector<1x1x1x16xf32> to vector<16xf32>
      %add3A_362 = arith.addf %get3A_361, %get3A_293 : vector<16xf32>
      %swap3A_363 = arith.constant 0 : i32
      %swap3A_364 = arith.constant 3 : i32
      %swap3A_365 = arith.constant 3 : i32
      %swap3A_366 = arith.index_cast %swap3A_363 : i32 to index
      %swap3A_367 = arith.index_cast %swap3A_364 : i32 to index
      %swap3A_368 = arith.index_cast %swap3A_365 : i32 to index
      %swap3A_369 = arith.index_cast %mul3A_287 : i32 to index
      %swap3A_370 = tpu.vector_load %arg7[%swap3A_366, %swap3A_367, %swap3A_368, %swap3A_369] {strides = array<i32>} : memref<3x4x4x1024xf32, #tpu.memory_space<vmem>>, vector<1x1x1x16xf32>,
      %swap3A_371 = vector.shape_cast %swap3A_370 : vector<1x1x1x16xf32> to vector<16xf32>
      %swap3A_372 = vector.shape_cast %add3A_362 : vector<16xf32> to vector<1x1x1x16xf32>
      tpu.vector_store %arg7[%swap3A_366, %swap3A_367, %swap3A_368, %swap3A_369], %swap3A_372 {strides = array<i32>} : memref<3x4x4x1024xf32, #tpu.memory_space<vmem>>, vector<1x1x1x16xf32>,
    }
    %scan3A_208 = arith.constant 64 : i32
    %add3A_209 = arith.constant 252 : i32
    %add3A_210 = arith.addi %mul3A_2, %add3A_209 : i32
    %dma_start3A_211 = arith.constant 0 : i32
    %dma_start3A_212 = arith.constant 0 : i32
    %dma_start3A_213 = arith.constant 0 : i32
    %dma_start3A_214 = arith.constant 0 : i32
    %dma_start3A_215 = tpu.memref_slice %arg7[%dma_start3A_211, %dma_start3A_212, %dma_start3A_213, %dma_start3A_214] : memref<3x4x4x1024xf32, #tpu.memory_space<vmem>> -> memref<1x4x4x1024xf32, #tpu.memory_space<vmem>>
    %dma_start3A_216 = tpu.memref_squeeze %dma_start3A_215 : memref<1x4x4x1024xf32, #tpu.memory_space<vmem>> -> memref<4x4x1024xf32, #tpu.memory_space<vmem>>
    %dma_start3A_217 = arith.constant 0 : i32
    %dma_start3A_218 = arith.constant 0 : i32
    %dma_start3A_219 = tpu.memref_slice %arg4[%dma_start3A_217, %add3A_210, %dma_start3A_218] : memref<4x8192x1024xf32, #tpu.memory_space<hbm>> -> memref<4x4x1024xf32, #tpu.memory_space<hbm>>
    %dma_start3A_220 = arith.constant 0 : i32
    %dma_start3A_221 = arith.constant 0 : i32
    %dma_start3A_222 = tpu.memref_slice %arg4[%dma_start3A_220, %add3A_210, %dma_start3A_221] : memref<4x8192x1024xf32, #tpu.memory_space<hbm>> -> memref<4x4x1024xf32, #tpu.memory_space<hbm>>
    %dma_start3A_223 = arith.constant 0 : i32
    %dma_start3A_224 = arith.constant 0 : i32
    %dma_start3A_225 = arith.constant 0 : i32
    %dma_start3A_226 = tpu.memref_slice %arg7[%dma_start3A_211, %dma_start3A_223, %dma_start3A_224, %dma_start3A_225] : memref<3x4x4x1024xf32, #tpu.memory_space<vmem>> -> memref<1x4x4x1024xf32, #tpu.memory_space<vmem>>
    %dma_start3A_227 = tpu.memref_squeeze %dma_start3A_226 : memref<1x4x4x1024xf32, #tpu.memory_space<vmem>> -> memref<4x4x1024xf32, #tpu.memory_space<vmem>>
    tpu.enqueue_dma source(%dma_start3A_227 : memref<4x4x1024xf32, #tpu.memory_space<vmem>>) target(%dma_start3A_222 : memref<4x4x1024xf32, #tpu.memory_space<hbm>>) target_semaphore(%arg11 : memref<!tpu.dma_semaphore, #tpu.memory_space<semaphore_mem>>)
    %add3A_228 = arith.constant 252 : i32
    %add3A_229 = arith.addi %mul3A_2, %add3A_228 : i32
    %dma_wait3A_230 = arith.constant 0 : i32
    %dma_wait3A_231 = arith.constant 0 : i32
    %dma_wait3A_232 = arith.constant 0 : i32
    %dma_wait3A_233 = arith.constant 0 : i32
    %dma_wait3A_234 = tpu.memref_slice %arg7[%dma_wait3A_230, %dma_wait3A_231, %dma_wait3A_232, %dma_wait3A_233] : memref<3x4x4x1024xf32, #tpu.memory_space<vmem>> -> memref<1x4x4x1024xf32, #tpu.memory_space<vmem>>
    %dma_wait3A_235 = tpu.memref_squeeze %dma_wait3A_234 : memref<1x4x4x1024xf32, #tpu.memory_space<vmem>> -> memref<4x4x1024xf32, #tpu.memory_space<vmem>>
    %dma_wait3A_236 = arith.constant 0 : i32
    %dma_wait3A_237 = arith.constant 0 : i32
    %dma_wait3A_238 = tpu.memref_slice %arg4[%dma_wait3A_236, %add3A_229, %dma_wait3A_237] : memref<4x8192x1024xf32, #tpu.memory_space<hbm>> -> memref<4x4x1024xf32, #tpu.memory_space<hbm>>
    %dma_wait3A_239 = arith.constant 0 : i32
    %dma_wait3A_240 = arith.constant 0 : i32
    %dma_wait3A_241 = tpu.memref_slice %arg4[%dma_wait3A_239, %add3A_229, %dma_wait3A_240] : memref<4x8192x1024xf32, #tpu.memory_space<hbm>> -> memref<4x4x1024xf32, #tpu.memory_space<hbm>>
    %dma_wait3A_242 = arith.constant 0 : i32
    %dma_wait3A_243 = arith.constant 0 : i32
    %dma_wait3A_244 = arith.constant 0 : i32
    %dma_wait3A_245 = tpu.memref_slice %arg7[%dma_wait3A_230, %dma_wait3A_242, %dma_wait3A_243, %dma_wait3A_244] : memref<3x4x4x1024xf32, #tpu.memory_space<vmem>> -> memref<1x4x4x1024xf32, #tpu.memory_space<vmem>>
    %dma_wait3A_246 = tpu.memref_squeeze %dma_wait3A_245 : memref<1x4x4x1024xf32, #tpu.memory_space<vmem>> -> memref<4x4x1024xf32, #tpu.memory_space<vmem>>
    tpu.wait_dma2 semaphore(%arg11 : memref<!tpu.dma_semaphore, #tpu.memory_space<semaphore_mem>>) src(%dma_wait3A_246 : memref<4x4x1024xf32, #tpu.memory_space<vmem>>) dst(%dma_wait3A_241 : memref<4x4x1024xf32, #tpu.memory_space<hbm>>)
    %add3A_247 = arith.constant 244 : i32
    %add3A_248 = arith.addi %mul3A_2, %add3A_247 : i32
    %dma_wait3A_249 = arith.constant 1 : i32
    %dma_wait3A_250 = arith.constant 0 : i32
    %dma_wait3A_251 = arith.constant 0 : i32
    %dma_wait3A_252 = arith.constant 0 : i32
    %dma_wait3A_253 = tpu.memref_slice %arg7[%dma_wait3A_249, %dma_wait3A_250, %dma_wait3A_251, %dma_wait3A_252] : memref<3x4x4x1024xf32, #tpu.memory_space<vmem>> -> memref<1x4x4x1024xf32, #tpu.memory_space<vmem>>
    %dma_wait3A_254 = tpu.memref_squeeze %dma_wait3A_253 : memref<1x4x4x1024xf32, #tpu.memory_space<vmem>> -> memref<4x4x1024xf32, #tpu.memory_space<vmem>>
    %dma_wait3A_255 = arith.constant 0 : i32
    %dma_wait3A_256 = arith.constant 0 : i32
    %dma_wait3A_257 = tpu.memref_slice %arg4[%dma_wait3A_255, %add3A_248, %dma_wait3A_256] : memref<4x8192x1024xf32, #tpu.memory_space<hbm>> -> memref<4x4x1024xf32, #tpu.memory_space<hbm>>
    %dma_wait3A_258 = arith.constant 0 : i32
    %dma_wait3A_259 = arith.constant 0 : i32
    %dma_wait3A_260 = tpu.memref_slice %arg4[%dma_wait3A_258, %add3A_248, %dma_wait3A_259] : memref<4x8192x1024xf32, #tpu.memory_space<hbm>> -> memref<4x4x1024xf32, #tpu.memory_space<hbm>>
    %dma_wait3A_261 = arith.constant 0 : i32
    %dma_wait3A_262 = arith.constant 0 : i32
    %dma_wait3A_263 = arith.constant 0 : i32
    %dma_wait3A_264 = tpu.memref_slice %arg7[%dma_wait3A_249, %dma_wait3A_261, %dma_wait3A_262, %dma_wait3A_263] : memref<3x4x4x1024xf32, #tpu.memory_space<vmem>> -> memref<1x4x4x1024xf32, #tpu.memory_space<vmem>>
    %dma_wait3A_265 = tpu.memref_squeeze %dma_wait3A_264 : memref<1x4x4x1024xf32, #tpu.memory_space<vmem>> -> memref<4x4x1024xf32, #tpu.memory_space<vmem>>
    tpu.wait_dma2 semaphore(%arg12 : memref<!tpu.dma_semaphore, #tpu.memory_space<semaphore_mem>>) src(%dma_wait3A_265 : memref<4x4x1024xf32, #tpu.memory_space<vmem>>) dst(%dma_wait3A_260 : memref<4x4x1024xf32, #tpu.memory_space<hbm>>)
    %add3A_266 = arith.constant 248 : i32
    %add3A_267 = arith.addi %mul3A_2, %add3A_266 : i32
    %dma_wait3A_268 = arith.constant 2 : i32
    %dma_wait3A_269 = arith.constant 0 : i32
    %dma_wait3A_270 = arith.constant 0 : i32
    %dma_wait3A_271 = arith.constant 0 : i32
    %dma_wait3A_272 = tpu.memref_slice %arg7[%dma_wait3A_268, %dma_wait3A_269, %dma_wait3A_270, %dma_wait3A_271] : memref<3x4x4x1024xf32, #tpu.memory_space<vmem>> -> memref<1x4x4x1024xf32, #tpu.memory_space<vmem>>
    %dma_wait3A_273 = tpu.memref_squeeze %dma_wait3A_272 : memref<1x4x4x1024xf32, #tpu.memory_space<vmem>> -> memref<4x4x1024xf32, #tpu.memory_space<vmem>>
    %dma_wait3A_274 = arith.constant 0 : i32
    %dma_wait3A_275 = arith.constant 0 : i32
    %dma_wait3A_276 = tpu.memref_slice %arg4[%dma_wait3A_274, %add3A_267, %dma_wait3A_275] : memref<4x8192x1024xf32, #tpu.memory_space<hbm>> -> memref<4x4x1024xf32, #tpu.memory_space<hbm>>
    %dma_wait3A_277 = arith.constant 0 : i32
    %dma_wait3A_278 = arith.constant 0 : i32
    %dma_wait3A_279 = tpu.memref_slice %arg4[%dma_wait3A_277, %add3A_267, %dma_wait3A_278] : memref<4x8192x1024xf32, #tpu.memory_space<hbm>> -> memref<4x4x1024xf32, #tpu.memory_space<hbm>>
    %dma_wait3A_280 = arith.constant 0 : i32
    %dma_wait3A_281 = arith.constant 0 : i32
    %dma_wait3A_282 = arith.constant 0 : i32
    %dma_wait3A_283 = tpu.memref_slice %arg7[%dma_wait3A_268, %dma_wait3A_280, %dma_wait3A_281, %dma_wait3A_282] : memref<3x4x4x1024xf32, #tpu.memory_space<vmem>> -> memref<1x4x4x1024xf32, #tpu.memory_space<vmem>>
    %dma_wait3A_284 = tpu.memref_squeeze %dma_wait3A_283 : memref<1x4x4x1024xf32, #tpu.memory_space<vmem>> -> memref<4x4x1024xf32, #tpu.memory_space<vmem>>
    tpu.wait_dma2 semaphore(%arg13 : memref<!tpu.dma_semaphore, #tpu.memory_space<semaphore_mem>>) src(%dma_wait3A_284 : memref<4x4x1024xf32, #tpu.memory_space<vmem>>) dst(%dma_wait3A_279 : memref<4x4x1024xf32, #tpu.memory_space<hbm>>)
    return
  }
}

</mosaic_0001>

<sc_bundles>
// kernel: kernel.3.cloned.1.call-start
scs
__scs_entry_jumppad:
0x0: {  	(pc) =	sbr.rel $0x88, $3  }
0x1: {  	(tag) =	ssettag $0x0;
	lr =	simm.s32 $0x1  }
0x2: {  	[smem:$0x3F9F] =	sst lr;
	_ =	strace $0xD0000000  }
0x3: {  	_ = 	snop  }
0x4: {  	_ = 	snop  }
0x5: {  	_ = 	snop  }
0x6: {  	_ = 	snop  }
0x7: {  	_ = 	snop  }
__scs_overlays_trampoline_lowered:
0x8: {  	[smem:$0x3FAE] =	sst s0  }
0x9: {  	[smem:$0x3FAF] =	sst s1  }
0xa: {  	[smem:$0x3FB0] =	sst s2  }
0xb: {  	[smem:$0x3FB1] =	sst s3  }
0xc: {  	[smem:$0x3FB2] =	sst s4  }
0xd: {  	[smem:$0x3FB3] =	sst s5  }
0xe: {  	[smem:$0x3FB4] =	sst s6  }
0xf: {  	[smem:$0x3FB5] =	sst s7  }
0x10: {  	[smem:$0x3FB6] =	sst s8  }
0x11: {  	[smem:$0x3FB7] =	sst s9;
	s0 =	simm.s32 @!p0 $0x0  }
0x12: {  	s1 =	sld [smem:$0x3F9D];
	s0 =	simm.s32 @p0 $0x1  }
0x13: {  	[smem:$0x3FB8] =	sst s0;
	s0 =	simm.s32 @!p1 $0x0  }
0x14: {  	s2 =	sld [smem:$0x3F9C];
	s0 =	simm.s32 @p1 $0x1  }
0x15: {  	[smem:$0x3FB9] =	sst s0;
	s0 =	simm.s32 @!p2 $0x0  }
0x16: {  	s3 =	sld [smem:$0x3FDB];
	s0 =	simm.s32 @p2 $0x1  }
0x17: {  	s4 =	simm.s32 $0x1BF5;
	[smem:$0x3FBB] =	sst s0  }
0x18: {  	s0 =	sld [smem:$0x3F9E];
	_ =	swait.ge [sflag:s4], $0x0  }
0x19: {  	s7 =	sld [smem:$0x3F9F]  }
0x1a: {  	s8 =	sadd.s32 $0xFFFFE003, lr  }
0x1b: {  	s9 =	sadd.s32 $0xFFFFFEF7, lr;
	s5 =	simm.s32 $0xFFFFFFFF;
	p2 =	slt.u32 s8, $0xFFFFF086  }
0x1c: {  	p1 =	slt.u32 s9, $0xF7A;
	s5 =	simm.s32 @!p2 $0x0  }
0x1d: {  	s5 =	simm.s32 @p1 $0x1;
	p0 =	seq.s32 s7, s2  }
0x1e: {  	s7 =	smul.u32 @!p0 $0xF7A, s2;
	p2 =	seq.s32 @!p0 s5, $0x0  }
0x1f: {  	s9 =	smul.u32 $0xF7A, s1;
	s8 =	simm.s32 @!p0 $0x1BF5;
	p2 =	por !p2, p0  }
0x20: {  	[sflag:s8] =	ssyncset.s32 @!p0 $0xFFFFF086;
	s6 =	sadd.s32 @!p0 s3, s7;
	s7 =	simm.s32 @!p0 $0x108  }
0x21: {  	s3 =	sadd.s32 s3, s9;
	s6 =	sadd.s32 @!p0 $0x88, s6;
	s7 =	simm.s32 @p2 $0x1082  }
0x22: {  	[simem:s7], [sflag:s8] =	dma.local @!p0 [hbm:s6], $0xF7A  }
0x23: {  	s9 =	sor.u32 $0xD0000000, s2;
	s6 =	simm.s32 $0x108;
	_ =	swait.ge @!p0 [sflag:s8], $0x0  }
0x24: {  	s3 =	sadd.s32 $0x88, s3;
	s6 =	simm.s32 @!p1 $0x1082;
	[sflag:s4] =	ssyncset.s32 $0xFFFFF086  }
0x25: {  	[simem:s6], [sflag:s4] =	dma.local [hbm:s3], $0xF7A  }
0x26: {  	[smem:$0x3F9F] =	sst s1;
	(tag) =	ssettag s2;
	_ =	strace s9  }
0x27: {  	s1 =	sld [smem:$0x3FAF]  }
0x28: {  	s2 =	sld [smem:$0x3FB0]  }
0x29: {  	s4 =	sld [smem:$0x3FB2]  }
0x2a: {  	p0 =	seq.s32 s5, $0x0;
	s5 =	sld [smem:$0x3FB3]  }
0x2b: {  	s6 =	sld [smem:$0x3FB4]  }
0x2c: {  	s7 =	sld [smem:$0x3FB5]  }
0x2d: {  	s3 =	simm.s32 $0x108;
	s8 =	sld [smem:$0x3FB6]  }
0x2e: {  	s3 =	simm.s32 @!p0 $0x1082;
	s9 =	sld [smem:$0x3FB7]  }
0x2f: {  	lr =	sadd.s32 s0, s3;
	s0 =	sld [smem:$0x3FAE]  }
0x30: {  	s3 =	sld [smem:$0x3FB1]  }
0x31: {  	[smem:$0x3FBA] =	sst s10  }
0x32: {  	s10 =	sld [smem:$0x3FB8];
	_ =	sdelay $0x3  }
0x33: {  	p0 =	seq.s32 s10, $0x1;
	s10 =	sld [smem:$0x3FBA];
	_ =	sdelay $0x3  }
0x34: {  	[smem:$0x3FBA] =	sst s10  }
0x35: {  	s10 =	sld [smem:$0x3FB9];
	_ =	sdelay $0x3  }
0x36: {  	p1 =	seq.s32 s10, $0x1;
	s10 =	sld [smem:$0x3FBA];
	_ =	sdelay $0x3  }
0x37: {  	[smem:$0x3FBA] =	sst s10  }
0x38: {  	s10 =	sld [smem:$0x3FBB]  }
0x39: {  	_ = 	snop;
	(pc) =	sbr.ind lr, $3  }
0x3a: {  	_ = 	snop  }
0x3b: {  	_ = 	snop  }
0x3c: {  	p2 =	seq.s32 s10, $0x1;
	s10 =	sld [smem:$0x3FBA]  }
0x3d: {  	_ =	shalt  }
0x3e: {  	_ =	shalt  }
0x3f: {  	_ =	shalt  }
0x40: {  	_ =	shalt  }
0x41: {  	_ =	shalt  }
0x42: {  	_ =	shalt  }
0x43: {  	_ =	shalt  }
0x44: {  	_ =	shalt  }
0x45: {  	_ =	shalt  }
0x46: {  	_ =	shalt  }
0x47: {  	_ =	shalt  }
0x48: {  	_ =	shalt  }
0x49: {  	_ =	shalt  }
0x4a: {  	_ =	shalt  }
0x4b: {  	_ =	shalt  }
0x4c: {  	_ =	shalt  }
0x4d: {  	_ =	shalt  }
0x4e: {  	_ =	shalt  }
0x4f: {  	_ =	shalt  }
0x50: {  	_ =	shalt  }
0x51: {  	_ =	shalt  }
0x52: {  	_ =	shalt  }
0x53: {  	_ =	shalt  }
0x54: {  	_ =	shalt  }
0x55: {  	_ =	shalt  }
0x56: {  	_ =	shalt  }
0x57: {  	_ =	shalt  }
0x58: {  	_ =	shalt  }
0x59: {  	_ =	shalt  }
0x5a: {  	_ =	shalt  }
0x5b: {  	_ =	shalt  }
0x5c: {  	_ =	shalt  }
0x5d: {  	_ =	shalt  }
0x5e: {  	_ =	shalt  }
0x5f: {  	_ =	shalt  }
0x60: {  	_ =	shalt  }
0x61: {  	_ =	shalt  }
0x62: {  	_ =	shalt  }
0x63: {  	_ =	shalt  }
0x64: {  	_ =	shalt  }
0x65: {  	_ =	shalt  }
0x66: {  	_ =	shalt  }
0x67: {  	_ =	shalt  }
0x68: {  	_ =	shalt  }
0x69: {  	_ =	shalt  }
0x6a: {  	_ =	shalt  }
0x6b: {  	_ =	shalt  }
0x6c: {  	_ =	shalt  }
0x6d: {  	_ =	shalt  }
0x6e: {  	_ =	shalt  }
0x6f: {  	_ =	shalt  }
0x70: {  	_ =	shalt  }
0x71: {  	_ =	shalt  }
0x72: {  	_ =	shalt  }
0x73: {  	_ =	shalt  }
0x74: {  	_ =	shalt  }
0x75: {  	_ =	shalt  }
0x76: {  	_ =	shalt  }
0x77: {  	_ =	shalt  }
0x78: {  	_ =	shalt  }
0x79: {  	_ =	shalt  }
0x7a: {  	_ =	shalt  }
0x7b: {  	_ =	shalt  }
0x7c: {  	_ =	shalt  }
0x7d: {  	_ =	shalt  }
0x7e: {  	_ =	shalt  }
0x7f: {  	_ =	shalt  }
0x80: {  	_ =	shalt  }
0x81: {  	_ =	shalt  }
0x82: {  	_ =	shalt  }
0x83: {  	_ =	shalt  }
0x84: {  	_ =	shalt  }
0x85: {  	_ =	shalt  }
0x86: {  	_ =	shalt  }
0x87: {  	_ =	shalt  }
.Lfunc_end0:
.L_simem_size_0:
called_computation_lowered:
.L_overlay_start_0:
0x88: {  	s2 =	sld [smem:$0x3FD9]  }
0x89: {  	s3 =	sld [smem:$0x3FFE];
	_ =	sdelay $0x1  }
0x8a: {  	s1 =	srdreg.scid  }
0x8b: {  	s0 =	sand.u32 $0x1, s1  }
0x8c: {  	s18 =	sshll.u32 s0, $0xA;
	s2 =	sadd.s32 s3, s2  }
0x8d: {  	s2 =	sadd.s32 s2, s18  }
0x8e: {  	[smem:$0x3FC6] =	sst s2  }
0x8f: {  	_ = 	snop  }
0x90: {  	s2 =	sld [smem:$0x3FC9]  }
0x91: {  	s19 =	sld [smem:$0x3FC8]  }
0x92: {  	s4 =	sld [smem:$0x3FD0];
	(tm) =	ssettm $0x1  }
0x93: {  	s5 =	sld [smem:$0x3FFB];
	_ =	sdelay $0x3  }
0x94: {  	_ =	strace s5  }
0x95: {  	s5 =	sld [smem:$0x3FFC];
	_ =	sdelay $0x3  }
0x96: {  	_ =	strace s5  }
0x97: {  	s5 =	sld [smem:$0x3FFD];
	_ =	sdelay $0x3  }
0x98: {  	_ =	strace s5  }
0x99: {  	_ =	strace $0x8FFFFFFF  }
0x9a: {  	s20 =	sld [smem:$0x3FDB];
	_ =	sdelay $0x1  }
0x9b: {  	s6 =	simm.s32 $_scs_section_size  }
0x9c: {  	s7 =	simm.s32 $_size__tile_overlayer_lowered;
	s8 =	simm.s32 $_tile_overlayer_lowered  }
0x9d: {  	s23 =	simm.s32 $0x1BFF;
	s22 =	sshll.u32 s8, $0x1;
	s5 =	sadd.s32 s6, s20  }
0x9e: {  	s9 =	simm.s32 $0x0;
	s21 =	sshll.u32 s7, $0x1;
	s7 =	sadd.s32 s22, s5  }
0x9f: {  	[timem:s9], [sflag:s23] =	dma.local [hbm:s7], s21  }
0xa0: {  	_ =	swait.ge [sflag:s23], s21  }
0xa1: {  	s6 =	ssub.s32 $0x0, s21;
	[sflag:s23] =	ssyncset.done $0x0  }
0xa2: {  	[sflag:s23] =	ssyncadd.s32 s6;
	_ =	sdelay $0x1  }
0xa3: {  	s24 =	simm.s32 $0x1B8B  }
0xa4: {  	_ =	swait.ge [sflag:s24], $0x1  }
0xa5: {  	[sflag:s24] =	ssyncset.done $0x0  }
0xa6: {  	s25 =	simm.s32 $0x1B8E;
	[sflag:s24] =	ssyncadd.s32 $0xFFFFFFFF  }
0xa7: {  	s26 =	simm.s32 $execute0_lowered;
	[smem:$0x3FD2] =	sst s25  }
0xa8: {  	s6 =	sshll.u32 s26, $0x1;
	_ =	strace $0x80000046;
	[dreg:$0x1] =	wrdreg $0xFFFFFFFF  }
0xa9: {  	s28 =	simm.s32 $_size_execute0_lowered;
	s5 =	sadd.s32 s5, s6;
	[dreg:$0x0] =	wrdreg $0x0  }
0xaa: {  	s6 =	sshll.u32 s28, $0x1;
	[dreg:$0x2] =	wrdreg s5  }
0xab: {  	[dreg:$0x3] =	wrdreg s6  }
0xac: {  	[dreg:$0x4] =	wrdreg $0xC0  }
0xad: {  	_ =	task [dreg:s9], $0x5FFFF  }
0xae: {  	[dreg:$0x1] =	wrdreg $0xFFFFFFFF  }
0xaf: {  	[dreg:$0x0] =	wrdreg $0x60  }
0xb0: {  	[dreg:$0x2] =	wrdreg s2  }
0xb1: {  	[dreg:$0x3] =	wrdreg s19  }
0xb2: {  	[dreg:$0x4] =	wrdreg s4  }
0xb3: {  	[dreg:$0x5] =	wrdreg $0x9  }
0xb4: {  	_ =	task.clear_ibuf [dreg:s9], $0x6FFFF;
	_ =	strace $0x90000046  }
0xb5: {  	s29 =	simm.s32 $0x9;
	_ =	strace $0x80000048  }
0xb6: {  	_ =	swait.ge [sflag:s29], $0x1  }
0xb7: {  	[sflag:s29] =	ssyncadd.s32 $0xFFFFFFFF  }
0xb8: {  	_ =	strace $0x90000048  }
0xb9: {  	_ =	sfence  }
0xba: {  	s30 =	sld [smem:$0x0];
	_ =	sdelay $0x2  }
0xbb: {  	s31 =	sshll.u32 s1, $0xD;
	s1 =	sshrl.u32 s1, $0x2  }
0xbc: {  	s3 =	sand.u32 $0x4000, s31;
	s1 =	sadd.s32 s1, s30  }
0xbd: {  	s0 =	sor.u32 s3, s0;
	s1 =	sshll.u32 s1, $0x11  }
0xbe: {  	s0 =	sor.u32 s1, s0  }
0xbf: {  	s0 =	sadd.s32 $0x8F2B, s0  }
0xc0: {  	[sflag:s0] =	ssyncadd.remote.s32 $0x1  }
0xc1: {  	_ =	sfence.sel $0xFFFF  }
0xc2: {  	[dreg:$0x0] =	wrdreg $0xFFFFFFFF;
	(pc) =	sbr.abs _section_cstart, $3  }
0xc3: {  	[dreg:$0x1] =	wrdreg $0xFFFFFFFF  }
0xc4: {  	_ =	task.clear_ibuf [dreg:s9], $0x2FFFF;
	_ =	strace $0x9FFFFFFF  }
0xc5: {  	(tm) =	ssettm $0x7FFFFFFF  }
tec
execute0_lowered:
.L_overlay_start_1:
0x0: {  	(tag) =	ssettag $0x1  }
0x1: {  	s0 =	srdreg.scid  }
0x2: {  	s1 =	rddreg [dreg:$0x0];
	s2 =	stileid.u32;
	s0 =	sand.u32 $0x1, s0  }
0x3: {  	s6 =	simm.s32 $0x0;
	s2 =	sshll.u32 s2, $0x9;
	s5 =	sshll.u32 s0, $0x8  }
0x4: {  	[smem:$0x7FF] =	sst s6;
	s0 =	ssub.s32 $0x2, s0;
	s6 =	sor.u32 s5, s2  }
0x5: {  	s3 =	rddreg [dreg:$0x1];
	s13 =	sshrl.u32 s0, $0x1;
	s5 =	sshll.u32 s6, $0x7  }
0x6: {  	s4 =	rddreg [dreg:$0x2];
	s0 =	ssub.s32 s0, s13;
	s14 =	sadd.s32 s3, s5  }
0x7: {  	_ =	strace $0x80000047;
	s0 =	smax.u32 s0, $0x1;
	[dreg:$0x4] =	wrdreg s14  }
0x8: {  	s15 =	sor.u32 $0x40, s5;
	s8 =	sadd.s32 s1, s5;
	[dreg:$0xd] =	wrdreg s0  }
0x9: {  	s16 =	sor.u32 $0x400, s5;
	s7 =	sadd.s32 s3, s15;
	[dreg:$0x5] =	wrdreg s8  }
0xa: {  	s18 =	sor.u32 $0x7C40, s5;
	s17 =	sadd.s32 s3, s16;
	[dreg:$0x6] =	wrdreg s7  }
0xb: {  	s5 =	sadd.s32 s3, s18;
	[dreg:$0x8] =	wrdreg s17  }
0xc: {  	s19 =	sadd.s32 s1, s18;
	[dreg:$0xa] =	wrdreg s5  }
0xd: {  	s2 =	sadd.s32 s4, s18;
	[dreg:$0xb] =	wrdreg s19  }
0xe: {  	s29 =	simm.s32 $0x200;
	s20 =	sadd.s32 $0x100000, s8;
	[dreg:$0xc] =	wrdreg s2  }
0xf: {  	s30 =	simm.s32 $0x400;
	s21 =	sadd.s32 $0x200000, s8;
	[dreg:$0xe] =	wrdreg s20  }
0x10: {  	s11 =	simm.s32 $0x1;
	s22 =	sadd.s32 $0x300000, s8;
	[dreg:$0xf] =	wrdreg s21  }
0x11: {  	s10 =	simm.s32 $0x1A000;
	s9 =	sadd.s32 s1, s15;
	[dreg:$0x10] =	wrdreg s22  }
0x12: {  	s13 =	sor.u32 $0x10, s6;
	s23 =	sadd.s32 $0x100000, s9;
	[dreg:$0x7] =	wrdreg s9  }
0x13: {  	s14 =	sor.u32 $0x8, s6;
	s24 =	sadd.s32 $0x200000, s9;
	[dreg:$0x11] =	wrdreg s23  }
0x14: {  	s15 =	simm.s32 $0x10000;
	s25 =	sadd.s32 $0x300000, s9;
	[dreg:$0x12] =	wrdreg s24  }
0x15: {  	s18 =	simm.s32 $0x11000;
	s7 =	sadd.s32 s1, s16;
	[dreg:$0x13] =	wrdreg s25  }
0x16: {  	s5 =	simm.s32 $0xF000;
	s26 =	sadd.s32 $0x100000, s7;
	[dreg:$0x9] =	wrdreg s7  }
0x17: {  	s19 =	simm.s32 $0x12000;
	s28 =	sadd.s32 $0x200000, s7;
	[dreg:$0x14] =	wrdreg s26  }
0x18: {  	s20 =	simm.s32 $0x2;
	s31 =	sadd.s32 $0x300000, s7;
	[dreg:$0x15] =	wrdreg s28  }
0x19: {  	s25 =	simm.s32 $0x3;
	s7 =	simm.s32 $0x0;
	[dreg:$0x16] =	wrdreg s31  }
.LBB2_1:
0x1a: {  	[dreg:$0x17] =	wrdreg s7  }
0x1b: {  	s0 =	simm.s32 $0x0;
	s2 =	rddreg [dreg:$0x4]  }
0x1c: {  	[tilespmem:s0], [sflag:$0x1] =	stream.strided.gather [hbm4b:s2+s29], $0x1000, s30, s29, $0x38;
	[tilespmem:$0x1B000] =	vst v63  }
0x1d: {  	s7 =	simm.s32 $0x3000;
	s2 =	rddreg [dreg:$0x5]  }
0x1e: {  	[tilespmem:s7], [sflag:$0x1] =	stream.strided.gather [hbm4b:s2+s29], $0x1000, s30, s29, $0x38;
	[tilespmem:$0x1B000] =	vst v63  }
0x1f: {  	s8 =	rddreg [dreg:$0xe];
	s9 =	simm.s32 $0x4000  }
0x20: {  	[tilespmem:s9], [sflag:$0x1] =	stream.strided.gather [hbm4b:s8+s29], $0x1000, s30, s29, $0x38;
	[tilespmem:$0x1B000] =	vst v63  }
0x21: {  	s12 =	rddreg [dreg:$0xf];
	s16 =	simm.s32 $0x5000  }
0x22: {  	[tilespmem:s16], [sflag:$0x1] =	stream.strided.gather [hbm4b:s12+s29], $0x1000, s30, s29, $0x38;
	[tilespmem:$0x1B000] =	vst v63  }
0x23: {  	s17 =	rddreg [dreg:$0x10];
	s21 =	simm.s32 $0x6000  }
0x24: {  	[tilespmem:s21], [sflag:$0x1] =	stream.strided.gather [hbm4b:s17+s29], $0x1000, s30, s29, $0x38;
	[tilespmem:$0x1B000] =	vst v63  }
0x25: {  	s22 =	rddreg [dreg:$0x6];
	s23 =	simm.s32 $0x1000  }
0x26: {  	[tilespmem:s23], [sflag:$0x2] =	stream.strided.gather [hbm4b:s22+s29], $0x1000, s30, s29, $0x38;
	[tilespmem:$0x1B000] =	vst v63  }
0x27: {  	s24 =	rddreg [dreg:$0x7];
	s26 =	simm.s32 $0x7000  }
0x28: {  	[tilespmem:s26], [sflag:$0x2] =	stream.strided.gather [hbm4b:s24+s29], $0x1000, s30, s29, $0x38;
	[tilespmem:$0x1B000] =	vst v63  }
0x29: {  	s28 =	rddreg [dreg:$0x11];
	s31 =	simm.s32 $0x8000  }
0x2a: {  	[tilespmem:s31], [sflag:$0x2] =	stream.strided.gather [hbm4b:s28+s29], $0x1000, s30, s29, $0x38;
	[tilespmem:$0x1B000] =	vst v63  }
0x2b: {  	s2 =	rddreg [dreg:$0x12];
	s7 =	simm.s32 $0x9000  }
0x2c: {  	[tilespmem:s7], [sflag:$0x2] =	stream.strided.gather [hbm4b:s2+s29], $0x1000, s30, s29, $0x38;
	[tilespmem:$0x1B000] =	vst v63  }
0x2d: {  	s8 =	rddreg [dreg:$0x13];
	s9 =	simm.s32 $0xA000  }
0x2e: {  	[tilespmem:s9], [sflag:$0x2] =	stream.strided.gather [hbm4b:s8+s29], $0x1000, s30, s29, $0x38;
	[tilespmem:$0x1B000] =	vst v63  }
0x2f: {  	s12 =	rddreg [dreg:$0x8];
	s16 =	simm.s32 $0x2000  }
0x30: {  	[tilespmem:s16], [sflag:$0x3] =	stream.strided.gather [hbm4b:s12+s29], $0x1000, s30, s29, $0x38;
	[tilespmem:$0x1B000] =	vst v63  }
0x31: {  	s17 =	rddreg [dreg:$0x9];
	s21 =	simm.s32 $0xB000  }
0x32: {  	[tilespmem:s21], [sflag:$0x3] =	stream.strided.gather [hbm4b:s17+s29], $0x1000, s30, s29, $0x38;
	[tilespmem:$0x1B000] =	vst v63  }
0x33: {  	s22 =	rddreg [dreg:$0x14];
	s23 =	simm.s32 $0xC000  }
0x34: {  	[tilespmem:s23], [sflag:$0x3] =	stream.strided.gather [hbm4b:s22+s29], $0x1000, s30, s29, $0x38;
	[tilespmem:$0x1B000] =	vst v63  }
0x35: {  	s24 =	rddreg [dreg:$0x15];
	s26 =	simm.s32 $0xD000  }
0x36: {  	[tilespmem:s26], [sflag:$0x3] =	stream.strided.gather [hbm4b:s24+s29], $0x1000, s30, s29, $0x38;
	[tilespmem:$0x1B000] =	vst v63  }
0x37: {  	s28 =	rddreg [dreg:$0x16];
	s31 =	simm.s32 $0xE000;
	s16 =	simm.s32 $0x0  }
0x38: {  	[tilespmem:s31], [sflag:$0x3] =	stream.strided.gather [hbm4b:s28+s29], $0x1000, s30, s29, $0x38;
	[tilespmem:$0x1B000] =	vst v63  }
.LBB2_2:
0x39: {  	_ =	swait.ge [sflag:s11], $0x1000  }
0x3a: {  	[sflag:s11] =	ssyncset.done $0x0  }
0x3b: {  	[sflag:s11] =	ssyncadd.s32 $0xFFFFF000  }
0x3c: {  	_ =	swait.ge [sflag:s11], $0x4000  }
0x3d: {  	p0 =	seq.s32 s16, $0x0;
	[sflag:s11] =	ssyncset.done $0x0  }
0x3e: {  	s0 =	simm.s32 @!p0 $0x4;
	[sflag:s11] =	ssyncadd.s32 $0xFFFFC000  }
0x3f: {  	s2 =	simm.s32 $0x0;
	_ =	swait.ge @!p0 [sflag:s0], $0x4000  }
0x40: {  	s7 =	sand.u32 $0x70, s2;
	s2 =	sand.u32 $0xE00, s2;
	[sflag:s0] =	ssyncset.done @!p0 $0x0  }
0x41: {  	s12 =	sor.u32 s7, s2;
	[sflag:s0] =	ssyncadd.s32 @!p0 $0xFFFFC000  }
0x42: {  	v5 =	vld [tilespmem:s12+$0x0]  }
0x43: {  	v1 =	vld [tilespmem:s12+$0x6000]  }
0x44: {  	v3 =	vld [tilespmem:s12+$0x3000]  }
0x45: {  	s24 =	simm.s32 $0x10;
	s26 =	simm.s32 $0x40;
	v4 =	vld [tilespmem:s12+$0x4000]  }
0x46: {  	s2 =	sand.u32 $0xE00, s26;
	s0 =	sand.u32 $0x70, s24;
	v6 =	vld [tilespmem:s12+$0x5000]  }
0x47: {  	s17 =	smul.u32 $0xC, s16;
	s0 =	sor.u32 s0, s2  }
0x48: {  	v0 =	vld [tilespmem:s0+$0x0];
	v7 =	vadd.f32 v1, v5  }
0x49: {  	s31 =	sshll.u32 s16, $0x6;
	s21 =	simm.s32 $0x20;
	s28 =	sadd.s32 s6, s17;
	v2 =	vld [tilespmem:s0+$0x6000];
	v8 =	vadd.f32 v3, v5  }
0x4a: {  	s22 =	simm.s32 $0x80;
	s7 =	sand.u32 $0x40, s31;
	s2 =	sshll.u32 s28, $0x7;
	v1 =	vld [tilespmem:s0+$0x3000];
	v4 =	vadd.f32 v4, v5;
	[tilespmem:s12+$0x12000] =	vst v7  }
0x4b: {  	s23 =	smov.u32 s12;
	s9 =	sand.u32 $0x1FFC00, s2;
	s2 =	smov.u32 s0;
	v5 =	vadd.f32 v6, v5;
	v3 =	vld [tilespmem:s0+$0x4000];
	[tilespmem:s12+$0xF000] =	vst v8  }
.LBB2_3:
0x4c: {  	s24 =	sand.u32 $0x70, s21;
	s26 =	sand.u32 $0xE00, s22;
	v6 =	vld [tilespmem:s2+$0x5000];
	[tilespmem:s23+$0x10000] =	vst v4;
	p1 =	sne.s32 s21, $0x3F0  }
.Ltmp0:
0x4d: {  	s21 =	sadd.s32 $0x10, s21;
	s24 =	sor.u32 s24, s26;
	[tilespmem:s23+$0x11000] =	vst v5;
	(pc) =	sbr.rel @p1 .LBB2_3-.Ltmp0, $4  }
0x4e: {  	v7 =	vmov v0;
	s23 =	smov.u32 s2;
	v5 =	vadd.f32 v2, v0;
	v0 =	vld [tilespmem:s24+$0x0];
	s2 =	smov.u32 s24  }
0x4f: {  	v2 =	vld [tilespmem:s2+$0x6000];
	v8 =	vadd.f32 v1, v7  }
0x50: {  	v1 =	vld [tilespmem:s2+$0x3000];
	v4 =	vadd.f32 v3, v7;
	[tilespmem:s23+$0x12000] =	vst v5  }
0x51: {  	s22 =	sadd.s32 $0x40, s22;
	v3 =	vld [tilespmem:s2+$0x4000];
	[tilespmem:s23+$0xF000] =	vst v8;
	v5 =	vadd.f32 v6, v7  }
0x52: {  	v6 =	vld [tilespmem:s2+$0x5000];
	_ =	sdelay $0x1  }
0x53: {  	[tilespmem:s23+$0x10000] =	vst v4;
	v2 =	vadd.f32 v2, v0  }
0x54: {  	[tilespmem:s23+$0x11000] =	vst v5;
	v1 =	vadd.f32 v1, v0  }
0x55: {  	v3 =	vadd.f32 v3, v0;
	[tilespmem:s2+$0x12000] =	vst v2  }
0x56: {  	[tilespmem:s2+$0xF000] =	vst v1;
	v0 =	vadd.f32 v6, v0  }
0x57: {  	[tilespmem:s2+$0x10000] =	vst v3  }
0x58: {  	[tilespmem:s2+$0x11000] =	vst v0  }
0x59: {  	v5 =	vld [tilespmem:s12+$0x80]  }
0x5a: {  	v1 =	vld [tilespmem:s12+$0x6080]  }
0x5b: {  	v2 =	vld [tilespmem:s12+$0x3080]  }
0x5c: {  	v4 =	vld [tilespmem:s12+$0x4080]  }
0x5d: {  	v6 =	vld [tilespmem:s12+$0x5080];
	_ =	sdelay $0x1  }
0x5e: {  	v0 =	vld [tilespmem:s0+$0x80];
	v7 =	vadd.f32 v1, v5  }
0x5f: {  	v3 =	vld [tilespmem:s0+$0x6080];
	v8 =	vadd.f32 v2, v5  }
0x60: {  	v1 =	vld [tilespmem:s0+$0x3080];
	v4 =	vadd.f32 v4, v5;
	[tilespmem:s12+$0x12080] =	vst v7  }
0x61: {  	s21 =	simm.s32 $0x80;
	s2 =	simm.s32 $0x20;
	v5 =	vadd.f32 v6, v5;
	v2 =	vld [tilespmem:s0+$0x4080];
	[tilespmem:s12+$0xF080] =	vst v8  }
.LBB2_5:
0x62: {  	s22 =	sand.u32 $0x70, s2;
	s23 =	sand.u32 $0xE00, s21;
	v6 =	vld [tilespmem:s0+$0x5080];
	[tilespmem:s12+$0x10080] =	vst v4;
	p1 =	sne.s32 s2, $0x3F0  }
.Ltmp1:
0x63: {  	s2 =	sadd.s32 $0x10, s2;
	s22 =	sor.u32 s22, s23;
	[tilespmem:s12+$0x11080] =	vst v5;
	(pc) =	sbr.rel @p1 .LBB2_5-.Ltmp1, $4  }
0x64: {  	v7 =	vmov v0;
	s12 =	smov.u32 s0;
	v5 =	vadd.f32 v3, v0;
	v0 =	vld [tilespmem:s22+$0x80];
	s0 =	smov.u32 s22  }
0x65: {  	v3 =	vld [tilespmem:s0+$0x6080];
	v8 =	vadd.f32 v1, v7  }
0x66: {  	v1 =	vld [tilespmem:s0+$0x3080];
	v4 =	vadd.f32 v2, v7;
	[tilespmem:s12+$0x12080] =	vst v5  }
0x67: {  	s21 =	sadd.s32 $0x40, s21;
	v2 =	vld [tilespmem:s0+$0x4080];
	[tilespmem:s12+$0xF080] =	vst v8;
	v5 =	vadd.f32 v6, v7  }
0x68: {  	v6 =	vld [tilespmem:s0+$0x5080];
	_ =	sdelay $0x1  }
0x69: {  	[tilespmem:s12+$0x10080] =	vst v4;
	v3 =	vadd.f32 v3, v0  }
0x6a: {  	[tilespmem:s12+$0x11080] =	vst v5;
	v1 =	vadd.f32 v1, v0  }
0x6b: {  	v2 =	vadd.f32 v2, v0;
	[tilespmem:s0+$0x12080] =	vst v3  }
0x6c: {  	s2 =	simm.s32 $0x0;
	[tilespmem:s0+$0xF080] =	vst v1;
	v0 =	vadd.f32 v6, v0  }
0x6d: {  	p2 =	por $0x1, $0x1;
	s31 =	sand.u32 $0x70, s2;
	s2 =	sand.u32 $0xE00, s2;
	[tilespmem:s0+$0x10080] =	vst v2  }
.Ltmp2:
0x6e: {  	s12 =	sor.u32 s31, s2;
	[tilespmem:s0+$0x11080] =	vst v0;
	(pc) =	sbr.rel @!p2 .LBB2_7-.Ltmp2, $4  }
0x6f: {  	v4 =	vld [tilespmem:s12+$0x100]  }
0x70: {  	v1 =	vld [tilespmem:s12+$0x6100]  }
0x71: {  	v0 =	vld [tilespmem:s12+$0x3100]  }
0x72: {  	p1 =	por $0x0, $0x0;
	s2 =	simm.s32 $0x40;
	s0 =	simm.s32 $0x10;
	v2 =	vld [tilespmem:s12+$0x4100]  }
0x73: {  	s21 =	sand.u32 $0x70, s0;
	s22 =	sand.u32 $0xE00, s2;
	v6 =	vld [tilespmem:s12+$0x5100];
	p4 =	por $0x1, $0x1  }
.Ltmp3:
0x74: {  	s21 =	sor.u32 s21, s22;
	(pc) =	sbr.rel @!p4 .LBB2_9-.Ltmp3, $4  }
0x75: {  	v3 =	vld [tilespmem:s21+$0x100];
	v7 =	vadd.f32 v1, v4  }
0x76: {  	v1 =	vld [tilespmem:s21+$0x6100];
	v8 =	vadd.f32 v0, v4  }
0x77: {  	s23 =	simm.s32 $0x20;
	v0 =	vld [tilespmem:s21+$0x3100];
	v5 =	vadd.f32 v2, v4;
	[tilespmem:s12+$0x12100] =	vst v7  }
0x78: {  	s24 =	simm.s32 $0x80;
	p3 =	por $0x1, $0x1;
	s22 =	smov.u32 s12;
	v2 =	vld [tilespmem:s21+$0x4100];
	[tilespmem:s12+$0xF100] =	vst v8;
	v6 =	vadd.f32 v6, v4  }
.LBB2_10:
0x79: {  	s26 =	sand.u32 $0x70, s23;
	s31 =	sand.u32 $0xE00, s24;
	v4 =	vld [tilespmem:s21+$0x5100];
	[tilespmem:s22+$0x10100] =	vst v5;
	p4 =	sne.s32 s23, $0x3F0  }
.Ltmp4:
0x7a: {  	s23 =	sadd.s32 $0x10, s23;
	s26 =	sor.u32 s26, s31;
	[tilespmem:s22+$0x11100] =	vst v6;
	(pc) =	sbr.rel @p4 .LBB2_10-.Ltmp4, $4  }
0x7b: {  	v7 =	vmov v3;
	s22 =	smov.u32 s21;
	v6 =	vadd.f32 v1, v3;
	v3 =	vld [tilespmem:s26+$0x100];
	s21 =	smov.u32 s26  }
0x7c: {  	v1 =	vld [tilespmem:s21+$0x6100];
	v8 =	vadd.f32 v0, v7  }
0x7d: {  	v0 =	vld [tilespmem:s21+$0x3100];
	v5 =	vadd.f32 v2, v7;
	[tilespmem:s22+$0x12100] =	vst v6  }
0x7e: {  	s24 =	sadd.s32 $0x40, s24;
	v2 =	vld [tilespmem:s21+$0x4100];
	[tilespmem:s22+$0xF100] =	vst v8;
	v6 =	vadd.f32 v4, v7  }
0x7f: {  	_ = 	snop  }
0x80: {  	v4 =	vmov v3  }
.LBB2_12:
0x81: {  	v3 =	vld [tilespmem:s21+$0x5100];
	_ =	sdelay $0x1  }
0x82: {  	[tilespmem:s22+$0x10100] =	vst @p3 v5;
	v1 =	vadd.f32 v1, v4  }
0x83: {  	[tilespmem:s22+$0x11100] =	vst @p3 v6;
	v0 =	vadd.f32 v0, v4  }
0x84: {  	v2 =	vadd.f32 v2, v4;
	[tilespmem:s21+$0x12100] =	vst v1  }
0x85: {  	[tilespmem:s21+$0xF100] =	vst v0;
	v0 =	vadd.f32 v3, v4  }
0x86: {  	[tilespmem:s21+$0x10100] =	vst v2  }
.Ltmp5:
0x87: {  	[tilespmem:s21+$0x11100] =	vst v0;
	(pc) =	sbr.rel @!p2 .LBB2_13-.Ltmp5, $4  }
0x88: {  	v4 =	vld [tilespmem:s12+$0x180]  }
0x89: {  	v2 =	vld [tilespmem:s12+$0x6180]  }
0x8a: {  	v0 =	vld [tilespmem:s12+$0x3180]  }
0x8b: {  	v1 =	vld [tilespmem:s12+$0x4180]  }
0x8c: {  	s0 =	sand.u32 $0x70, s0;
	s2 =	sand.u32 $0xE00, s2;
	v6 =	vld [tilespmem:s12+$0x5180];
	p2 =	por $0x1, $0x1  }
.Ltmp6:
0x8d: {  	s0 =	sor.u32 s0, s2;
	(pc) =	sbr.rel @!p2 .LBB2_15-.Ltmp6, $4  }
0x8e: {  	v3 =	vld [tilespmem:s0+$0x180];
	v7 =	vadd.f32 v2, v4  }
0x8f: {  	v2 =	vld [tilespmem:s0+$0x6180];
	v8 =	vadd.f32 v0, v4  }
0x90: {  	v0 =	vld [tilespmem:s0+$0x3180];
	v5 =	vadd.f32 v1, v4;
	[tilespmem:s12+$0x12180] =	vst v7  }
0x91: {  	s21 =	simm.s32 $0x80;
	p1 =	por $0x1, $0x1;
	s2 =	simm.s32 $0x20;
	v1 =	vld [tilespmem:s0+$0x4180];
	[tilespmem:s12+$0xF180] =	vst v8;
	v6 =	vadd.f32 v6, v4  }
.LBB2_16:
0x92: {  	s22 =	sand.u32 $0x70, s2;
	s23 =	sand.u32 $0xE00, s21;
	v4 =	vld [tilespmem:s0+$0x5180];
	[tilespmem:s12+$0x10180] =	vst v5;
	p2 =	sne.s32 s2, $0x3F0  }
.Ltmp7:
0x93: {  	s2 =	sadd.s32 $0x10, s2;
	s22 =	sor.u32 s22, s23;
	[tilespmem:s12+$0x11180] =	vst v6;
	(pc) =	sbr.rel @p2 .LBB2_16-.Ltmp7, $4  }
0x94: {  	v7 =	vmov v3;
	s12 =	smov.u32 s0;
	v6 =	vadd.f32 v2, v3;
	v3 =	vld [tilespmem:s22+$0x180];
	s0 =	smov.u32 s22  }
0x95: {  	v2 =	vld [tilespmem:s0+$0x6180];
	v8 =	vadd.f32 v0, v7  }
0x96: {  	v0 =	vld [tilespmem:s0+$0x3180];
	v5 =	vadd.f32 v1, v7;
	[tilespmem:s12+$0x12180] =	vst v6  }
0x97: {  	s21 =	sadd.s32 $0x40, s21;
	v1 =	vld [tilespmem:s0+$0x4180];
	[tilespmem:s12+$0xF180] =	vst v8;
	v6 =	vadd.f32 v4, v7  }
0x98: {  	_ = 	snop  }
0x99: {  	v4 =	vmov v3  }
.LBB2_18:
0x9a: {  	v3 =	vld [tilespmem:s0+$0x5180];
	_ =	sdelay $0x1  }
0x9b: {  	[tilespmem:s12+$0x10180] =	vst @p1 v5;
	v2 =	vadd.f32 v2, v4  }
0x9c: {  	[tilespmem:s12+$0x11180] =	vst @p1 v6;
	v0 =	vadd.f32 v0, v4  }
0x9d: {  	v1 =	vadd.f32 v1, v4;
	[tilespmem:s0+$0x12180] =	vst v2  }
0x9e: {  	[tilespmem:s0+$0xF180] =	vst v0;
	v0 =	vadd.f32 v3, v4  }
0x9f: {  	s12 =	sadd.s32 s4, s7;
	[tilespmem:s0+$0x10180] =	vst v1  }
0xa0: {  	s8 =	sadd.s32 s9, s12;
	[tilespmem:s0+$0x11180] =	vst v0  }
0xa1: {  	[hbm4b:s8+s29] =	stream.strided.scatter [tilespmem:s5], [sflag:$0x4], $0x1000, s30, s29, $0x38;
	[tilespmem:$0x1B000] =	vst v63  }
0xa2: {  	s2 =	sadd.s32 $0x100000, s8  }
0xa3: {  	[hbm4b:s2+s29] =	stream.strided.scatter [tilespmem:s15], [sflag:$0x4], $0x1000, s30, s29, $0x38;
	[tilespmem:$0x1B000] =	vst v63  }
0xa4: {  	s9 =	sadd.s32 $0x200000, s8  }
0xa5: {  	[hbm4b:s9+s29] =	stream.strided.scatter [tilespmem:s18], [sflag:$0x4], $0x1000, s30, s29, $0x38;
	[tilespmem:$0x1B000] =	vst v63  }
0xa6: {  	p1 =	seq.s32 s16, $0x14;
	s0 =	sadd.s32 $0x300000, s8  }
0xa7: {  	[hbm4b:s0+s29] =	stream.strided.scatter [tilespmem:s19], [sflag:$0x4], $0x1000, s30, s29, $0x38;
	[tilespmem:$0x1B000] =	vst v63  }
0xa8: {  	s0 =	sadd.s32 @!p1 $0xC, s17  }
0xa9: {  	s2 =	sadd.s32 @!p1 s6, s0  }
0xaa: {  	s0 =	sshll.u32 @!p1 s0, $0x4;
	s2 =	sshll.u32 @!p1 s2, $0x7  }
0xab: {  	s0 =	sand.u32 @!p1 $0x40, s0;
	s2 =	sand.u32 @!p1 $0x1FFC00, s2  }
0xac: {  	s21 =	simm.s32 @!p1 $0x400;
	s0 =	sor.u32 @!p1 s0, s2  }
0xad: {  	s22 =	simm.s32 @!p1 $0x0;
	s9 =	simm.s32 @!p1 $0x200;
	s2 =	sadd.s32 @!p1 s3, s0  }
0xae: {  	[tilespmem:s22], [sflag:$0x1] =	stream.strided.gather @!p1 [hbm4b:s2+s9], $0x1000, s21, s9, $0x38;
	[tilespmem:$0x1B000] =	vst v63  }
0xaf: {  	s0 =	sadd.s32 @!p1 s1, s0;
	s2 =	simm.s32 @!p1 $0x3000  }
0xb0: {  	[tilespmem:s2], [sflag:$0x1] =	stream.strided.gather @!p1 [hbm4b:s0+s9], $0x1000, s21, s9, $0x38;
	[tilespmem:$0x1B000] =	vst v63  }
0xb1: {  	s22 =	simm.s32 @!p1 $0x4000;
	s2 =	sadd.s32 @!p1 $0x100000, s0  }
0xb2: {  	[tilespmem:s22], [sflag:$0x1] =	stream.strided.gather @!p1 [hbm4b:s2+s9], $0x1000, s21, s9, $0x38;
	[tilespmem:$0x1B000] =	vst v63  }
0xb3: {  	s2 =	sadd.s32 @!p1 $0x200000, s0;
	s22 =	simm.s32 @!p1 $0x5000  }
0xb4: {  	[tilespmem:s22], [sflag:$0x1] =	stream.strided.gather @!p1 [hbm4b:s2+s9], $0x1000, s21, s9, $0x38;
	[tilespmem:$0x1B000] =	vst v63  }
0xb5: {  	s0 =	sadd.s32 @!p1 $0x300000, s0;
	s2 =	simm.s32 @!p1 $0x6000  }
0xb6: {  	[tilespmem:s2], [sflag:$0x1] =	stream.strided.gather @!p1 [hbm4b:s0+s9], $0x1000, s21, s9, $0x38;
	[tilespmem:$0x1B000] =	vst v63  }
0xb7: {  	_ =	swait.ge [sflag:s20], $0x1000  }
0xb8: {  	[sflag:s20] =	ssyncset.done $0x0  }
0xb9: {  	[sflag:s20] =	ssyncadd.s32 $0xFFFFF000  }
0xba: {  	_ =	swait.ge [sflag:s20], $0x4000  }
0xbb: {  	[sflag:s20] =	ssyncset.done $0x0  }
0xbc: {  	s0 =	simm.s32 @!p0 $0x5;
	[sflag:s20] =	ssyncadd.s32 $0xFFFFC000  }
0xbd: {  	s21 =	simm.s32 $0x0;
	_ =	swait.ge @!p0 [sflag:s0], $0x4000  }
0xbe: {  	s22 =	sand.u32 $0x70, s21;
	s2 =	sand.u32 $0xE00, s21;
	[sflag:s0] =	ssyncset.done @!p0 $0x0  }
0xbf: {  	s2 =	sor.u32 s22, s2;
	[sflag:s0] =	ssyncadd.s32 @!p0 $0xFFFFC000  }
0xc0: {  	v5 =	vld [tilespmem:s2+$0x1000]  }
0xc1: {  	v1 =	vld [tilespmem:s2+$0xA000]  }
0xc2: {  	v3 =	vld [tilespmem:s2+$0x7000]  }
0xc3: {  	s23 =	simm.s32 $0x10;
	s24 =	simm.s32 $0x40;
	v4 =	vld [tilespmem:s2+$0x8000]  }
0xc4: {  	s9 =	sand.u32 $0xE00, s24;
	s0 =	sand.u32 $0x70, s23;
	v6 =	vld [tilespmem:s2+$0x9000]  }
0xc5: {  	s26 =	sadd.s32 $0x4, s17;
	s0 =	sor.u32 s0, s9  }
0xc6: {  	s21 =	sshll.u32 s26, $0x4;
	v0 =	vld [tilespmem:s0+$0x1000];
	v7 =	vadd.f32 v1, v5  }
0xc7: {  	s28 =	sadd.s32 s6, s26;
	s31 =	sand.u32 $0x40, s21;
	v2 =	vld [tilespmem:s0+$0xA000];
	v8 =	vadd.f32 v3, v5  }
0xc8: {  	s22 =	simm.s32 $0x20;
	s24 =	smov.u32 s2;
	s9 =	sshll.u32 s28, $0x7;
	v1 =	vld [tilespmem:s0+$0x7000];
	v4 =	vadd.f32 v4, v5;
	[tilespmem:s2+$0x16000] =	vst v7  }
0xc9: {  	s23 =	simm.s32 $0x80;
	s9 =	sand.u32 $0x1FFC00, s9;
	s21 =	smov.u32 s0;
	v5 =	vadd.f32 v6, v5;
	v3 =	vld [tilespmem:s0+$0x8000];
	[tilespmem:s2+$0x13000] =	vst v8  }
.LBB2_19:
0xca: {  	s26 =	sand.u32 $0x70, s22;
	s28 =	sand.u32 $0xE00, s23;
	v6 =	vld [tilespmem:s21+$0x9000];
	[tilespmem:s24+$0x14000] =	vst v4;
	p2 =	sne.s32 s22, $0x3F0  }
.Ltmp8:
0xcb: {  	s22 =	sadd.s32 $0x10, s22;
	s26 =	sor.u32 s26, s28;
	[tilespmem:s24+$0x15000] =	vst v5;
	(pc) =	sbr.rel @p2 .LBB2_19-.Ltmp8, $4  }
0xcc: {  	v7 =	vmov v0;
	s24 =	smov.u32 s21;
	v5 =	vadd.f32 v2, v0;
	v0 =	vld [tilespmem:s26+$0x1000];
	s21 =	smov.u32 s26  }
0xcd: {  	v2 =	vld [tilespmem:s21+$0xA000];
	v8 =	vadd.f32 v1, v7  }
0xce: {  	v1 =	vld [tilespmem:s21+$0x7000];
	v4 =	vadd.f32 v3, v7;
	[tilespmem:s24+$0x16000] =	vst v5  }
0xcf: {  	s23 =	sadd.s32 $0x40, s23;
	v3 =	vld [tilespmem:s21+$0x8000];
	[tilespmem:s24+$0x13000] =	vst v8;
	v5 =	vadd.f32 v6, v7  }
0xd0: {  	v6 =	vld [tilespmem:s21+$0x9000];
	_ =	sdelay $0x1  }
0xd1: {  	[tilespmem:s24+$0x14000] =	vst v4;
	v2 =	vadd.f32 v2, v0  }
0xd2: {  	[tilespmem:s24+$0x15000] =	vst v5;
	v1 =	vadd.f32 v1, v0  }
0xd3: {  	v3 =	vadd.f32 v3, v0;
	[tilespmem:s21+$0x16000] =	vst v2  }
0xd4: {  	[tilespmem:s21+$0x13000] =	vst v1;
	v0 =	vadd.f32 v6, v0  }
0xd5: {  	[tilespmem:s21+$0x14000] =	vst v3  }
0xd6: {  	[tilespmem:s21+$0x15000] =	vst v0  }
0xd7: {  	v5 =	vld [tilespmem:s2+$0x1080]  }
0xd8: {  	v1 =	vld [tilespmem:s2+$0xA080]  }
0xd9: {  	v2 =	vld [tilespmem:s2+$0x7080]  }
0xda: {  	v4 =	vld [tilespmem:s2+$0x8080]  }
0xdb: {  	v6 =	vld [tilespmem:s2+$0x9080];
	_ =	sdelay $0x1  }
0xdc: {  	v0 =	vld [tilespmem:s0+$0x1080];
	v7 =	vadd.f32 v1, v5  }
0xdd: {  	v3 =	vld [tilespmem:s0+$0xA080];
	v8 =	vadd.f32 v2, v5  }
0xde: {  	v1 =	vld [tilespmem:s0+$0x7080];
	v4 =	vadd.f32 v4, v5;
	[tilespmem:s2+$0x16080] =	vst v7  }
0xdf: {  	s22 =	simm.s32 $0x80;
	s21 =	simm.s32 $0x20;
	v5 =	vadd.f32 v6, v5;
	v2 =	vld [tilespmem:s0+$0x8080];
	[tilespmem:s2+$0x13080] =	vst v8  }
.LBB2_21:
0xe0: {  	s23 =	sand.u32 $0x70, s21;
	s24 =	sand.u32 $0xE00, s22;
	v6 =	vld [tilespmem:s0+$0x9080];
	[tilespmem:s2+$0x14080] =	vst v4;
	p2 =	sne.s32 s21, $0x3F0  }
.Ltmp9:
0xe1: {  	s21 =	sadd.s32 $0x10, s21;
	s23 =	sor.u32 s23, s24;
	[tilespmem:s2+$0x15080] =	vst v5;
	(pc) =	sbr.rel @p2 .LBB2_21-.Ltmp9, $4  }
0xe2: {  	v7 =	vmov v0;
	s2 =	smov.u32 s0;
	v5 =	vadd.f32 v3, v0;
	v0 =	vld [tilespmem:s23+$0x1080];
	s0 =	smov.u32 s23  }
0xe3: {  	v3 =	vld [tilespmem:s0+$0xA080];
	v8 =	vadd.f32 v1, v7  }
0xe4: {  	v1 =	vld [tilespmem:s0+$0x7080];
	v4 =	vadd.f32 v2, v7;
	[tilespmem:s2+$0x16080] =	vst v5  }
0xe5: {  	s22 =	sadd.s32 $0x40, s22;
	v2 =	vld [tilespmem:s0+$0x8080];
	[tilespmem:s2+$0x13080] =	vst v8;
	v5 =	vadd.f32 v6, v7  }
0xe6: {  	v6 =	vld [tilespmem:s0+$0x9080];
	_ =	sdelay $0x1  }
0xe7: {  	[tilespmem:s2+$0x14080] =	vst v4;
	v3 =	vadd.f32 v3, v0  }
0xe8: {  	[tilespmem:s2+$0x15080] =	vst v5;
	v1 =	vadd.f32 v1, v0  }
0xe9: {  	v2 =	vadd.f32 v2, v0;
	[tilespmem:s0+$0x16080] =	vst v3  }
0xea: {  	s28 =	simm.s32 $0x0;
	[tilespmem:s0+$0x13080] =	vst v1;
	v0 =	vadd.f32 v6, v0  }
0xeb: {  	p3 =	por $0x1, $0x1;
	s21 =	sand.u32 $0x70, s28;
	s2 =	sand.u32 $0xE00, s28;
	[tilespmem:s0+$0x14080] =	vst v2  }
.Ltmp10:
0xec: {  	s23 =	sor.u32 s21, s2;
	[tilespmem:s0+$0x15080] =	vst v0;
	(pc) =	sbr.rel @!p3 .LBB2_23-.Ltmp10, $4  }
0xed: {  	v4 =	vld [tilespmem:s23+$0x1100]  }
0xee: {  	v1 =	vld [tilespmem:s23+$0xA100]  }
0xef: {  	v0 =	vld [tilespmem:s23+$0x7100]  }
0xf0: {  	p2 =	por $0x0, $0x0;
	s2 =	simm.s32 $0x10;
	s21 =	simm.s32 $0x40;
	v2 =	vld [tilespmem:s23+$0x8100]  }
0xf1: {  	s0 =	sand.u32 $0x70, s2;
	s22 =	sand.u32 $0xE00, s21;
	v6 =	vld [tilespmem:s23+$0x9100];
	p5 =	por $0x1, $0x1  }
.Ltmp11:
0xf2: {  	s0 =	sor.u32 s0, s22;
	(pc) =	sbr.rel @!p5 .LBB2_25-.Ltmp11, $4  }
0xf3: {  	v3 =	vld [tilespmem:s0+$0x1100];
	v7 =	vadd.f32 v1, v4  }
0xf4: {  	v1 =	vld [tilespmem:s0+$0xA100];
	v8 =	vadd.f32 v0, v4  }
0xf5: {  	s24 =	simm.s32 $0x20;
	v0 =	vld [tilespmem:s0+$0x7100];
	v5 =	vadd.f32 v2, v4;
	[tilespmem:s23+$0x16100] =	vst v7  }
0xf6: {  	s26 =	simm.s32 $0x80;
	p4 =	por $0x1, $0x1;
	s22 =	smov.u32 s23;
	v2 =	vld [tilespmem:s0+$0x8100];
	[tilespmem:s23+$0x13100] =	vst v8;
	v6 =	vadd.f32 v6, v4  }
.LBB2_26:
0xf7: {  	s28 =	sand.u32 $0x70, s24;
	s8 =	sand.u32 $0xE00, s26;
	v4 =	vld [tilespmem:s0+$0x9100];
	[tilespmem:s22+$0x14100] =	vst v5;
	p5 =	sne.s32 s24, $0x3F0  }
.Ltmp12:
0xf8: {  	s24 =	sadd.s32 $0x10, s24;
	s8 =	sor.u32 s28, s8;
	[tilespmem:s22+$0x15100] =	vst v6;
	(pc) =	sbr.rel @p5 .LBB2_26-.Ltmp12, $4  }
0xf9: {  	v7 =	vmov v3;
	s22 =	smov.u32 s0;
	v6 =	vadd.f32 v1, v3;
	v3 =	vld [tilespmem:s8+$0x1100];
	s0 =	smov.u32 s8  }
0xfa: {  	v1 =	vld [tilespmem:s0+$0xA100];
	v8 =	vadd.f32 v0, v7  }
0xfb: {  	v0 =	vld [tilespmem:s0+$0x7100];
	v5 =	vadd.f32 v2, v7;
	[tilespmem:s22+$0x16100] =	vst v6  }
0xfc: {  	s26 =	sadd.s32 $0x40, s26;
	v2 =	vld [tilespmem:s0+$0x8100];
	[tilespmem:s22+$0x13100] =	vst v8;
	v6 =	vadd.f32 v4, v7  }
0xfd: {  	_ = 	snop  }
0xfe: {  	v4 =	vmov v3  }
.LBB2_28:
0xff: {  	v3 =	vld [tilespmem:s0+$0x9100];
	_ =	sdelay $0x1  }
0x100: {  	[tilespmem:s22+$0x14100] =	vst @p4 v5;
	v1 =	vadd.f32 v1, v4  }
0x101: {  	[tilespmem:s22+$0x15100] =	vst @p4 v6;
	v0 =	vadd.f32 v0, v4  }
0x102: {  	v2 =	vadd.f32 v2, v4;
	[tilespmem:s0+$0x16100] =	vst v1  }
0x103: {  	[tilespmem:s0+$0x13100] =	vst v0;
	v0 =	vadd.f32 v3, v4  }
0x104: {  	[tilespmem:s0+$0x14100] =	vst v2  }
.Ltmp13:
0x105: {  	[tilespmem:s0+$0x15100] =	vst v0;
	(pc) =	sbr.rel @!p3 .LBB2_29-.Ltmp13, $4  }
0x106: {  	v4 =	vld [tilespmem:s23+$0x1180]  }
0x107: {  	v2 =	vld [tilespmem:s23+$0xA180]  }
0x108: {  	v0 =	vld [tilespmem:s23+$0x7180]  }
0x109: {  	v1 =	vld [tilespmem:s23+$0x8180]  }
0x10a: {  	s0 =	sand.u32 $0x70, s2;
	s28 =	sand.u32 $0xE00, s21;
	v6 =	vld [tilespmem:s23+$0x9180];
	p3 =	por $0x1, $0x1  }
.Ltmp14:
0x10b: {  	s0 =	sor.u32 s0, s28;
	(pc) =	sbr.rel @!p3 .LBB2_31-.Ltmp14, $4  }
0x10c: {  	v3 =	vld [tilespmem:s0+$0x1180];
	v7 =	vadd.f32 v2, v4  }
0x10d: {  	v2 =	vld [tilespmem:s0+$0xA180];
	v8 =	vadd.f32 v0, v4  }
0x10e: {  	v0 =	vld [tilespmem:s0+$0x7180];
	v5 =	vadd.f32 v1, v4;
	[tilespmem:s23+$0x16180] =	vst v7  }
0x10f: {  	s2 =	simm.s32 $0x20;
	s21 =	simm.s32 $0x80;
	p2 =	por $0x1, $0x1;
	v1 =	vld [tilespmem:s0+$0x8180];
	[tilespmem:s23+$0x13180] =	vst v8;
	v6 =	vadd.f32 v6, v4  }
.LBB2_32:
0x110: {  	s8 =	sand.u32 $0x70, s2;
	s22 =	sand.u32 $0xE00, s21;
	v4 =	vld [tilespmem:s0+$0x9180];
	[tilespmem:s23+$0x14180] =	vst v5;
	p3 =	sne.s32 s2, $0x3F0  }
.Ltmp15:
0x111: {  	s2 =	sadd.s32 $0x10, s2;
	s8 =	sor.u32 s8, s22;
	[tilespmem:s23+$0x15180] =	vst v6;
	(pc) =	sbr.rel @p3 .LBB2_32-.Ltmp15, $4  }
0x112: {  	v7 =	vmov v3;
	s23 =	smov.u32 s0;
	v6 =	vadd.f32 v2, v3;
	v3 =	vld [tilespmem:s8+$0x1180];
	s0 =	smov.u32 s8  }
0x113: {  	v2 =	vld [tilespmem:s0+$0xA180];
	v8 =	vadd.f32 v0, v7  }
0x114: {  	v0 =	vld [tilespmem:s0+$0x7180];
	v5 =	vadd.f32 v1, v7;
	[tilespmem:s23+$0x16180] =	vst v6  }
0x115: {  	s21 =	sadd.s32 $0x40, s21;
	v1 =	vld [tilespmem:s0+$0x8180];
	[tilespmem:s23+$0x13180] =	vst v8;
	v6 =	vadd.f32 v4, v7  }
0x116: {  	_ = 	snop  }
0x117: {  	v4 =	vmov v3  }
.LBB2_34:
0x118: {  	v3 =	vld [tilespmem:s0+$0x9180];
	_ =	sdelay $0x1  }
0x119: {  	[tilespmem:s23+$0x14180] =	vst @p2 v5;
	v2 =	vadd.f32 v2, v4  }
0x11a: {  	[tilespmem:s23+$0x15180] =	vst @p2 v6;
	v0 =	vadd.f32 v0, v4  }
0x11b: {  	v1 =	vadd.f32 v1, v4;
	[tilespmem:s0+$0x16180] =	vst v2  }
0x11c: {  	[tilespmem:s0+$0x13180] =	vst v0;
	v0 =	vadd.f32 v3, v4  }
0x11d: {  	s2 =	sadd.s32 s4, s31;
	[tilespmem:s0+$0x14180] =	vst v1  }
0x11e: {  	s28 =	simm.s32 $0x13000;
	s26 =	sadd.s32 s9, s2;
	[tilespmem:s0+$0x15180] =	vst v0  }
0x11f: {  	[hbm4b:s26+s29] =	stream.strided.scatter [tilespmem:s28], [sflag:$0x5], $0x1000, s30, s29, $0x38;
	[tilespmem:$0x1B000] =	vst v63  }
0x120: {  	s8 =	simm.s32 $0x14000;
	s31 =	sadd.s32 $0x100000, s26  }
0x121: {  	[hbm4b:s31+s29] =	stream.strided.scatter [tilespmem:s8], [sflag:$0x5], $0x1000, s30, s29, $0x38;
	[tilespmem:$0x1B000] =	vst v63  }
0x122: {  	s21 =	simm.s32 $0x15000;
	s9 =	sadd.s32 $0x200000, s26  }
0x123: {  	[hbm4b:s9+s29] =	stream.strided.scatter [tilespmem:s21], [sflag:$0x5], $0x1000, s30, s29, $0x38;
	[tilespmem:$0x1B000] =	vst v63  }
0x124: {  	s22 =	simm.s32 $0x16000;
	s0 =	sadd.s32 $0x300000, s26  }
0x125: {  	[hbm4b:s0+s29] =	stream.strided.scatter [tilespmem:s22], [sflag:$0x5], $0x1000, s30, s29, $0x38;
	[tilespmem:$0x1B000] =	vst v63  }
0x126: {  	s0 =	sadd.s32 @!p1 s17, s13  }
0x127: {  	s0 =	sshll.u32 @!p1 s0, $0x7  }
0x128: {  	s0 =	sand.u32 @!p1 $0x1FFC00, s0  }
0x129: {  	s8 =	simm.s32 @!p1 $0x400;
	s0 =	sor.u32 @!p1 s7, s0  }
0x12a: {  	s9 =	simm.s32 @!p1 $0x1000;
	s7 =	simm.s32 @!p1 $0x200;
	s2 =	sadd.s32 @!p1 s3, s0  }
0x12b: {  	[tilespmem:s9], [sflag:$0x2] =	stream.strided.gather @!p1 [hbm4b:s2+s7], $0x1000, s8, s7, $0x38;
	[tilespmem:$0x1B000] =	vst v63  }
0x12c: {  	s0 =	sadd.s32 @!p1 s1, s0;
	s2 =	simm.s32 @!p1 $0x7000  }
0x12d: {  	[tilespmem:s2], [sflag:$0x2] =	stream.strided.gather @!p1 [hbm4b:s0+s7], $0x1000, s8, s7, $0x38;
	[tilespmem:$0x1B000] =	vst v63  }
0x12e: {  	s9 =	simm.s32 @!p1 $0x8000;
	s2 =	sadd.s32 @!p1 $0x100000, s0  }
0x12f: {  	[tilespmem:s9], [sflag:$0x2] =	stream.strided.gather @!p1 [hbm4b:s2+s7], $0x1000, s8, s7, $0x38;
	[tilespmem:$0x1B000] =	vst v63  }
0x130: {  	s2 =	sadd.s32 @!p1 $0x200000, s0;
	s9 =	simm.s32 @!p1 $0x9000  }
0x131: {  	[tilespmem:s9], [sflag:$0x2] =	stream.strided.gather @!p1 [hbm4b:s2+s7], $0x1000, s8, s7, $0x38;
	[tilespmem:$0x1B000] =	vst v63  }
0x132: {  	s0 =	sadd.s32 @!p1 $0x300000, s0;
	s2 =	simm.s32 @!p1 $0xA000  }
0x133: {  	[tilespmem:s2], [sflag:$0x2] =	stream.strided.gather @!p1 [hbm4b:s0+s7], $0x1000, s8, s7, $0x38;
	[tilespmem:$0x1B000] =	vst v63  }
0x134: {  	_ =	swait.ge [sflag:s25], $0x1000  }
0x135: {  	[sflag:s25] =	ssyncset.done $0x0  }
0x136: {  	[sflag:s25] =	ssyncadd.s32 $0xFFFFF000  }
0x137: {  	_ =	swait.ge [sflag:s25], $0x4000  }
0x138: {  	[sflag:s25] =	ssyncset.done $0x0  }
0x139: {  	s0 =	simm.s32 @!p0 $0x6;
	[sflag:s25] =	ssyncadd.s32 $0xFFFFC000  }
0x13a: {  	s23 =	simm.s32 $0x0;
	_ =	swait.ge @!p0 [sflag:s0], $0x4000  }
0x13b: {  	s24 =	sand.u32 $0x70, s23;
	s2 =	sand.u32 $0xE00, s23;
	[sflag:s0] =	ssyncset.done @!p0 $0x0  }
0x13c: {  	s2 =	sor.u32 s24, s2;
	[sflag:s0] =	ssyncadd.s32 @!p0 $0xFFFFC000  }
0x13d: {  	v5 =	vld [tilespmem:s2+$0x2000]  }
0x13e: {  	v1 =	vld [tilespmem:s2+$0xE000]  }
0x13f: {  	v3 =	vld [tilespmem:s2+$0xB000]  }
0x140: {  	s26 =	simm.s32 $0x10;
	s28 =	simm.s32 $0x40;
	v4 =	vld [tilespmem:s2+$0xC000]  }
0x141: {  	s7 =	sand.u32 $0xE00, s28;
	s0 =	sand.u32 $0x70, s26;
	v6 =	vld [tilespmem:s2+$0xD000]  }
0x142: {  	s0 =	sor.u32 s0, s7  }
0x143: {  	v0 =	vld [tilespmem:s0+$0x2000];
	v7 =	vadd.f32 v1, v5  }
0x144: {  	s31 =	sadd.s32 s17, s14;
	v2 =	vld [tilespmem:s0+$0xE000];
	v8 =	vadd.f32 v3, v5  }
0x145: {  	s21 =	simm.s32 $0x20;
	s22 =	simm.s32 $0x80;
	s7 =	sshll.u32 s31, $0x7;
	v1 =	vld [tilespmem:s0+$0xB000];
	v4 =	vadd.f32 v4, v5;
	[tilespmem:s2+$0x1A000] =	vst v7  }
0x146: {  	s23 =	smov.u32 s2;
	s7 =	sand.u32 $0x1FFC00, s7;
	s9 =	smov.u32 s0;
	v5 =	vadd.f32 v6, v5;
	v3 =	vld [tilespmem:s0+$0xC000];
	[tilespmem:s2+$0x17000] =	vst v8  }
.LBB2_35:
0x147: {  	s8 =	sand.u32 $0x70, s21;
	s24 =	sand.u32 $0xE00, s22;
	v6 =	vld [tilespmem:s9+$0xD000];
	[tilespmem:s23+$0x18000] =	vst v4;
	p0 =	sne.s32 s21, $0x3F0  }
.Ltmp16:
0x148: {  	s21 =	sadd.s32 $0x10, s21;
	s8 =	sor.u32 s8, s24;
	[tilespmem:s23+$0x19000] =	vst v5;
	(pc) =	sbr.rel @p0 .LBB2_35-.Ltmp16, $4  }
0x149: {  	v7 =	vmov v0;
	s23 =	smov.u32 s9;
	v5 =	vadd.f32 v2, v0;
	v0 =	vld [tilespmem:s8+$0x2000];
	s9 =	smov.u32 s8  }
0x14a: {  	v2 =	vld [tilespmem:s9+$0xE000];
	v8 =	vadd.f32 v1, v7  }
0x14b: {  	v1 =	vld [tilespmem:s9+$0xB000];
	v4 =	vadd.f32 v3, v7;
	[tilespmem:s23+$0x1A000] =	vst v5  }
0x14c: {  	s22 =	sadd.s32 $0x40, s22;
	v3 =	vld [tilespmem:s9+$0xC000];
	[tilespmem:s23+$0x17000] =	vst v8;
	v5 =	vadd.f32 v6, v7  }
0x14d: {  	v6 =	vld [tilespmem:s9+$0xD000];
	_ =	sdelay $0x1  }
0x14e: {  	[tilespmem:s23+$0x18000] =	vst v4;
	v2 =	vadd.f32 v2, v0  }
0x14f: {  	[tilespmem:s23+$0x19000] =	vst v5;
	v1 =	vadd.f32 v1, v0  }
0x150: {  	v3 =	vadd.f32 v3, v0;
	[tilespmem:s9+$0x1A000] =	vst v2  }
0x151: {  	[tilespmem:s9+$0x17000] =	vst v1;
	v0 =	vadd.f32 v6, v0  }
0x152: {  	[tilespmem:s9+$0x18000] =	vst v3  }
0x153: {  	[tilespmem:s9+$0x19000] =	vst v0  }
0x154: {  	v5 =	vld [tilespmem:s2+$0x2080]  }
0x155: {  	v1 =	vld [tilespmem:s2+$0xE080]  }
0x156: {  	v2 =	vld [tilespmem:s2+$0xB080]  }
0x157: {  	v4 =	vld [tilespmem:s2+$0xC080]  }
0x158: {  	v6 =	vld [tilespmem:s2+$0xD080];
	_ =	sdelay $0x1  }
0x159: {  	v0 =	vld [tilespmem:s0+$0x2080];
	v7 =	vadd.f32 v1, v5  }
0x15a: {  	v3 =	vld [tilespmem:s0+$0xE080];
	v8 =	vadd.f32 v2, v5  }
0x15b: {  	v1 =	vld [tilespmem:s0+$0xB080];
	v4 =	vadd.f32 v4, v5;
	[tilespmem:s2+$0x1A080] =	vst v7  }
0x15c: {  	s21 =	simm.s32 $0x80;
	s9 =	simm.s32 $0x20;
	v5 =	vadd.f32 v6, v5;
	v2 =	vld [tilespmem:s0+$0xC080];
	[tilespmem:s2+$0x17080] =	vst v8  }
.LBB2_37:
0x15d: {  	s8 =	sand.u32 $0x70, s9;
	s22 =	sand.u32 $0xE00, s21;
	v6 =	vld [tilespmem:s0+$0xD080];
	[tilespmem:s2+$0x18080] =	vst v4;
	p0 =	sne.s32 s9, $0x3F0  }
.Ltmp17:
0x15e: {  	s9 =	sadd.s32 $0x10, s9;
	s8 =	sor.u32 s8, s22;
	[tilespmem:s2+$0x19080] =	vst v5;
	(pc) =	sbr.rel @p0 .LBB2_37-.Ltmp17, $4  }
0x15f: {  	v7 =	vmov v0;
	s2 =	smov.u32 s0;
	v5 =	vadd.f32 v3, v0;
	v0 =	vld [tilespmem:s8+$0x2080];
	s0 =	smov.u32 s8  }
0x160: {  	v3 =	vld [tilespmem:s0+$0xE080];
	v8 =	vadd.f32 v1, v7  }
0x161: {  	v1 =	vld [tilespmem:s0+$0xB080];
	v4 =	vadd.f32 v2, v7;
	[tilespmem:s2+$0x1A080] =	vst v5  }
0x162: {  	s21 =	sadd.s32 $0x40, s21;
	v2 =	vld [tilespmem:s0+$0xC080];
	[tilespmem:s2+$0x17080] =	vst v8;
	v5 =	vadd.f32 v6, v7  }
0x163: {  	v6 =	vld [tilespmem:s0+$0xD080];
	_ =	sdelay $0x1  }
0x164: {  	[tilespmem:s2+$0x18080] =	vst v4;
	v3 =	vadd.f32 v3, v0  }
0x165: {  	[tilespmem:s2+$0x19080] =	vst v5;
	v1 =	vadd.f32 v1, v0  }
0x166: {  	v2 =	vadd.f32 v2, v0;
	[tilespmem:s0+$0x1A080] =	vst v3  }
0x167: {  	s31 =	simm.s32 $0x0;
	[tilespmem:s0+$0x17080] =	vst v1;
	v0 =	vadd.f32 v6, v0  }
0x168: {  	p2 =	por $0x1, $0x1;
	s8 =	sand.u32 $0x70, s31;
	s2 =	sand.u32 $0xE00, s31;
	[tilespmem:s0+$0x18080] =	vst v2  }
.Ltmp18:
0x169: {  	[tilespmem:s0+$0x19080] =	vst v0;
	s0 =	sor.u32 s8, s2;
	(pc) =	sbr.rel @!p2 .LBB2_39-.Ltmp18, $4  }
0x16a: {  	v4 =	vld [tilespmem:s0+$0x2100]  }
0x16b: {  	v1 =	vld [tilespmem:s0+$0xE100]  }
0x16c: {  	v0 =	vld [tilespmem:s0+$0xB100]  }
0x16d: {  	s9 =	simm.s32 $0x40;
	p0 =	por $0x0, $0x0;
	s2 =	simm.s32 $0x10;
	v2 =	vld [tilespmem:s0+$0xC100]  }
0x16e: {  	s8 =	sand.u32 $0x70, s2;
	s21 =	sand.u32 $0xE00, s9;
	v6 =	vld [tilespmem:s0+$0xD100];
	p4 =	por $0x1, $0x1  }
.Ltmp19:
0x16f: {  	s21 =	sor.u32 s8, s21;
	(pc) =	sbr.rel @!p4 .LBB2_41-.Ltmp19, $4  }
0x170: {  	v3 =	vld [tilespmem:s21+$0x2100];
	v7 =	vadd.f32 v1, v4  }
0x171: {  	v1 =	vld [tilespmem:s21+$0xE100];
	v8 =	vadd.f32 v0, v4  }
0x172: {  	s23 =	simm.s32 $0x20;
	v0 =	vld [tilespmem:s21+$0xB100];
	v5 =	vadd.f32 v2, v4;
	[tilespmem:s0+$0x1A100] =	vst v7  }
0x173: {  	s24 =	simm.s32 $0x80;
	p3 =	por $0x1, $0x1;
	s22 =	smov.u32 s0;
	v2 =	vld [tilespmem:s21+$0xC100];
	[tilespmem:s0+$0x17100] =	vst v8;
	v6 =	vadd.f32 v6, v4  }
.LBB2_42:
0x174: {  	s8 =	sand.u32 $0x70, s23;
	s26 =	sand.u32 $0xE00, s24;
	v4 =	vld [tilespmem:s21+$0xD100];
	[tilespmem:s22+$0x18100] =	vst v5;
	p4 =	sne.s32 s23, $0x3F0  }
.Ltmp20:
0x175: {  	s23 =	sadd.s32 $0x10, s23;
	s8 =	sor.u32 s8, s26;
	[tilespmem:s22+$0x19100] =	vst v6;
	(pc) =	sbr.rel @p4 .LBB2_42-.Ltmp20, $4  }
0x176: {  	v7 =	vmov v3;
	s22 =	smov.u32 s21;
	v6 =	vadd.f32 v1, v3;
	v3 =	vld [tilespmem:s8+$0x2100];
	s21 =	smov.u32 s8  }
0x177: {  	v1 =	vld [tilespmem:s21+$0xE100];
	v8 =	vadd.f32 v0, v7  }
0x178: {  	v0 =	vld [tilespmem:s21+$0xB100];
	v5 =	vadd.f32 v2, v7;
	[tilespmem:s22+$0x1A100] =	vst v6  }
0x179: {  	s24 =	sadd.s32 $0x40, s24;
	v2 =	vld [tilespmem:s21+$0xC100];
	[tilespmem:s22+$0x17100] =	vst v8;
	v6 =	vadd.f32 v4, v7  }
0x17a: {  	_ = 	snop  }
0x17b: {  	v4 =	vmov v3  }
.LBB2_44:
0x17c: {  	v3 =	vld [tilespmem:s21+$0xD100];
	_ =	sdelay $0x1  }
0x17d: {  	[tilespmem:s22+$0x18100] =	vst @p3 v5;
	v1 =	vadd.f32 v1, v4  }
0x17e: {  	[tilespmem:s22+$0x19100] =	vst @p3 v6;
	v0 =	vadd.f32 v0, v4  }
0x17f: {  	v2 =	vadd.f32 v2, v4;
	[tilespmem:s21+$0x1A100] =	vst v1  }
0x180: {  	[tilespmem:s21+$0x17100] =	vst v0;
	v0 =	vadd.f32 v3, v4  }
0x181: {  	[tilespmem:s21+$0x18100] =	vst v2  }
.Ltmp21:
0x182: {  	[tilespmem:s21+$0x19100] =	vst v0;
	(pc) =	sbr.rel @!p2 .LBB2_45-.Ltmp21, $4  }
0x183: {  	v4 =	vld [tilespmem:s0+$0x2180]  }
0x184: {  	v2 =	vld [tilespmem:s0+$0xE180]  }
0x185: {  	v0 =	vld [tilespmem:s0+$0xB180]  }
0x186: {  	v1 =	vld [tilespmem:s0+$0xC180]  }
0x187: {  	s2 =	sand.u32 $0x70, s2;
	s8 =	sand.u32 $0xE00, s9;
	v6 =	vld [tilespmem:s0+$0xD180];
	p2 =	por $0x1, $0x1  }
.Ltmp22:
0x188: {  	s2 =	sor.u32 s2, s8;
	(pc) =	sbr.rel @!p2 .LBB2_47-.Ltmp22, $4  }
0x189: {  	v3 =	vld [tilespmem:s2+$0x2180];
	v7 =	vadd.f32 v2, v4  }
0x18a: {  	v2 =	vld [tilespmem:s2+$0xE180];
	v8 =	vadd.f32 v0, v4  }
0x18b: {  	v0 =	vld [tilespmem:s2+$0xB180];
	v5 =	vadd.f32 v1, v4;
	[tilespmem:s0+$0x1A180] =	vst v7  }
0x18c: {  	s9 =	simm.s32 $0x20;
	s21 =	simm.s32 $0x80;
	p0 =	por $0x1, $0x1;
	v1 =	vld [tilespmem:s2+$0xC180];
	[tilespmem:s0+$0x17180] =	vst v8;
	v6 =	vadd.f32 v6, v4  }
.LBB2_48:
0x18d: {  	s8 =	sand.u32 $0x70, s9;
	s22 =	sand.u32 $0xE00, s21;
	v4 =	vld [tilespmem:s2+$0xD180];
	[tilespmem:s0+$0x18180] =	vst v5;
	p2 =	sne.s32 s9, $0x3F0  }
.Ltmp23:
0x18e: {  	s9 =	sadd.s32 $0x10, s9;
	s8 =	sor.u32 s8, s22;
	[tilespmem:s0+$0x19180] =	vst v6;
	(pc) =	sbr.rel @p2 .LBB2_48-.Ltmp23, $4  }
0x18f: {  	v7 =	vmov v3;
	s0 =	smov.u32 s2;
	v6 =	vadd.f32 v2, v3;
	v3 =	vld [tilespmem:s8+$0x2180];
	s2 =	smov.u32 s8  }
0x190: {  	v2 =	vld [tilespmem:s2+$0xE180];
	v8 =	vadd.f32 v0, v7  }
0x191: {  	v0 =	vld [tilespmem:s2+$0xB180];
	v5 =	vadd.f32 v1, v7;
	[tilespmem:s0+$0x1A180] =	vst v6  }
0x192: {  	s21 =	sadd.s32 $0x40, s21;
	v1 =	vld [tilespmem:s2+$0xC180];
	[tilespmem:s0+$0x17180] =	vst v8;
	v6 =	vadd.f32 v4, v7  }
0x193: {  	_ = 	snop  }
0x194: {  	v4 =	vmov v3  }
.LBB2_50:
0x195: {  	v3 =	vld [tilespmem:s2+$0xD180];
	_ =	sdelay $0x1  }
0x196: {  	[tilespmem:s0+$0x18180] =	vst @p0 v5;
	v2 =	vadd.f32 v2, v4  }
0x197: {  	[tilespmem:s0+$0x19180] =	vst @p0 v6;
	v0 =	vadd.f32 v0, v4  }
0x198: {  	v1 =	vadd.f32 v1, v4;
	[tilespmem:s2+$0x1A180] =	vst v2  }
0x199: {  	[tilespmem:s2+$0x17180] =	vst v0;
	v63 =	vadd.f32 v3, v4  }
0x19a: {  	[tilespmem:s2+$0x18180] =	vst v1  }
0x19b: {  	s22 =	sadd.s32 s7, s12;
	s23 =	simm.s32 $0x17000;
	[tilespmem:s2+$0x19180] =	vst v63  }
0x19c: {  	[hbm4b:s22+s29] =	stream.strided.scatter [tilespmem:s23], [sflag:$0x6], $0x1000, s30, s29, $0x38;
	[tilespmem:$0x1B000] =	vst v63  }
0x19d: {  	s26 =	simm.s32 $0x18000;
	s24 =	sadd.s32 $0x100000, s22  }
0x19e: {  	[hbm4b:s24+s29] =	stream.strided.scatter [tilespmem:s26], [sflag:$0x6], $0x1000, s30, s29, $0x38;
	[tilespmem:$0x1B000] =	vst v63  }
.Ltmp24:
0x19f: {  	_ = 	snop;
	(pc) =	sbr.rel @p1 .LBB2_52-.Ltmp24, $4  }
0x1a0: {  	s31 =	simm.s32 $0x19000;
	s28 =	sadd.s32 $0x200000, s22  }
0x1a1: {  	[hbm4b:s28+s29] =	stream.strided.scatter [tilespmem:s31], [sflag:$0x6], $0x1000, s30, s29, $0x38;
	[tilespmem:$0x1B000] =	vst v63  }
0x1a2: {  	s0 =	sadd.s32 $0x300000, s22  }
0x1a3: {  	[hbm4b:s0+s29] =	stream.strided.scatter [tilespmem:s10], [sflag:$0x6], $0x1000, s30, s29, $0x38;
	[tilespmem:$0x1B000] =	vst v63  }
0x1a4: {  	s0 =	sadd.s32 $0x14, s17  }
0x1a5: {  	s2 =	sadd.s32 s6, s0  }
0x1a6: {  	s0 =	sshll.u32 s0, $0x4;
	s2 =	sshll.u32 s2, $0x7  }
0x1a7: {  	s0 =	sand.u32 $0x40, s0;
	s2 =	sand.u32 $0x1FFC00, s2  }
0x1a8: {  	s0 =	sor.u32 s0, s2  }
0x1a9: {  	s7 =	simm.s32 $0x2000;
	s2 =	sadd.s32 s3, s0  }
0x1aa: {  	[tilespmem:s7], [sflag:$0x3] =	stream.strided.gather [hbm4b:s2+s29], $0x1000, s30, s29, $0x38;
	[tilespmem:$0x1B000] =	vst v63  }
0x1ab: {  	s22 =	simm.s32 $0xB000;
	s0 =	sadd.s32 s1, s0  }
0x1ac: {  	[tilespmem:s22], [sflag:$0x3] =	stream.strided.gather [hbm4b:s0+s29], $0x1000, s30, s29, $0x38;
	[tilespmem:$0x1B000] =	vst v63  }
0x1ad: {  	s24 =	simm.s32 $0xC000;
	s23 =	sadd.s32 $0x100000, s0  }
0x1ae: {  	[tilespmem:s24], [sflag:$0x3] =	stream.strided.gather [hbm4b:s23+s29], $0x1000, s30, s29, $0x38;
	[tilespmem:$0x1B000] =	vst v63  }
.Ltmp25:
0x1af: {  	_ = 	snop;
	(pc) =	sbr.rel .LBB2_2-.Ltmp25, $4  }
0x1b0: {  	s28 =	simm.s32 $0xD000;
	s26 =	sadd.s32 $0x200000, s0  }
0x1b1: {  	[tilespmem:s28], [sflag:$0x3] =	stream.strided.gather [hbm4b:s26+s29], $0x1000, s30, s29, $0x38;
	[tilespmem:$0x1B000] =	vst v63  }
0x1b2: {  	s31 =	simm.s32 $0xE000;
	s16 =	sadd.s32 $0x1, s16;
	s0 =	sadd.s32 $0x300000, s0  }
0x1b3: {  	[tilespmem:s31], [sflag:$0x3] =	stream.strided.gather [hbm4b:s0+s29], $0x1000, s30, s29, $0x38;
	[tilespmem:$0x1B000] =	vst v63  }
.LBB2_7:
.Ltmp26:
0x1b4: {  	(pc) =	sbr.rel .LBB2_12-.Ltmp26, $2  }
0x1b5: {  	_ =	sdelay $0x2  }
0x1b6: {  	s21 =	smov.u32 s12;
	p3 =	por $0x0, $0x0  }
.LBB2_13:
.Ltmp27:
0x1b7: {  	(pc) =	sbr.rel .LBB2_18-.Ltmp27, $2  }
0x1b8: {  	_ =	sdelay $0x2  }
0x1b9: {  	s0 =	smov.u32 s12  }
.LBB2_23:
.Ltmp28:
0x1ba: {  	(pc) =	sbr.rel .LBB2_28-.Ltmp28, $2  }
0x1bb: {  	_ =	sdelay $0x2  }
0x1bc: {  	s0 =	smov.u32 s23;
	p4 =	por $0x0, $0x0  }
.LBB2_29:
.Ltmp29:
0x1bd: {  	(pc) =	sbr.rel .LBB2_34-.Ltmp29, $2  }
0x1be: {  	_ =	sdelay $0x2  }
0x1bf: {  	s0 =	smov.u32 s23  }
.LBB2_39:
.Ltmp30:
0x1c0: {  	(pc) =	sbr.rel .LBB2_44-.Ltmp30, $2  }
0x1c1: {  	_ =	sdelay $0x2  }
0x1c2: {  	s21 =	smov.u32 s0;
	p3 =	por $0x0, $0x0  }
.LBB2_45:
.Ltmp31:
0x1c3: {  	(pc) =	sbr.rel .LBB2_50-.Ltmp31, $2  }
0x1c4: {  	_ =	sdelay $0x2  }
0x1c5: {  	s2 =	smov.u32 s0  }
.LBB2_9:
.Ltmp32:
0x1c6: {  	(pc) =	sbr.rel .LBB2_12-.Ltmp32, $2  }
0x1c7: {  	_ =	sdelay $0x2  }
0x1c8: {  	s22 =	smov.u32 s12;
	v4 =	vmov v3  }
.LBB2_15:
.Ltmp33:
0x1c9: {  	(pc) =	sbr.rel .LBB2_18-.Ltmp33, $2  }
0x1ca: {  	_ =	sdelay $0x2  }
0x1cb: {  	v4 =	vmov v3  }
.LBB2_25:
.Ltmp34:
0x1cc: {  	(pc) =	sbr.rel .LBB2_28-.Ltmp34, $2  }
0x1cd: {  	_ =	sdelay $0x2  }
0x1ce: {  	s22 =	smov.u32 s23;
	v4 =	vmov v3  }
.LBB2_31:
.Ltmp35:
0x1cf: {  	(pc) =	sbr.rel .LBB2_34-.Ltmp35, $2  }
0x1d0: {  	_ =	sdelay $0x2  }
0x1d1: {  	v4 =	vmov v3  }
.LBB2_41:
.Ltmp36:
0x1d2: {  	(pc) =	sbr.rel .LBB2_44-.Ltmp36, $2  }
0x1d3: {  	_ =	sdelay $0x2  }
0x1d4: {  	s22 =	smov.u32 s0;
	v4 =	vmov v3  }
.LBB2_47:
.Ltmp37:
0x1d5: {  	(pc) =	sbr.rel .LBB2_50-.Ltmp37, $2  }
0x1d6: {  	_ =	sdelay $0x2  }
0x1d7: {  	v4 =	vmov v3  }
.LBB2_52:
0x1d8: {  	s0 =	simm.s32 $0x4  }
0x1d9: {  	_ =	swait.ge [sflag:s0], $0x4000  }
0x1da: {  	[sflag:s0] =	ssyncset.done $0x0  }
0x1db: {  	s12 =	simm.s32 $0x0;
	s2 =	rddreg [dreg:$0xa];
	[sflag:s0] =	ssyncadd.s32 $0xFFFFC000  }
0x1dc: {  	[tilespmem:s12], [sflag:$0x1] =	stream.strided.gather [hbm4b:s2+s29], $0x1000, s30, s29, $0x38;
	[tilespmem:$0x1B000] =	vst v63  }
0x1dd: {  	s16 =	simm.s32 $0x3000;
	s7 =	rddreg [dreg:$0xb]  }
0x1de: {  	[tilespmem:s16], [sflag:$0x1] =	stream.strided.gather [hbm4b:s7+s29], $0x1000, s30, s29, $0x38;
	[tilespmem:$0x1B000] =	vst v63  }
0x1df: {  	s8 =	simm.s32 $0x4000;
	s17 =	sadd.s32 $0x100000, s7  }
0x1e0: {  	[tilespmem:s8], [sflag:$0x1] =	stream.strided.gather [hbm4b:s17+s29], $0x1000, s30, s29, $0x38;
	[tilespmem:$0x1B000] =	vst v63  }
0x1e1: {  	s22 =	simm.s32 $0x5000;
	s21 =	sadd.s32 $0x200000, s7  }
0x1e2: {  	[tilespmem:s22], [sflag:$0x1] =	stream.strided.gather [hbm4b:s21+s29], $0x1000, s30, s29, $0x38;
	[tilespmem:$0x1B000] =	vst v63  }
0x1e3: {  	s24 =	simm.s32 $0x6000;
	s23 =	sadd.s32 $0x300000, s7  }
0x1e4: {  	[tilespmem:s24], [sflag:$0x1] =	stream.strided.gather [hbm4b:s23+s29], $0x1000, s30, s29, $0x38;
	[tilespmem:$0x1B000] =	vst v63  }
0x1e5: {  	_ =	swait.ge [sflag:s11], $0x1000  }
0x1e6: {  	[sflag:s11] =	ssyncset.done $0x0  }
0x1e7: {  	[sflag:s11] =	ssyncadd.s32 $0xFFFFF000  }
0x1e8: {  	_ =	swait.ge [sflag:s11], $0x4000  }
0x1e9: {  	s26 =	sand.u32 $0x70, s12;
	s0 =	sand.u32 $0xE00, s12;
	[sflag:s11] =	ssyncset.done $0x0  }
0x1ea: {  	s2 =	sor.u32 s26, s0;
	[sflag:s11] =	ssyncadd.s32 $0xFFFFC000  }
0x1eb: {  	v5 =	vld [tilespmem:s2+$0x0]  }
0x1ec: {  	v1 =	vld [tilespmem:s2+$0x6000]  }
0x1ed: {  	v2 =	vld [tilespmem:s2+$0x3000]  }
0x1ee: {  	s28 =	simm.s32 $0x10;
	s31 =	simm.s32 $0x40;
	v4 =	vld [tilespmem:s2+$0x4000]  }
0x1ef: {  	s0 =	sand.u32 $0x70, s28;
	s7 =	sand.u32 $0xE00, s31;
	v6 =	vld [tilespmem:s2+$0x5000]  }
0x1f0: {  	s0 =	sor.u32 s0, s7  }
0x1f1: {  	v0 =	vld [tilespmem:s0+$0x0];
	v7 =	vadd.f32 v1, v5  }
0x1f2: {  	v3 =	vld [tilespmem:s0+$0x6000];
	v8 =	vadd.f32 v2, v5  }
0x1f3: {  	s9 =	simm.s32 $0x20;
	v1 =	vld [tilespmem:s0+$0x3000];
	v4 =	vadd.f32 v4, v5;
	[tilespmem:s2+$0x12000] =	vst v7  }
0x1f4: {  	s12 =	simm.s32 $0x80;
	s16 =	smov.u32 s2;
	s7 =	smov.u32 s0;
	v5 =	vadd.f32 v6, v5;
	v2 =	vld [tilespmem:s0+$0x4000];
	[tilespmem:s2+$0xF000] =	vst v8  }
.LBB2_53:
0x1f5: {  	s8 =	sand.u32 $0x70, s9;
	s17 =	sand.u32 $0xE00, s12;
	v6 =	vld [tilespmem:s7+$0x5000];
	[tilespmem:s16+$0x10000] =	vst v4;
	p0 =	sne.s32 s9, $0x3F0  }
.Ltmp38:
0x1f6: {  	s9 =	sadd.s32 $0x10, s9;
	s8 =	sor.u32 s8, s17;
	[tilespmem:s16+$0x11000] =	vst v5;
	(pc) =	sbr.rel @p0 .LBB2_53-.Ltmp38, $4  }
0x1f7: {  	v7 =	vmov v0;
	s16 =	smov.u32 s7;
	v5 =	vadd.f32 v3, v0;
	v0 =	vld [tilespmem:s8+$0x0];
	s7 =	smov.u32 s8  }
0x1f8: {  	v3 =	vld [tilespmem:s7+$0x6000];
	v8 =	vadd.f32 v1, v7  }
0x1f9: {  	v1 =	vld [tilespmem:s7+$0x3000];
	v4 =	vadd.f32 v2, v7;
	[tilespmem:s16+$0x12000] =	vst v5  }
0x1fa: {  	s12 =	sadd.s32 $0x40, s12;
	v2 =	vld [tilespmem:s7+$0x4000];
	[tilespmem:s16+$0xF000] =	vst v8;
	v5 =	vadd.f32 v6, v7  }
0x1fb: {  	v6 =	vld [tilespmem:s7+$0x5000];
	_ =	sdelay $0x1  }
0x1fc: {  	[tilespmem:s16+$0x10000] =	vst v4;
	v3 =	vadd.f32 v3, v0  }
0x1fd: {  	[tilespmem:s16+$0x11000] =	vst v5;
	v1 =	vadd.f32 v1, v0  }
0x1fe: {  	v2 =	vadd.f32 v2, v0;
	[tilespmem:s7+$0x12000] =	vst v3  }
0x1ff: {  	[tilespmem:s7+$0xF000] =	vst v1;
	v0 =	vadd.f32 v6, v0  }
0x200: {  	[tilespmem:s7+$0x10000] =	vst v2  }
0x201: {  	[tilespmem:s7+$0x11000] =	vst v0  }
0x202: {  	v5 =	vld [tilespmem:s2+$0x80]  }
0x203: {  	v1 =	vld [tilespmem:s2+$0x6080]  }
0x204: {  	v2 =	vld [tilespmem:s2+$0x3080]  }
0x205: {  	v4 =	vld [tilespmem:s2+$0x4080]  }
0x206: {  	v6 =	vld [tilespmem:s2+$0x5080];
	_ =	sdelay $0x1  }
0x207: {  	v0 =	vld [tilespmem:s0+$0x80];
	v7 =	vadd.f32 v1, v5  }
0x208: {  	v3 =	vld [tilespmem:s0+$0x6080];
	v8 =	vadd.f32 v2, v5  }
0x209: {  	v1 =	vld [tilespmem:s0+$0x3080];
	v4 =	vadd.f32 v4, v5;
	[tilespmem:s2+$0x12080] =	vst v7  }
0x20a: {  	s9 =	simm.s32 $0x80;
	s7 =	simm.s32 $0x20;
	v5 =	vadd.f32 v6, v5;
	v2 =	vld [tilespmem:s0+$0x4080];
	[tilespmem:s2+$0xF080] =	vst v8  }
.LBB2_55:
0x20b: {  	s8 =	sand.u32 $0x70, s7;
	s12 =	sand.u32 $0xE00, s9;
	v6 =	vld [tilespmem:s0+$0x5080];
	[tilespmem:s2+$0x10080] =	vst v4;
	p0 =	sne.s32 s7, $0x3F0  }
.Ltmp39:
0x20c: {  	s7 =	sadd.s32 $0x10, s7;
	s8 =	sor.u32 s8, s12;
	[tilespmem:s2+$0x11080] =	vst v5;
	(pc) =	sbr.rel @p0 .LBB2_55-.Ltmp39, $4  }
0x20d: {  	v7 =	vmov v0;
	s2 =	smov.u32 s0;
	v5 =	vadd.f32 v3, v0;
	v0 =	vld [tilespmem:s8+$0x80];
	s0 =	smov.u32 s8  }
0x20e: {  	v3 =	vld [tilespmem:s0+$0x6080];
	v8 =	vadd.f32 v1, v7  }
0x20f: {  	v1 =	vld [tilespmem:s0+$0x3080];
	v4 =	vadd.f32 v2, v7;
	[tilespmem:s2+$0x12080] =	vst v5  }
0x210: {  	s9 =	sadd.s32 $0x40, s9;
	v2 =	vld [tilespmem:s0+$0x4080];
	[tilespmem:s2+$0xF080] =	vst v8;
	v5 =	vadd.f32 v6, v7  }
0x211: {  	v6 =	vld [tilespmem:s0+$0x5080];
	_ =	sdelay $0x1  }
0x212: {  	[tilespmem:s2+$0x10080] =	vst v4;
	v3 =	vadd.f32 v3, v0  }
0x213: {  	[tilespmem:s2+$0x11080] =	vst v5;
	v1 =	vadd.f32 v1, v0  }
0x214: {  	v2 =	vadd.f32 v2, v0;
	[tilespmem:s0+$0x12080] =	vst v3  }
0x215: {  	s31 =	simm.s32 $0x0;
	[tilespmem:s0+$0xF080] =	vst v1;
	v0 =	vadd.f32 v6, v0  }
0x216: {  	p1 =	por $0x1, $0x1;
	s7 =	sand.u32 $0x70, s31;
	s2 =	sand.u32 $0xE00, s31;
	[tilespmem:s0+$0x10080] =	vst v2  }
.Ltmp40:
0x217: {  	[tilespmem:s0+$0x11080] =	vst v0;
	s0 =	sor.u32 s7, s2;
	(pc) =	sbr.rel @!p1 .LBB2_57-.Ltmp40, $4  }
0x218: {  	v4 =	vld [tilespmem:s0+$0x100]  }
0x219: {  	v1 =	vld [tilespmem:s0+$0x6100]  }
0x21a: {  	v0 =	vld [tilespmem:s0+$0x3100]  }
0x21b: {  	p0 =	por $0x0, $0x0;
	s2 =	simm.s32 $0x10;
	s7 =	simm.s32 $0x40;
	v2 =	vld [tilespmem:s0+$0x4100]  }
0x21c: {  	s8 =	sand.u32 $0x70, s2;
	s9 =	sand.u32 $0xE00, s7;
	v6 =	vld [tilespmem:s0+$0x5100];
	p3 =	por $0x1, $0x1  }
.Ltmp41:
0x21d: {  	s9 =	sor.u32 s8, s9;
	(pc) =	sbr.rel @!p3 .LBB2_59-.Ltmp41, $4  }
0x21e: {  	v3 =	vld [tilespmem:s9+$0x100];
	v7 =	vadd.f32 v1, v4  }
0x21f: {  	v1 =	vld [tilespmem:s9+$0x6100];
	v8 =	vadd.f32 v0, v4  }
0x220: {  	s16 =	simm.s32 $0x20;
	v0 =	vld [tilespmem:s9+$0x3100];
	v5 =	vadd.f32 v2, v4;
	[tilespmem:s0+$0x12100] =	vst v7  }
0x221: {  	s17 =	simm.s32 $0x80;
	p2 =	por $0x1, $0x1;
	s12 =	smov.u32 s0;
	v2 =	vld [tilespmem:s9+$0x4100];
	[tilespmem:s0+$0xF100] =	vst v8;
	v6 =	vadd.f32 v6, v4  }
.LBB2_60:
0x222: {  	s8 =	sand.u32 $0x70, s16;
	s21 =	sand.u32 $0xE00, s17;
	v4 =	vld [tilespmem:s9+$0x5100];
	[tilespmem:s12+$0x10100] =	vst v5;
	p3 =	sne.s32 s16, $0x3F0  }
.Ltmp42:
0x223: {  	s16 =	sadd.s32 $0x10, s16;
	s8 =	sor.u32 s8, s21;
	[tilespmem:s12+$0x11100] =	vst v6;
	(pc) =	sbr.rel @p3 .LBB2_60-.Ltmp42, $4  }
0x224: {  	v7 =	vmov v3;
	s12 =	smov.u32 s9;
	v6 =	vadd.f32 v1, v3;
	v3 =	vld [tilespmem:s8+$0x100];
	s9 =	smov.u32 s8  }
0x225: {  	v1 =	vld [tilespmem:s9+$0x6100];
	v8 =	vadd.f32 v0, v7  }
0x226: {  	v0 =	vld [tilespmem:s9+$0x3100];
	v5 =	vadd.f32 v2, v7;
	[tilespmem:s12+$0x12100] =	vst v6  }
0x227: {  	s17 =	sadd.s32 $0x40, s17;
	v2 =	vld [tilespmem:s9+$0x4100];
	[tilespmem:s12+$0xF100] =	vst v8;
	v6 =	vadd.f32 v4, v7  }
0x228: {  	_ = 	snop  }
0x229: {  	v4 =	vmov v3  }
.LBB2_62:
0x22a: {  	v3 =	vld [tilespmem:s9+$0x5100];
	_ =	sdelay $0x1  }
0x22b: {  	[tilespmem:s12+$0x10100] =	vst @p2 v5;
	v1 =	vadd.f32 v1, v4  }
0x22c: {  	[tilespmem:s12+$0x11100] =	vst @p2 v6;
	v0 =	vadd.f32 v0, v4  }
0x22d: {  	v2 =	vadd.f32 v2, v4;
	[tilespmem:s9+$0x12100] =	vst v1  }
0x22e: {  	[tilespmem:s9+$0xF100] =	vst v0;
	v0 =	vadd.f32 v3, v4  }
0x22f: {  	[tilespmem:s9+$0x10100] =	vst v2  }
.Ltmp43:
0x230: {  	[tilespmem:s9+$0x11100] =	vst v0;
	(pc) =	sbr.rel @!p1 .LBB2_63-.Ltmp43, $4  }
0x231: {  	v4 =	vld [tilespmem:s0+$0x180]  }
0x232: {  	v2 =	vld [tilespmem:s0+$0x6180]  }
0x233: {  	v0 =	vld [tilespmem:s0+$0x3180]  }
0x234: {  	v1 =	vld [tilespmem:s0+$0x4180]  }
0x235: {  	s2 =	sand.u32 $0x70, s2;
	s7 =	sand.u32 $0xE00, s7;
	v6 =	vld [tilespmem:s0+$0x5180];
	p1 =	por $0x1, $0x1  }
.Ltmp44:
0x236: {  	s2 =	sor.u32 s2, s7;
	(pc) =	sbr.rel @!p1 .LBB2_65-.Ltmp44, $4  }
0x237: {  	v3 =	vld [tilespmem:s2+$0x180];
	v7 =	vadd.f32 v2, v4  }
0x238: {  	v2 =	vld [tilespmem:s2+$0x6180];
	v8 =	vadd.f32 v0, v4  }
0x239: {  	v0 =	vld [tilespmem:s2+$0x3180];
	v5 =	vadd.f32 v1, v4;
	[tilespmem:s0+$0x12180] =	vst v7  }
0x23a: {  	s9 =	simm.s32 $0x80;
	p0 =	por $0x1, $0x1;
	s7 =	simm.s32 $0x20;
	v1 =	vld [tilespmem:s2+$0x4180];
	[tilespmem:s0+$0xF180] =	vst v8;
	v6 =	vadd.f32 v6, v4  }
.LBB2_66:
0x23b: {  	s8 =	sand.u32 $0x70, s7;
	s12 =	sand.u32 $0xE00, s9;
	v4 =	vld [tilespmem:s2+$0x5180];
	[tilespmem:s0+$0x10180] =	vst v5;
	p1 =	sne.s32 s7, $0x3F0  }
.Ltmp45:
0x23c: {  	s7 =	sadd.s32 $0x10, s7;
	s8 =	sor.u32 s8, s12;
	[tilespmem:s0+$0x11180] =	vst v6;
	(pc) =	sbr.rel @p1 .LBB2_66-.Ltmp45, $4  }
0x23d: {  	v7 =	vmov v3;
	s0 =	smov.u32 s2;
	v6 =	vadd.f32 v2, v3;
	v3 =	vld [tilespmem:s8+$0x180];
	s2 =	smov.u32 s8  }
0x23e: {  	v2 =	vld [tilespmem:s2+$0x6180];
	v8 =	vadd.f32 v0, v7  }
0x23f: {  	v0 =	vld [tilespmem:s2+$0x3180];
	v5 =	vadd.f32 v1, v7;
	[tilespmem:s0+$0x12180] =	vst v6  }
0x240: {  	s9 =	sadd.s32 $0x40, s9;
	v1 =	vld [tilespmem:s2+$0x4180];
	[tilespmem:s0+$0xF180] =	vst v8;
	v6 =	vadd.f32 v4, v7  }
0x241: {  	_ = 	snop  }
0x242: {  	s7 =	rddreg [dreg:$0x17];
	v4 =	vmov v3  }
.LBB2_68:
0x243: {  	v3 =	vld [tilespmem:s2+$0x5180];
	_ =	sdelay $0x1  }
0x244: {  	[tilespmem:s0+$0x10180] =	vst @p0 v5;
	v2 =	vadd.f32 v2, v4  }
0x245: {  	[tilespmem:s0+$0x11180] =	vst @p0 v6;
	v0 =	vadd.f32 v0, v4  }
0x246: {  	v1 =	vadd.f32 v1, v4;
	[tilespmem:s2+$0x12180] =	vst v2  }
0x247: {  	[tilespmem:s2+$0xF180] =	vst v0;
	v63 =	vadd.f32 v3, v4  }
0x248: {  	[tilespmem:s2+$0x10180] =	vst v1  }
0x249: {  	s17 =	rddreg [dreg:$0xc];
	[tilespmem:s2+$0x11180] =	vst v63  }
0x24a: {  	[hbm4b:s17+s29] =	stream.strided.scatter [tilespmem:s5], [sflag:$0x4], $0x1000, s30, s29, $0x38;
	[tilespmem:$0x1B000] =	vst v63  }
0x24b: {  	s21 =	sadd.s32 $0x100000, s17  }
0x24c: {  	[hbm4b:s21+s29] =	stream.strided.scatter [tilespmem:s15], [sflag:$0x4], $0x1000, s30, s29, $0x38;
	[tilespmem:$0x1B000] =	vst v63  }
0x24d: {  	s22 =	sadd.s32 $0x200000, s17  }
0x24e: {  	[hbm4b:s22+s29] =	stream.strided.scatter [tilespmem:s18], [sflag:$0x4], $0x1000, s30, s29, $0x38;
	[tilespmem:$0x1B000] =	vst v63  }
0x24f: {  	s24 =	simm.s32 $0x4;
	s23 =	sadd.s32 $0x300000, s17  }
0x250: {  	[hbm4b:s23+s29] =	stream.strided.scatter [tilespmem:s19], [sflag:$0x4], $0x1000, s30, s29, $0x38;
	[tilespmem:$0x1B000] =	vst v63  }
0x251: {  	_ =	swait.ge [sflag:s24], $0x4000  }
0x252: {  	[sflag:s24] =	ssyncset.done $0x0  }
0x253: {  	s26 =	simm.s32 $0x5;
	[sflag:s24] =	ssyncadd.s32 $0xFFFFC000  }
0x254: {  	_ =	swait.ge [sflag:s26], $0x4000  }
0x255: {  	[sflag:s26] =	ssyncset.done $0x0  }
0x256: {  	s28 =	simm.s32 $0x6;
	[sflag:s26] =	ssyncadd.s32 $0xFFFFC000  }
0x257: {  	_ =	swait.ge [sflag:s28], $0x4000  }
0x258: {  	s7 =	sadd.s32 $0x1, s7;
	s31 =	rddreg [dreg:$0xd]  }
0x259: {  	p0 =	sne.s32 s7, s31  }
.Ltmp46:
0x25a: {  	_ = 	snop;
	(pc) =	sbr.rel @p0 .LBB2_1-.Ltmp46, $4  }
.Ltmp47:
0x25b: {  	_ = 	snop;
	(pc) =	sbr.rel @!p0 .LBB2_69-.Ltmp47, $4  }
0x25c: {  	_ = 	snop  }
0x25d: {  	[sflag:s28] =	ssyncset.done $0x0  }
0x25e: {  	[sflag:s28] =	ssyncadd.s32 $0xFFFFC000  }
0x25f: {  	_ = 	snop  }
.LBB2_57:
.Ltmp48:
0x260: {  	(pc) =	sbr.rel .LBB2_62-.Ltmp48, $2  }
0x261: {  	_ =	sdelay $0x2  }
0x262: {  	s9 =	smov.u32 s0;
	p2 =	por $0x0, $0x0  }
.LBB2_63:
.Ltmp49:
0x263: {  	(pc) =	sbr.rel .LBB2_68-.Ltmp49, $2  }
0x264: {  	_ =	sdelay $0x2  }
0x265: {  	s2 =	smov.u32 s0;
	s7 =	rddreg [dreg:$0x17]  }
.LBB2_59:
.Ltmp50:
0x266: {  	(pc) =	sbr.rel .LBB2_62-.Ltmp50, $2  }
0x267: {  	_ =	sdelay $0x2  }
0x268: {  	s12 =	smov.u32 s0;
	v4 =	vmov v3  }
.LBB2_65:
.Ltmp51:
0x269: {  	(pc) =	sbr.rel .LBB2_68-.Ltmp51, $2  }
0x26a: {  	_ =	sdelay $0x2  }
0x26b: {  	s7 =	rddreg [dreg:$0x17];
	v4 =	vmov v3  }
.LBB2_69:
0x26c: {  	_ =	sfence.sel $0x180000  }
0x26d: {  	[bflag:$0x0] =	sbarrier.arrive $0xFFFF  }
0x26e: {  	_ =	strace $0x90000047  }
0x26f: {  	s0 =	stileid.u32;
	[bflag:$0x2] =	sbarrier.arrive $0xFFFF  }
0x270: {  	p0 =	sne.s32 s0, $0x0;
	s0 =	rddreg [dreg:$0x3]  }
0x271: {  	s0 =	sadd.s32 @!p0 $0x100000, s0  }
0x272: {  	[sflag:s0] =	ssyncadd.tile.s32 @!p0 $0x1;
	_ =	shalt  }
.Lfunc_end2:
_tile_overlayer_lowered:
.L_overlay_start_2:
0x273: {  	(tag) =	ssettag $0x2  }
0x274: {  	s0 =	rddreg [dreg:$0x0];
	s2 =	stileid.u32  }
0x275: {  	s1 =	rddreg [dreg:$0x1];
	p0 =	sne.s32 s2, $0x0  }
0x276: {  	s3 =	rddreg [dreg:$0x2];
	[bflag:$0x3] =	sbarrier.arrive $0xFFFF;
	s2 =	simm.s32 @!p0 $0x1C07  }
0x277: {  	[timem:s3], [sflag:s2] =	dma.local @!p0 [hbm:s0], s1  }
0x278: {  	s0 =	simm.s32 @!p0 $0x7  }
0x279: {  	_ =	swait.ge @!p0 [sflag:s0], s1  }
0x27a: {  	s1 =	ssub.s32 @!p0 $0x0, s1;
	[sflag:s0] =	ssyncset.done @!p0 $0x0  }
0x27b: {  	[sflag:s0] =	ssyncadd.s32 @!p0 s1  }
0x27c: {  	[bflag:$0x3] =	sbarrier.arrive $0xFFFF  }
0x27d: {  	_ =	shalt  }

</sc_bundles>
